<compile_context>
chip_gen: v7x
topology: tpu7x:2x2x1
jax: 0.10.2.dev20260603
libtpu: 0.0.44.dev20260713+nightly
codegen_flags: <defaults>
</compile_context>

<pallas_src>
import jax
import jax.numpy as jnp
from jax import lax
from jax.experimental import pallas as pl
from jax.experimental.pallas import tpu as pltpu
from jax.experimental.pallas import tpu_sc as plsc

B = 16
S = 4096
D = 1024
LANES = 16
RSC = 1792
CH = RSC // 2
N_CH = (RSC // 2) // CH
STEPS = (CH // 2) // LANES
RB = 256
N_STREAMS = (S - RSC) // RB


def _sc_count_body(sent_hbm, cnt_hbm, chunk_v, acc_v, partner_v,
                   cnt_sh, slab_sh):
    c = lax.axis_index("c")
    s = lax.axis_index("s")
    b = c * 8 + s // 2
    h = s % 2

    lane = lax.iota(jnp.int32, LANES)
    zeros = jnp.zeros((LANES,), jnp.int32)
    ones = jnp.ones((LANES,), jnp.int32)

    acc = jnp.zeros((LANES,), jnp.int32)
    for k in range(N_CH):
        row0 = h * (RSC // 2) + k * CH
        pltpu.sync_copy(sent_hbm.at[b, pl.ds(row0, CH), pl.ds(0, 128)],
                        chunk_v)

        def step(i, a):
            rows = 2 * (i * LANES + lane) + 1
            vals = plsc.load_gather(chunk_v, [rows, zeros])
            return a + jnp.where(vals != 0.0, ones, zeros)

        acc = lax.fori_loop(0, STEPS, step, acc)

    acc_v[...] = acc
    pltpu.sync_copy(acc_v, cnt_sh.at[s])
    plsc.subcore_barrier()
    pltpu.sync_copy(cnt_sh.at[s ^ 1], partner_v)
    count_sc = jnp.sum(acc_v[...] + partner_v[...])

    acc_v[...] = jnp.where(lane == 0, count_sc, 0)

    @pl.when(h == 0)
    def _():
        pltpu.sync_copy(acc_v, slab_sh.at[s // 2, 0, pl.ds(0, LANES)])

    plsc.subcore_barrier()
    out0 = pl.multiple_of(c * 8, 8)

    @pl.when(s == 0)
    def _():
        pltpu.sync_copy(slab_sh, cnt_hbm.at[pl.ds(out0, 8)])


def _tc_count_body(*refs):
    (*x_refs, cnt_ref) = refs
    rows = lax.broadcasted_iota(jnp.int32, (RB, 128), 0)
    odd = rows % 2 == 1
    for g in range(2):
        nz = jnp.zeros((RB, 128), jnp.int32)
        for x_ref in x_refs:
            nz += jnp.where((x_ref[g] != 0.0) & odd, 1, 0)
        cnt_ref[g, 0] = jnp.sum(nz, axis=0)


def _row_of_total(sc_ref, tc_ref, b, h):
    r = sc_ref[b, 0, 0] + tc_ref[b, 0, 0] - 2 + h
    return jnp.where(r < 0, r + S, r)


def _mk_gather_map(b, h):
    def gmap(i, sc_ref, tc_ref):
        return (b, _row_of_total(sc_ref, tc_ref, b, h) // 8, 0)
    return gmap


def _tc_gather_body(sc_ref, tc_ref, *refs):
    (*x_refs, o0_ref, o1_ref) = refs
    sub = lax.broadcasted_iota(jnp.int32, (8, D), 0)
    for b in range(B):
        for h, o_ref in ((0, o0_ref), (1, o1_ref)):
            q = _row_of_total(sc_ref, tc_ref, b, h) % 8
            x = x_refs[2 * b + h][0]
            o_ref[b] = jnp.sum(jnp.where(sub == q, x, 0.0), axis=0)


@jax.jit
def kernel(sent_emb, entity_emb):
    del entity_emb

    sc_counts = pl.kernel(
        _sc_count_body,
        out_type=jax.ShapeDtypeStruct((B, 8, 128), jnp.int32),
        mesh=plsc.VectorSubcoreMesh(core_axis_name="c", subcore_axis_name="s"),
        scratch_types=[
            pltpu.VMEM((CH, 128), jnp.float32),
            pltpu.VMEM((LANES,), jnp.int32),
            pltpu.VMEM((LANES,), jnp.int32),
            pltpu.VMEM_SHARED((B, LANES), jnp.int32),
            pltpu.VMEM_SHARED((8, 8, 128), jnp.int32),
        ],
        compiler_params=pltpu.CompilerParams(needs_layout_passes=False),
    )(sent_emb)

    tc_counts = pl.pallas_call(
        _tc_count_body,
        grid=(B // 2,),
        in_specs=[
            pl.BlockSpec((2, RB, 128), lambda g, j=j: (g, RSC // RB + j, 0))
            for j in range(N_STREAMS)
        ],
        out_specs=pl.BlockSpec((2, 1, 128), lambda g: (g, 0, 0)),
        out_shape=jax.ShapeDtypeStruct((B, 1, 128), jnp.int32),
    )(*([sent_emb] * N_STREAMS))

    out2 = jax.ShapeDtypeStruct((B, D), jnp.float32)
    sent_a_hat_n, sent_a_n = pl.pallas_call(
        _tc_gather_body,
        grid_spec=pltpu.PrefetchScalarGridSpec(
            num_scalar_prefetch=2,
            grid=(1,),
            in_specs=[
                pl.BlockSpec((1, 8, D), _mk_gather_map(b, h))
                for b in range(B) for h in range(2)
            ],
            out_specs=[
                pl.BlockSpec((B, D), lambda i, sc, tc: (0, 0)),
                pl.BlockSpec((B, D), lambda i, sc, tc: (0, 0)),
            ],
        ),
        out_shape=(out2, out2),
    )(sc_counts, tc_counts, *([sent_emb] * (2 * B)))

    return sent_a_hat_n, sent_a_n, jnp.asarray(0.0, dtype=jnp.float32)

# --- scband reference (transcript-rebuilt; emitter-appended) ---
"""Pipeline reference for scband-flow-remove-57947698757770 (READ-ONLY COPY).

The authoritative reference and input builder live on the scoring server;
editing this copy changes nothing except your own understanding.
"""

import jax, jax.numpy as jnp
import numpy as np


def setup_inputs(seed: int = 0) -> dict:
    key = jax.random.key(seed)
    k1, k2 = jax.random.split(key)
    sent_emb = jax.random.normal(k1, (16, 4096, 1024), dtype=jnp.float32)
    entity_emb = jax.random.normal(k2, (16, 4096, 1024), dtype=jnp.float32)
    return {"sent_emb": sent_emb, "entity_emb": entity_emb}


def reference(sent_emb, entity_emb):
    # sent_mask = sent_emb[:, 1::2, 0].ne(0)
    sent_mask = sent_emb[:, 1::2, 0] != 0
    # number of 'valid' sentence slots per batch element
    counts = jnp.sum(sent_mask.astype(jnp.int32), axis=-1)
    B = sent_emb.shape[0]
    batch_ids = jnp.arange(B)
    # gather second-to-last and last sentence embeddings
    sent_a_hat_n = sent_emb[batch_ids, counts - 2]
    sent_a_n = sent_emb[batch_ids, counts - 1]
    flow_loss = jnp.asarray(0.0, dtype=jnp.float32)
    return (sent_a_hat_n, sent_a_n, flow_loss)

if __name__ == "__main__":
    import jax
    _d = setup_inputs()
    print(jax.jit(kernel)(*tuple(_d.values())))

</pallas_src>

<mosaic_0001>
#map = affine_map<(d0, d1) -> (0, 0, 0)>
module attributes {stable_mosaic.version = 14 : i64} {
  func.func @_sc_count_body(%arg0: i32, %arg1: i32, %arg2: memref<16x4096x1024xf32, #tpu.memory_space<hbm>>, %arg3: memref<16x8x128xi32, #tpu.memory_space<hbm>>, %arg4: memref<896x128xf32, #tpu.memory_space<vmem>>, %arg5: memref<16xi32, #tpu.memory_space<vmem>>, %arg6: memref<16xi32, #tpu.memory_space<vmem>>, %arg7: memref<16x16xi32, #tpu.memory_space<vmem_shared>>, %arg8: memref<8x8x128xi32, #tpu.memory_space<vmem_shared>>) attributes {dimension_semantics = [#tpu.dimension_semantics<core_parallel>, #tpu.dimension_semantics<subcore_parallel>], iteration_bounds = array<i64: 2, 16>, scalar_prefetch = 0 : i64, scratch_operands = 5 : i64, tpu.core_type = #tpu.core_type<sc_vector_subcore>, window_params = [{transform_indices = #map}, {transform_indices = #map}]} {
    %mul3A = arith.constant 8 : i32
    %mul3A_0 = arith.muli %arg0, %mul3A : i32
    %jit3A = arith.constant 2 : i32
    %div3A = arith.divsi %arg1, %jit3A : i32
    %sign3A = arith.constant 0 : i32
    %sign3A_1 = arith.cmpi sgt, %arg1, %sign3A : i32
    %sign3A_2 = arith.extui %sign3A_1 : i1 to i32
    %sign3A_3 = arith.constant 0 : i32
    %sign3A_4 = arith.cmpi slt, %arg1, %sign3A_3 : i32
    %sign3A_5 = arith.extui %sign3A_4 : i1 to i32
    %sign3A_6 = arith.subi %sign3A_2, %sign3A_5 : i32
    %sign3A_7 = arith.constant 0 : i32
    %sign3A_8 = arith.cmpi sgt, %jit3A, %sign3A_7 : i32
    %sign3A_9 = arith.extui %sign3A_8 : i1 to i32
    %sign3A_10 = arith.constant 0 : i32
    %sign3A_11 = arith.cmpi slt, %jit3A, %sign3A_10 : i32
    %sign3A_12 = arith.extui %sign3A_11 : i1 to i32
    %sign3A_13 = arith.subi %sign3A_9, %sign3A_12 : i32
    %ne3A = arith.cmpi ne, %sign3A_6, %sign3A_13 : i32
    %rem3A = arith.remsi %arg1, %jit3A : i32
    %ne3A_14 = arith.constant 0 : i32
    %ne3A_15 = arith.cmpi ne, %rem3A, %ne3A_14 : i32
    %and3A = arith.andi %ne3A, %ne3A_15 : i1
    %sub3A = arith.constant 1 : i32
    %sub3A_16 = arith.subi %div3A, %sub3A : i32
    %select_n3A = arith.select %and3A, %sub3A_16, %div3A : i32
    %add3A = arith.addi %mul3A_0, %select_n3A : i32
    %jit3A_17 = arith.constant 2 : i32
    %eq3A = arith.constant 0 : i32
    %eq3A_18 = arith.cmpi eq, %jit3A_17, %eq3A : i32
    %jit3A_19 = arith.constant 1 : i32
    %select_n3A_20 = arith.select %eq3A_18, %jit3A_19, %jit3A_17 : i32
    %rem3A_21 = arith.remsi %arg1, %select_n3A_20 : i32
    %ne3A_22 = arith.constant 0 : i32
    %ne3A_23 = arith.cmpi ne, %rem3A_21, %ne3A_22 : i32
    %lt3A = arith.constant 0 : i32
    %lt3A_24 = arith.cmpi slt, %rem3A_21, %lt3A : i32
    %lt3A_25 = arith.constant 0 : i32
    %lt3A_26 = arith.cmpi slt, %select_n3A_20, %lt3A_25 : i32
    %ne3A_27 = arith.xori %lt3A_24, %lt3A_26 : i1
    %and3A_28 = arith.andi %ne3A_27, %ne3A_23 : i1
    %add3A_29 = arith.addi %rem3A_21, %select_n3A_20 : i32
    %select_n3A_30 = arith.select %and3A_28, %add3A_29, %rem3A_21 : i32
    %iota3A = tpu.iota {dimensions = array<i32: 0>} : vector<16xi32>
    %broadcast_in_dim3A = arith.constant 0 : i32
    %broadcast_in_dim3A_31 = vector.broadcast %broadcast_in_dim3A : i32 to vector<16xi32>
    %broadcast_in_dim3A_32 = arith.constant 1 : i32
    %broadcast_in_dim3A_33 = vector.broadcast %broadcast_in_dim3A_32 : i32 to vector<16xi32>
    %broadcast_in_dim3A_34 = arith.constant 0 : i32
    %broadcast_in_dim3A_35 = vector.broadcast %broadcast_in_dim3A_34 : i32 to vector<16xi32>
    %mul3A_36 = arith.constant 896 : i32
    %mul3A_37 = arith.muli %select_n3A_30, %mul3A_36 : i32
    %add3A_38 = arith.constant 0 : i32
    %add3A_39 = arith.addi %mul3A_37, %add3A_38 : i32
    "tpu.region"() ({
      %run_scoped3A = tpu.sem_alloc : memref<!tpu.dma_semaphore, #tpu.memory_space<semaphore_mem>>
      %dma_start3A = arith.constant 0 : i32
      %dma_start3A_74 = tpu.memref_slice %arg2[%add3A, %add3A_39, %dma_start3A] : memref<16x4096x1024xf32, #tpu.memory_space<hbm>> -> memref<1x896x128xf32, #tpu.memory_space<hbm>>
      %dma_start3A_75 = tpu.memref_squeeze %dma_start3A_74 : memref<1x896x128xf32, #tpu.memory_space<hbm>> -> memref<896x128xf32, #tpu.memory_space<hbm>>
      %dma_start3A_76 = arith.constant 0 : i32
      %dma_start3A_77 = tpu.memref_slice %arg2[%add3A, %add3A_39, %dma_start3A_76] : memref<16x4096x1024xf32, #tpu.memory_space<hbm>> -> memref<1x896x128xf32, #tpu.memory_space<hbm>>
      %dma_start3A_78 = tpu.memref_squeeze %dma_start3A_77 : memref<1x896x128xf32, #tpu.memory_space<hbm>> -> memref<896x128xf32, #tpu.memory_space<hbm>>
      tpu.enqueue_dma source(%dma_start3A_78 : memref<896x128xf32, #tpu.memory_space<hbm>>) target(%arg4 : memref<896x128xf32, #tpu.memory_space<vmem>>) target_semaphore(%run_scoped3A : memref<!tpu.dma_semaphore, #tpu.memory_space<semaphore_mem>>)
      %dma_wait3A = arith.constant 0 : i32
      %dma_wait3A_79 = tpu.memref_slice %arg2[%add3A, %add3A_39, %dma_wait3A] : memref<16x4096x1024xf32, #tpu.memory_space<hbm>> -> memref<1x896x128xf32, #tpu.memory_space<hbm>>
      %dma_wait3A_80 = tpu.memref_squeeze %dma_wait3A_79 : memref<1x896x128xf32, #tpu.memory_space<hbm>> -> memref<896x128xf32, #tpu.memory_space<hbm>>
      %dma_wait3A_81 = arith.constant 0 : i32
      %dma_wait3A_82 = tpu.memref_slice %arg2[%add3A, %add3A_39, %dma_wait3A_81] : memref<16x4096x1024xf32, #tpu.memory_space<hbm>> -> memref<1x896x128xf32, #tpu.memory_space<hbm>>
      %dma_wait3A_83 = tpu.memref_squeeze %dma_wait3A_82 : memref<1x896x128xf32, #tpu.memory_space<hbm>> -> memref<896x128xf32, #tpu.memory_space<hbm>>
      tpu.wait_dma2 semaphore(%run_scoped3A : memref<!tpu.dma_semaphore, #tpu.memory_space<semaphore_mem>>) src(%dma_wait3A_83 : memref<896x128xf32, #tpu.memory_space<hbm>>) dst(%arg4 : memref<896x128xf32, #tpu.memory_space<vmem>>)
      tpu.yield
    }) : () -> ()
    %scan3A = arith.constant 0 : i32
    %scan3A_40 = arith.constant 28 : i32
    %scan3A_41 = arith.addi %scan3A, %scan3A_40 : i32
    %scan3A_42 = arith.constant 1 : i32
    %scan3A_43 = scf.for %scan3A_74 = %scan3A to %scan3A_41 step %scan3A_42 iter_args(%scan3A_75 = %broadcast_in_dim3A_35) -> (vector<16xi32>)  : i32 {
      %mul3A_76 = arith.constant 16 : i32
      %mul3A_77 = arith.muli %scan3A_74, %mul3A_76 : i32
      %add3A_78 = vector.broadcast %mul3A_77 : i32 to vector<16xi32>
      %add3A_79 = arith.addi %add3A_78, %iota3A : vector<16xi32>
      %mul3A_80 = arith.constant 2 : i32
      %mul3A_81 = vector.broadcast %mul3A_80 : i32 to vector<16xi32>
      %mul3A_82 = arith.muli %mul3A_81, %add3A_79 : vector<16xi32>
      %add3A_83 = arith.constant 1 : i32
      %add3A_84 = vector.broadcast %add3A_83 : i32 to vector<16xi32>
      %add3A_85 = arith.addi %mul3A_82, %add3A_84 : vector<16xi32>
      %gather3A = tpu.vector_load_idx %arg4[%add3A_85, %broadcast_in_dim3A_31] : memref<896x128xf32, #tpu.memory_space<vmem>>[vector<16xi32>, vector<16xi32>], vector<16xf32>,
      %ne3A_86 = arith.constant 0.000000e+00 : f32
      %ne3A_87 = vector.broadcast %ne3A_86 : f32 to vector<16xf32>
      %ne3A_88 = arith.cmpf one, %gather3A, %ne3A_87 : vector<16xf32>
      %select_n3A_89 = arith.select %ne3A_88, %broadcast_in_dim3A_33, %broadcast_in_dim3A_31 : vector<16xi1>, vector<16xi32>
      %add3A_90 = arith.addi %scan3A_75, %select_n3A_89 : vector<16xi32>
      scf.yield %add3A_90 : vector<16xi32>
    }
    %scan3A_44 = arith.constant 28 : i32
    %swap3A = arith.constant 0 : index
    %swap3A_45 = tpu.vector_load %arg5[%swap3A] {strides = array<i32>} : memref<16xi32, #tpu.memory_space<vmem>>, vector<16xi32>,
    tpu.vector_store %arg5[%swap3A], %scan3A_43 {strides = array<i32>} : memref<16xi32, #tpu.memory_space<vmem>>, vector<16xi32>,
    "tpu.region"() ({
      %run_scoped3A = tpu.sem_alloc : memref<!tpu.dma_semaphore, #tpu.memory_space<semaphore_mem>>
      %dma_start3A = arith.constant 0 : i32
      %dma_start3A_74 = tpu.memref_slice %arg7[%arg1, %dma_start3A] : memref<16x16xi32, #tpu.memory_space<vmem_shared>> -> memref<1x16xi32, #tpu.memory_space<vmem_shared>>
      %dma_start3A_75 = tpu.memref_squeeze %dma_start3A_74 : memref<1x16xi32, #tpu.memory_space<vmem_shared>> -> memref<16xi32, #tpu.memory_space<vmem_shared>>
      %dma_start3A_76 = arith.constant 0 : i32
      %dma_start3A_77 = tpu.memref_slice %arg7[%arg1, %dma_start3A_76] : memref<16x16xi32, #tpu.memory_space<vmem_shared>> -> memref<1x16xi32, #tpu.memory_space<vmem_shared>>
      %dma_start3A_78 = tpu.memref_squeeze %dma_start3A_77 : memref<1x16xi32, #tpu.memory_space<vmem_shared>> -> memref<16xi32, #tpu.memory_space<vmem_shared>>
      tpu.enqueue_dma source(%arg5 : memref<16xi32, #tpu.memory_space<vmem>>) target(%dma_start3A_78 : memref<16xi32, #tpu.memory_space<vmem_shared>>) target_semaphore(%run_scoped3A : memref<!tpu.dma_semaphore, #tpu.memory_space<semaphore_mem>>)
      %dma_wait3A = arith.constant 0 : i32
      %dma_wait3A_79 = tpu.memref_slice %arg7[%arg1, %dma_wait3A] : memref<16x16xi32, #tpu.memory_space<vmem_shared>> -> memref<1x16xi32, #tpu.memory_space<vmem_shared>>
      %dma_wait3A_80 = tpu.memref_squeeze %dma_wait3A_79 : memref<1x16xi32, #tpu.memory_space<vmem_shared>> -> memref<16xi32, #tpu.memory_space<vmem_shared>>
      %dma_wait3A_81 = arith.constant 0 : i32
      %dma_wait3A_82 = tpu.memref_slice %arg7[%arg1, %dma_wait3A_81] : memref<16x16xi32, #tpu.memory_space<vmem_shared>> -> memref<1x16xi32, #tpu.memory_space<vmem_shared>>
      %dma_wait3A_83 = tpu.memref_squeeze %dma_wait3A_82 : memref<1x16xi32, #tpu.memory_space<vmem_shared>> -> memref<16xi32, #tpu.memory_space<vmem_shared>>
      tpu.wait_dma2 semaphore(%run_scoped3A : memref<!tpu.dma_semaphore, #tpu.memory_space<semaphore_mem>>) src(%arg5 : memref<16xi32, #tpu.memory_space<vmem>>) dst(%dma_wait3A_83 : memref<16xi32, #tpu.memory_space<vmem_shared>>)
      tpu.yield
    }) : () -> ()
    %barrier3A = arith.constant 0 : index
    tpu.barrier barrier_id(%barrier3A)
    %xor3A = arith.constant 1 : i32
    %xor3A_46 = arith.xori %arg1, %xor3A : i32
    "tpu.region"() ({
      %run_scoped3A = tpu.sem_alloc : memref<!tpu.dma_semaphore, #tpu.memory_space<semaphore_mem>>
      %dma_start3A = arith.constant 0 : i32
      %dma_start3A_74 = tpu.memref_slice %arg7[%xor3A_46, %dma_start3A] : memref<16x16xi32, #tpu.memory_space<vmem_shared>> -> memref<1x16xi32, #tpu.memory_space<vmem_shared>>
      %dma_start3A_75 = tpu.memref_squeeze %dma_start3A_74 : memref<1x16xi32, #tpu.memory_space<vmem_shared>> -> memref<16xi32, #tpu.memory_space<vmem_shared>>
      %dma_start3A_76 = arith.constant 0 : i32
      %dma_start3A_77 = tpu.memref_slice %arg7[%xor3A_46, %dma_start3A_76] : memref<16x16xi32, #tpu.memory_space<vmem_shared>> -> memref<1x16xi32, #tpu.memory_space<vmem_shared>>
      %dma_start3A_78 = tpu.memref_squeeze %dma_start3A_77 : memref<1x16xi32, #tpu.memory_space<vmem_shared>> -> memref<16xi32, #tpu.memory_space<vmem_shared>>
      tpu.enqueue_dma source(%dma_start3A_78 : memref<16xi32, #tpu.memory_space<vmem_shared>>) target(%arg6 : memref<16xi32, #tpu.memory_space<vmem>>) target_semaphore(%run_scoped3A : memref<!tpu.dma_semaphore, #tpu.memory_space<semaphore_mem>>)
      %dma_wait3A = arith.constant 0 : i32
      %dma_wait3A_79 = tpu.memref_slice %arg7[%xor3A_46, %dma_wait3A] : memref<16x16xi32, #tpu.memory_space<vmem_shared>> -> memref<1x16xi32, #tpu.memory_space<vmem_shared>>
      %dma_wait3A_80 = tpu.memref_squeeze %dma_wait3A_79 : memref<1x16xi32, #tpu.memory_space<vmem_shared>> -> memref<16xi32, #tpu.memory_space<vmem_shared>>
      %dma_wait3A_81 = arith.constant 0 : i32
      %dma_wait3A_82 = tpu.memref_slice %arg7[%xor3A_46, %dma_wait3A_81] : memref<16x16xi32, #tpu.memory_space<vmem_shared>> -> memref<1x16xi32, #tpu.memory_space<vmem_shared>>
      %dma_wait3A_83 = tpu.memref_squeeze %dma_wait3A_82 : memref<1x16xi32, #tpu.memory_space<vmem_shared>> -> memref<16xi32, #tpu.memory_space<vmem_shared>>
      tpu.wait_dma2 semaphore(%run_scoped3A : memref<!tpu.dma_semaphore, #tpu.memory_space<semaphore_mem>>) src(%dma_wait3A_83 : memref<16xi32, #tpu.memory_space<vmem_shared>>) dst(%arg6 : memref<16xi32, #tpu.memory_space<vmem>>)
      tpu.yield
    }) : () -> ()
    %get3A = arith.constant 0 : index
    %get3A_47 = tpu.vector_load %arg5[%get3A] {strides = array<i32>} : memref<16xi32, #tpu.memory_space<vmem>>, vector<16xi32>,
    %get3A_48 = arith.constant 0 : index
    %get3A_49 = tpu.vector_load %arg6[%get3A_48] {strides = array<i32>} : memref<16xi32, #tpu.memory_space<vmem>>, vector<16xi32>,
    %add3A_50 = arith.addi %get3A_47, %get3A_49 : vector<16xi32>
    %reduce_sum3A = arith.constant true
    %reduce_sum3A_51 = vector.broadcast %reduce_sum3A : i1 to vector<16xi1>
    %reduce_sum3A_52 = tpu.scan <sum>, %add3A_50 masked %reduce_sum3A_51 : vector<16xi32>, vector<16xi1> -> vector<16xi32>
    %reduce_sum3A_53 = vector.extract %reduce_sum3A_52[15] : i32 from vector<16xi32>
    %eq3A_54 = arith.constant 0 : i32
    %eq3A_55 = vector.broadcast %eq3A_54 : i32 to vector<16xi32>
    %eq3A_56 = arith.cmpi eq, %iota3A, %eq3A_55 : vector<16xi32>
    %jit3A_57 = arith.constant 0 : i32
    %broadcast_in_dim3A_58 = vector.broadcast %reduce_sum3A_53 : i32 to vector<16xi32>
    %broadcast_in_dim3A_59 = vector.broadcast %jit3A_57 : i32 to vector<16xi32>
    %select_n3A_60 = arith.select %eq3A_56, %broadcast_in_dim3A_58, %broadcast_in_dim3A_59 : vector<16xi1>, vector<16xi32>
    %swap3A_61 = arith.constant 0 : index
    %swap3A_62 = tpu.vector_load %arg5[%swap3A_61] {strides = array<i32>} : memref<16xi32, #tpu.memory_space<vmem>>, vector<16xi32>,
    tpu.vector_store %arg5[%swap3A_61], %select_n3A_60 {strides = array<i32>} : memref<16xi32, #tpu.memory_space<vmem>>, vector<16xi32>,
    %eq3A_63 = arith.constant 0 : i32
    %eq3A_64 = arith.cmpi eq, %select_n3A_30, %eq3A_63 : i32
    %convert_element_type3A = arith.extui %eq3A_64 : i1 to i32
    %cond3A = arith.constant 0 : i32
    %cond3A_65 = arith.cmpi ne, %convert_element_type3A, %cond3A : i32
    scf.if %cond3A_65 {
      %jit3A_74 = arith.constant 2 : i32
      %div3A_75 = arith.divsi %arg1, %jit3A_74 : i32
      %sign3A_76 = arith.constant 0 : i32
      %sign3A_77 = arith.cmpi sgt, %arg1, %sign3A_76 : i32
      %sign3A_78 = arith.extui %sign3A_77 : i1 to i32
      %sign3A_79 = arith.constant 0 : i32
      %sign3A_80 = arith.cmpi slt, %arg1, %sign3A_79 : i32
      %sign3A_81 = arith.extui %sign3A_80 : i1 to i32
      %sign3A_82 = arith.subi %sign3A_78, %sign3A_81 : i32
      %sign3A_83 = arith.constant 0 : i32
      %sign3A_84 = arith.cmpi sgt, %jit3A_74, %sign3A_83 : i32
      %sign3A_85 = arith.extui %sign3A_84 : i1 to i32
      %sign3A_86 = arith.constant 0 : i32
      %sign3A_87 = arith.cmpi slt, %jit3A_74, %sign3A_86 : i32
      %sign3A_88 = arith.extui %sign3A_87 : i1 to i32
      %sign3A_89 = arith.subi %sign3A_85, %sign3A_88 : i32
      %ne3A_90 = arith.cmpi ne, %sign3A_82, %sign3A_89 : i32
      %rem3A_91 = arith.remsi %arg1, %jit3A_74 : i32
      %ne3A_92 = arith.constant 0 : i32
      %ne3A_93 = arith.cmpi ne, %rem3A_91, %ne3A_92 : i32
      %and3A_94 = arith.andi %ne3A_90, %ne3A_93 : i1
      %sub3A_95 = arith.constant 1 : i32
      %sub3A_96 = arith.subi %div3A_75, %sub3A_95 : i32
      %select_n3A_97 = arith.select %and3A_94, %sub3A_96, %div3A_75 : i32
      %run_scoped3A = arith.constant 0 : i32
      "tpu.region"() ({
        %run_scoped3A_98 = tpu.sem_alloc : memref<!tpu.dma_semaphore, #tpu.memory_space<semaphore_mem>>
        %dma_start3A = arith.constant 0 : i32
        %dma_start3A_99 = tpu.memref_slice %arg8[%select_n3A_97, %run_scoped3A, %dma_start3A] : memref<8x8x128xi32, #tpu.memory_space<vmem_shared>> -> memref<1x1x16xi32, #tpu.memory_space<vmem_shared>>
        %dma_start3A_100 = tpu.memref_squeeze %dma_start3A_99 : memref<1x1x16xi32, #tpu.memory_space<vmem_shared>> -> memref<16xi32, #tpu.memory_space<vmem_shared>>
        %dma_start3A_101 = arith.constant 0 : i32
        %dma_start3A_102 = tpu.memref_slice %arg8[%select_n3A_97, %run_scoped3A, %dma_start3A_101] : memref<8x8x128xi32, #tpu.memory_space<vmem_shared>> -> memref<1x1x16xi32, #tpu.memory_space<vmem_shared>>
        %dma_start3A_103 = tpu.memref_squeeze %dma_start3A_102 : memref<1x1x16xi32, #tpu.memory_space<vmem_shared>> -> memref<16xi32, #tpu.memory_space<vmem_shared>>
        tpu.enqueue_dma source(%arg5 : memref<16xi32, #tpu.memory_space<vmem>>) target(%dma_start3A_103 : memref<16xi32, #tpu.memory_space<vmem_shared>>) target_semaphore(%run_scoped3A_98 : memref<!tpu.dma_semaphore, #tpu.memory_space<semaphore_mem>>)
        %dma_wait3A = arith.constant 0 : i32
        %dma_wait3A_104 = tpu.memref_slice %arg8[%select_n3A_97, %run_scoped3A, %dma_wait3A] : memref<8x8x128xi32, #tpu.memory_space<vmem_shared>> -> memref<1x1x16xi32, #tpu.memory_space<vmem_shared>>
        %dma_wait3A_105 = tpu.memref_squeeze %dma_wait3A_104 : memref<1x1x16xi32, #tpu.memory_space<vmem_shared>> -> memref<16xi32, #tpu.memory_space<vmem_shared>>
        %dma_wait3A_106 = arith.constant 0 : i32
        %dma_wait3A_107 = tpu.memref_slice %arg8[%select_n3A_97, %run_scoped3A, %dma_wait3A_106] : memref<8x8x128xi32, #tpu.memory_space<vmem_shared>> -> memref<1x1x16xi32, #tpu.memory_space<vmem_shared>>
        %dma_wait3A_108 = tpu.memref_squeeze %dma_wait3A_107 : memref<1x1x16xi32, #tpu.memory_space<vmem_shared>> -> memref<16xi32, #tpu.memory_space<vmem_shared>>
        tpu.wait_dma2 semaphore(%run_scoped3A_98 : memref<!tpu.dma_semaphore, #tpu.memory_space<semaphore_mem>>) src(%arg5 : memref<16xi32, #tpu.memory_space<vmem>>) dst(%dma_wait3A_108 : memref<16xi32, #tpu.memory_space<vmem_shared>>)
        tpu.yield
      }) : () -> ()
    } else {
    }
    %barrier3A_66 = arith.constant 0 : index
    tpu.barrier barrier_id(%barrier3A_66)
    %mul3A_67 = arith.constant 8 : i32
    %mul3A_68 = arith.muli %arg0, %mul3A_67 : i32
    %multiple_of3A = tpu.assume_multiple %mul3A_68, 8 : i32
    %eq3A_69 = arith.constant 0 : i32
    %eq3A_70 = arith.cmpi eq, %arg1, %eq3A_69 : i32
    %convert_element_type3A_71 = arith.extui %eq3A_70 : i1 to i32
    %cond3A_72 = arith.constant 0 : i32
    %cond3A_73 = arith.cmpi ne, %convert_element_type3A_71, %cond3A_72 : i32
    scf.if %cond3A_73 {
      "tpu.region"() ({
        %run_scoped3A = tpu.sem_alloc : memref<!tpu.dma_semaphore, #tpu.memory_space<semaphore_mem>>
        %dma_start3A = arith.constant 0 : i32
        %dma_start3A_74 = arith.constant 0 : i32
        %dma_start3A_75 = tpu.memref_slice %arg3[%multiple_of3A, %dma_start3A, %dma_start3A_74] : memref<16x8x128xi32, #tpu.memory_space<hbm>> -> memref<8x8x128xi32, #tpu.memory_space<hbm>>
        tpu.enqueue_dma source(%arg8 : memref<8x8x128xi32, #tpu.memory_space<vmem_shared>>) target(%dma_start3A_75 : memref<8x8x128xi32, #tpu.memory_space<hbm>>) target_semaphore(%run_scoped3A : memref<!tpu.dma_semaphore, #tpu.memory_space<semaphore_mem>>)
        %dma_wait3A = arith.constant 0 : i32
        %dma_wait3A_76 = arith.constant 0 : i32
        %dma_wait3A_77 = tpu.memref_slice %arg3[%multiple_of3A, %dma_wait3A, %dma_wait3A_76] : memref<16x8x128xi32, #tpu.memory_space<hbm>> -> memref<8x8x128xi32, #tpu.memory_space<hbm>>
        tpu.wait_dma2 semaphore(%run_scoped3A : memref<!tpu.dma_semaphore, #tpu.memory_space<semaphore_mem>>) src(%arg8 : memref<8x8x128xi32, #tpu.memory_space<vmem_shared>>) dst(%dma_wait3A_77 : memref<8x8x128xi32, #tpu.memory_space<hbm>>)
        tpu.yield
      }) : () -> ()
    } else {
    }
    return
  }
}

module attributes {stable_mosaic.version = 14 : i64} {
  func.func @_tc_count_body(%arg0: i32, %arg1: memref<2x256x128xf32, #tpu.memory_space<vmem>>, %arg2: memref<2x256x128xf32, #tpu.memory_space<vmem>>, %arg3: memref<2x256x128xf32, #tpu.memory_space<vmem>>, %arg4: memref<2x256x128xf32, #tpu.memory_space<vmem>>, %arg5: memref<2x256x128xf32, #tpu.memory_space<vmem>>, %arg6: memref<2x256x128xf32, #tpu.memory_space<vmem>>, %arg7: memref<2x256x128xf32, #tpu.memory_space<vmem>>, %arg8: memref<2x256x128xf32, #tpu.memory_space<vmem>>, %arg9: memref<2x256x128xf32, #tpu.memory_space<vmem>>, %arg10: memref<2x1x128xi32, #tpu.memory_space<vmem>>) attributes {dimension_semantics = [#tpu.dimension_semantics<arbitrary>], iteration_bounds = array<i64: 8>, scalar_prefetch = 0 : i64, scratch_operands = 0 : i64, tpu.core_type = #tpu.core_type<tc>, window_params = [{transform_indices = @transform_0, window_bounds = array<i64: 2, 256, 128>}, {transform_indices = @transform_1, window_bounds = array<i64: 2, 256, 128>}, {transform_indices = @transform_2, window_bounds = array<i64: 2, 256, 128>}, {transform_indices = @transform_3, window_bounds = array<i64: 2, 256, 128>}, {transform_indices = @transform_4, window_bounds = array<i64: 2, 256, 128>}, {transform_indices = @transform_5, window_bounds = array<i64: 2, 256, 128>}, {transform_indices = @transform_6, window_bounds = array<i64: 2, 256, 128>}, {transform_indices = @transform_7, window_bounds = array<i64: 2, 256, 128>}, {transform_indices = @transform_8, window_bounds = array<i64: 2, 256, 128>}, {transform_indices = @transform_9, window_bounds = array<i64: 2, 1, 128>}]} {
    %iota3A = tpu.iota {dimensions = array<i32: 0>} : vector<256x128xi32>
    %jit3A = arith.constant 2 : i32
    %eq3A = arith.constant 0 : i32
    %eq3A_0 = arith.cmpi eq, %jit3A, %eq3A : i32
    %jit3A_1 = arith.constant 1 : i32
    %select_n3A = arith.select %eq3A_0, %jit3A_1, %jit3A : i32
    %rem3A = vector.broadcast %select_n3A : i32 to vector<256x128xi32>
    %rem3A_2 = arith.remsi %iota3A, %rem3A : vector<256x128xi32>
    %ne3A = arith.constant 0 : i32
    %ne3A_3 = vector.broadcast %ne3A : i32 to vector<256x128xi32>
    %ne3A_4 = arith.cmpi ne, %rem3A_2, %ne3A_3 : vector<256x128xi32>
    %lt3A = arith.constant 0 : i32
    %lt3A_5 = vector.broadcast %lt3A : i32 to vector<256x128xi32>
    %lt3A_6 = arith.cmpi slt, %rem3A_2, %lt3A_5 : vector<256x128xi32>
    %lt3A_7 = arith.constant 0 : i32
    %lt3A_8 = arith.cmpi slt, %select_n3A, %lt3A_7 : i32
    %ne3A_9 = vector.broadcast %lt3A_8 : i1 to vector<256x128xi1>
    %ne3A_10 = vector.broadcast %ne3A_9 : vector<256x128xi1> to vector<256x128xi1>
    %ne3A_11 = arith.xori %lt3A_6, %ne3A_10 : vector<256x128xi1>
    %and3A = arith.andi %ne3A_11, %ne3A_4 : vector<256x128xi1>
    %add3A = vector.broadcast %select_n3A : i32 to vector<256x128xi32>
    %add3A_12 = arith.addi %rem3A_2, %add3A : vector<256x128xi32>
    %select_n3A_13 = arith.select %and3A, %add3A_12, %rem3A_2 : vector<256x128xi1>, vector<256x128xi32>
    %eq3A_14 = arith.constant 1 : i32
    %eq3A_15 = vector.broadcast %eq3A_14 : i32 to vector<256x128xi32>
    %eq3A_16 = arith.cmpi eq, %select_n3A_13, %eq3A_15 : vector<256x128xi32>
    %broadcast_in_dim3A = arith.constant 0 : i32
    %broadcast_in_dim3A_17 = vector.broadcast %broadcast_in_dim3A : i32 to vector<256x128xi32>
    %get3A = arith.constant 0 : index
    %get3A_18 = arith.constant 0 : index
    %get3A_19 = arith.constant 0 : index
    %get3A_20 = vector.load %arg1[%get3A, %get3A_18, %get3A_19] : memref<2x256x128xf32, #tpu.memory_space<vmem>>, vector<1x256x128xf32>
    %get3A_21 = vector.shape_cast %get3A_20 : vector<1x256x128xf32> to vector<256x128xf32>
    %ne3A_22 = arith.constant 0.000000e+00 : f32
    %ne3A_23 = vector.broadcast %ne3A_22 : f32 to vector<256x128xf32>
    %ne3A_24 = arith.cmpf one, %get3A_21, %ne3A_23 : vector<256x128xf32>
    %and3A_25 = arith.andi %ne3A_24, %eq3A_16 : vector<256x128xi1>
    %jit3A_26 = arith.constant 1 : i32
    %jit3A_27 = arith.constant 0 : i32
    %broadcast_in_dim3A_28 = vector.broadcast %jit3A_26 : i32 to vector<256x128xi32>
    %broadcast_in_dim3A_29 = vector.broadcast %jit3A_27 : i32 to vector<256x128xi32>
    %select_n3A_30 = arith.select %and3A_25, %broadcast_in_dim3A_28, %broadcast_in_dim3A_29 : vector<256x128xi1>, vector<256x128xi32>
    %add3A_31 = arith.addi %broadcast_in_dim3A_17, %select_n3A_30 : vector<256x128xi32>
    %get3A_32 = arith.constant 0 : index
    %get3A_33 = arith.constant 0 : index
    %get3A_34 = arith.constant 0 : index
    %get3A_35 = vector.load %arg2[%get3A_32, %get3A_33, %get3A_34] : memref<2x256x128xf32, #tpu.memory_space<vmem>>, vector<1x256x128xf32>
    %get3A_36 = vector.shape_cast %get3A_35 : vector<1x256x128xf32> to vector<256x128xf32>
    %ne3A_37 = arith.constant 0.000000e+00 : f32
    %ne3A_38 = vector.broadcast %ne3A_37 : f32 to vector<256x128xf32>
    %ne3A_39 = arith.cmpf one, %get3A_36, %ne3A_38 : vector<256x128xf32>
    %and3A_40 = arith.andi %ne3A_39, %eq3A_16 : vector<256x128xi1>
    %jit3A_41 = arith.constant 1 : i32
    %jit3A_42 = arith.constant 0 : i32
    %broadcast_in_dim3A_43 = vector.broadcast %jit3A_41 : i32 to vector<256x128xi32>
    %broadcast_in_dim3A_44 = vector.broadcast %jit3A_42 : i32 to vector<256x128xi32>
    %select_n3A_45 = arith.select %and3A_40, %broadcast_in_dim3A_43, %broadcast_in_dim3A_44 : vector<256x128xi1>, vector<256x128xi32>
    %add3A_46 = arith.addi %add3A_31, %select_n3A_45 : vector<256x128xi32>
    %get3A_47 = arith.constant 0 : index
    %get3A_48 = arith.constant 0 : index
    %get3A_49 = arith.constant 0 : index
    %get3A_50 = vector.load %arg3[%get3A_47, %get3A_48, %get3A_49] : memref<2x256x128xf32, #tpu.memory_space<vmem>>, vector<1x256x128xf32>
    %get3A_51 = vector.shape_cast %get3A_50 : vector<1x256x128xf32> to vector<256x128xf32>
    %ne3A_52 = arith.constant 0.000000e+00 : f32
    %ne3A_53 = vector.broadcast %ne3A_52 : f32 to vector<256x128xf32>
    %ne3A_54 = arith.cmpf one, %get3A_51, %ne3A_53 : vector<256x128xf32>
    %and3A_55 = arith.andi %ne3A_54, %eq3A_16 : vector<256x128xi1>
    %jit3A_56 = arith.constant 1 : i32
    %jit3A_57 = arith.constant 0 : i32
    %broadcast_in_dim3A_58 = vector.broadcast %jit3A_56 : i32 to vector<256x128xi32>
    %broadcast_in_dim3A_59 = vector.broadcast %jit3A_57 : i32 to vector<256x128xi32>
    %select_n3A_60 = arith.select %and3A_55, %broadcast_in_dim3A_58, %broadcast_in_dim3A_59 : vector<256x128xi1>, vector<256x128xi32>
    %add3A_61 = arith.addi %add3A_46, %select_n3A_60 : vector<256x128xi32>
    %get3A_62 = arith.constant 0 : index
    %get3A_63 = arith.constant 0 : index
    %get3A_64 = arith.constant 0 : index
    %get3A_65 = vector.load %arg4[%get3A_62, %get3A_63, %get3A_64] : memref<2x256x128xf32, #tpu.memory_space<vmem>>, vector<1x256x128xf32>
    %get3A_66 = vector.shape_cast %get3A_65 : vector<1x256x128xf32> to vector<256x128xf32>
    %ne3A_67 = arith.constant 0.000000e+00 : f32
    %ne3A_68 = vector.broadcast %ne3A_67 : f32 to vector<256x128xf32>
    %ne3A_69 = arith.cmpf one, %get3A_66, %ne3A_68 : vector<256x128xf32>
    %and3A_70 = arith.andi %ne3A_69, %eq3A_16 : vector<256x128xi1>
    %jit3A_71 = arith.constant 1 : i32
    %jit3A_72 = arith.constant 0 : i32
    %broadcast_in_dim3A_73 = vector.broadcast %jit3A_71 : i32 to vector<256x128xi32>
    %broadcast_in_dim3A_74 = vector.broadcast %jit3A_72 : i32 to vector<256x128xi32>
    %select_n3A_75 = arith.select %and3A_70, %broadcast_in_dim3A_73, %broadcast_in_dim3A_74 : vector<256x128xi1>, vector<256x128xi32>
    %add3A_76 = arith.addi %add3A_61, %select_n3A_75 : vector<256x128xi32>
    %get3A_77 = arith.constant 0 : index
    %get3A_78 = arith.constant 0 : index
    %get3A_79 = arith.constant 0 : index
    %get3A_80 = vector.load %arg5[%get3A_77, %get3A_78, %get3A_79] : memref<2x256x128xf32, #tpu.memory_space<vmem>>, vector<1x256x128xf32>
    %get3A_81 = vector.shape_cast %get3A_80 : vector<1x256x128xf32> to vector<256x128xf32>
    %ne3A_82 = arith.constant 0.000000e+00 : f32
    %ne3A_83 = vector.broadcast %ne3A_82 : f32 to vector<256x128xf32>
    %ne3A_84 = arith.cmpf one, %get3A_81, %ne3A_83 : vector<256x128xf32>
    %and3A_85 = arith.andi %ne3A_84, %eq3A_16 : vector<256x128xi1>
    %jit3A_86 = arith.constant 1 : i32
    %jit3A_87 = arith.constant 0 : i32
    %broadcast_in_dim3A_88 = vector.broadcast %jit3A_86 : i32 to vector<256x128xi32>
    %broadcast_in_dim3A_89 = vector.broadcast %jit3A_87 : i32 to vector<256x128xi32>
    %select_n3A_90 = arith.select %and3A_85, %broadcast_in_dim3A_88, %broadcast_in_dim3A_89 : vector<256x128xi1>, vector<256x128xi32>
    %add3A_91 = arith.addi %add3A_76, %select_n3A_90 : vector<256x128xi32>
    %get3A_92 = arith.constant 0 : index
    %get3A_93 = arith.constant 0 : index
    %get3A_94 = arith.constant 0 : index
    %get3A_95 = vector.load %arg6[%get3A_92, %get3A_93, %get3A_94] : memref<2x256x128xf32, #tpu.memory_space<vmem>>, vector<1x256x128xf32>
    %get3A_96 = vector.shape_cast %get3A_95 : vector<1x256x128xf32> to vector<256x128xf32>
    %ne3A_97 = arith.constant 0.000000e+00 : f32
    %ne3A_98 = vector.broadcast %ne3A_97 : f32 to vector<256x128xf32>
    %ne3A_99 = arith.cmpf one, %get3A_96, %ne3A_98 : vector<256x128xf32>
    %and3A_100 = arith.andi %ne3A_99, %eq3A_16 : vector<256x128xi1>
    %jit3A_101 = arith.constant 1 : i32
    %jit3A_102 = arith.constant 0 : i32
    %broadcast_in_dim3A_103 = vector.broadcast %jit3A_101 : i32 to vector<256x128xi32>
    %broadcast_in_dim3A_104 = vector.broadcast %jit3A_102 : i32 to vector<256x128xi32>
    %select_n3A_105 = arith.select %and3A_100, %broadcast_in_dim3A_103, %broadcast_in_dim3A_104 : vector<256x128xi1>, vector<256x128xi32>
    %add3A_106 = arith.addi %add3A_91, %select_n3A_105 : vector<256x128xi32>
    %get3A_107 = arith.constant 0 : index
    %get3A_108 = arith.constant 0 : index
    %get3A_109 = arith.constant 0 : index
    %get3A_110 = vector.load %arg7[%get3A_107, %get3A_108, %get3A_109] : memref<2x256x128xf32, #tpu.memory_space<vmem>>, vector<1x256x128xf32>
    %get3A_111 = vector.shape_cast %get3A_110 : vector<1x256x128xf32> to vector<256x128xf32>
    %ne3A_112 = arith.constant 0.000000e+00 : f32
    %ne3A_113 = vector.broadcast %ne3A_112 : f32 to vector<256x128xf32>
    %ne3A_114 = arith.cmpf one, %get3A_111, %ne3A_113 : vector<256x128xf32>
    %and3A_115 = arith.andi %ne3A_114, %eq3A_16 : vector<256x128xi1>
    %jit3A_116 = arith.constant 1 : i32
    %jit3A_117 = arith.constant 0 : i32
    %broadcast_in_dim3A_118 = vector.broadcast %jit3A_116 : i32 to vector<256x128xi32>
    %broadcast_in_dim3A_119 = vector.broadcast %jit3A_117 : i32 to vector<256x128xi32>
    %select_n3A_120 = arith.select %and3A_115, %broadcast_in_dim3A_118, %broadcast_in_dim3A_119 : vector<256x128xi1>, vector<256x128xi32>
    %add3A_121 = arith.addi %add3A_106, %select_n3A_120 : vector<256x128xi32>
    %get3A_122 = arith.constant 0 : index
    %get3A_123 = arith.constant 0 : index
    %get3A_124 = arith.constant 0 : index
    %get3A_125 = vector.load %arg8[%get3A_122, %get3A_123, %get3A_124] : memref<2x256x128xf32, #tpu.memory_space<vmem>>, vector<1x256x128xf32>
    %get3A_126 = vector.shape_cast %get3A_125 : vector<1x256x128xf32> to vector<256x128xf32>
    %ne3A_127 = arith.constant 0.000000e+00 : f32
    %ne3A_128 = vector.broadcast %ne3A_127 : f32 to vector<256x128xf32>
    %ne3A_129 = arith.cmpf one, %get3A_126, %ne3A_128 : vector<256x128xf32>
    %and3A_130 = arith.andi %ne3A_129, %eq3A_16 : vector<256x128xi1>
    %jit3A_131 = arith.constant 1 : i32
    %jit3A_132 = arith.constant 0 : i32
    %broadcast_in_dim3A_133 = vector.broadcast %jit3A_131 : i32 to vector<256x128xi32>
    %broadcast_in_dim3A_134 = vector.broadcast %jit3A_132 : i32 to vector<256x128xi32>
    %select_n3A_135 = arith.select %and3A_130, %broadcast_in_dim3A_133, %broadcast_in_dim3A_134 : vector<256x128xi1>, vector<256x128xi32>
    %add3A_136 = arith.addi %add3A_121, %select_n3A_135 : vector<256x128xi32>
    %get3A_137 = arith.constant 0 : index
    %get3A_138 = arith.constant 0 : index
    %get3A_139 = arith.constant 0 : index
    %get3A_140 = vector.load %arg9[%get3A_137, %get3A_138, %get3A_139] : memref<2x256x128xf32, #tpu.memory_space<vmem>>, vector<1x256x128xf32>
    %get3A_141 = vector.shape_cast %get3A_140 : vector<1x256x128xf32> to vector<256x128xf32>
    %ne3A_142 = arith.constant 0.000000e+00 : f32
    %ne3A_143 = vector.broadcast %ne3A_142 : f32 to vector<256x128xf32>
    %ne3A_144 = arith.cmpf one, %get3A_141, %ne3A_143 : vector<256x128xf32>
    %and3A_145 = arith.andi %ne3A_144, %eq3A_16 : vector<256x128xi1>
    %jit3A_146 = arith.constant 1 : i32
    %jit3A_147 = arith.constant 0 : i32
    %broadcast_in_dim3A_148 = vector.broadcast %jit3A_146 : i32 to vector<256x128xi32>
    %broadcast_in_dim3A_149 = vector.broadcast %jit3A_147 : i32 to vector<256x128xi32>
    %select_n3A_150 = arith.select %and3A_145, %broadcast_in_dim3A_148, %broadcast_in_dim3A_149 : vector<256x128xi1>, vector<256x128xi32>
    %add3A_151 = arith.addi %add3A_136, %select_n3A_150 : vector<256x128xi32>
    %reduce_sum3A = arith.constant dense<0> : vector<128xi32>
    %reduce_sum3A_152 = vector.multi_reduction <add>, %add3A_151, %reduce_sum3A [0] : vector<256x128xi32> to vector<128xi32>
    %swap3A = arith.constant 0 : index
    %swap3A_153 = arith.constant 0 : index
    %swap3A_154 = arith.constant 0 : index
    %swap3A_155 = vector.load %arg10[%swap3A, %swap3A_153, %swap3A_154] : memref<2x1x128xi32, #tpu.memory_space<vmem>>, vector<1x1x128xi32>
    %swap3A_156 = vector.shape_cast %swap3A_155 : vector<1x1x128xi32> to vector<128xi32>
    %swap3A_157 = vector.shape_cast %reduce_sum3A_152 : vector<128xi32> to vector<1x1x128xi32>
    tpu.vector_store %arg10[%swap3A, %swap3A_153, %swap3A_154], %swap3A_157 {strides = array<i32>} : memref<2x1x128xi32, #tpu.memory_space<vmem>>, vector<1x1x128xi32>,
    %broadcast_in_dim3A_158 = arith.constant 0 : i32
    %broadcast_in_dim3A_159 = vector.broadcast %broadcast_in_dim3A_158 : i32 to vector<256x128xi32>
    %get3A_160 = arith.constant 1 : index
    %get3A_161 = arith.constant 0 : index
    %get3A_162 = arith.constant 0 : index
    %get3A_163 = vector.load %arg1[%get3A_160, %get3A_161, %get3A_162] : memref<2x256x128xf32, #tpu.memory_space<vmem>>, vector<1x256x128xf32>
    %get3A_164 = vector.shape_cast %get3A_163 : vector<1x256x128xf32> to vector<256x128xf32>
    %ne3A_165 = arith.constant 0.000000e+00 : f32
    %ne3A_166 = vector.broadcast %ne3A_165 : f32 to vector<256x128xf32>
    %ne3A_167 = arith.cmpf one, %get3A_164, %ne3A_166 : vector<256x128xf32>
    %and3A_168 = arith.andi %ne3A_167, %eq3A_16 : vector<256x128xi1>
    %jit3A_169 = arith.constant 1 : i32
    %jit3A_170 = arith.constant 0 : i32
    %broadcast_in_dim3A_171 = vector.broadcast %jit3A_169 : i32 to vector<256x128xi32>
    %broadcast_in_dim3A_172 = vector.broadcast %jit3A_170 : i32 to vector<256x128xi32>
    %select_n3A_173 = arith.select %and3A_168, %broadcast_in_dim3A_171, %broadcast_in_dim3A_172 : vector<256x128xi1>, vector<256x128xi32>
    %add3A_174 = arith.addi %broadcast_in_dim3A_159, %select_n3A_173 : vector<256x128xi32>
    %get3A_175 = arith.constant 1 : index
    %get3A_176 = arith.constant 0 : index
    %get3A_177 = arith.constant 0 : index
    %get3A_178 = vector.load %arg2[%get3A_175, %get3A_176, %get3A_177] : memref<2x256x128xf32, #tpu.memory_space<vmem>>, vector<1x256x128xf32>
    %get3A_179 = vector.shape_cast %get3A_178 : vector<1x256x128xf32> to vector<256x128xf32>
    %ne3A_180 = arith.constant 0.000000e+00 : f32
    %ne3A_181 = vector.broadcast %ne3A_180 : f32 to vector<256x128xf32>
    %ne3A_182 = arith.cmpf one, %get3A_179, %ne3A_181 : vector<256x128xf32>
    %and3A_183 = arith.andi %ne3A_182, %eq3A_16 : vector<256x128xi1>
    %jit3A_184 = arith.constant 1 : i32
    %jit3A_185 = arith.constant 0 : i32
    %broadcast_in_dim3A_186 = vector.broadcast %jit3A_184 : i32 to vector<256x128xi32>
    %broadcast_in_dim3A_187 = vector.broadcast %jit3A_185 : i32 to vector<256x128xi32>
    %select_n3A_188 = arith.select %and3A_183, %broadcast_in_dim3A_186, %broadcast_in_dim3A_187 : vector<256x128xi1>, vector<256x128xi32>
    %add3A_189 = arith.addi %add3A_174, %select_n3A_188 : vector<256x128xi32>
    %get3A_190 = arith.constant 1 : index
    %get3A_191 = arith.constant 0 : index
    %get3A_192 = arith.constant 0 : index
    %get3A_193 = vector.load %arg3[%get3A_190, %get3A_191, %get3A_192] : memref<2x256x128xf32, #tpu.memory_space<vmem>>, vector<1x256x128xf32>
    %get3A_194 = vector.shape_cast %get3A_193 : vector<1x256x128xf32> to vector<256x128xf32>
    %ne3A_195 = arith.constant 0.000000e+00 : f32
    %ne3A_196 = vector.broadcast %ne3A_195 : f32 to vector<256x128xf32>
    %ne3A_197 = arith.cmpf one, %get3A_194, %ne3A_196 : vector<256x128xf32>
    %and3A_198 = arith.andi %ne3A_197, %eq3A_16 : vector<256x128xi1>
    %jit3A_199 = arith.constant 1 : i32
    %jit3A_200 = arith.constant 0 : i32
    %broadcast_in_dim3A_201 = vector.broadcast %jit3A_199 : i32 to vector<256x128xi32>
    %broadcast_in_dim3A_202 = vector.broadcast %jit3A_200 : i32 to vector<256x128xi32>
    %select_n3A_203 = arith.select %and3A_198, %broadcast_in_dim3A_201, %broadcast_in_dim3A_202 : vector<256x128xi1>, vector<256x128xi32>
    %add3A_204 = arith.addi %add3A_189, %select_n3A_203 : vector<256x128xi32>
    %get3A_205 = arith.constant 1 : index
    %get3A_206 = arith.constant 0 : index
    %get3A_207 = arith.constant 0 : index
    %get3A_208 = vector.load %arg4[%get3A_205, %get3A_206, %get3A_207] : memref<2x256x128xf32, #tpu.memory_space<vmem>>, vector<1x256x128xf32>
    %get3A_209 = vector.shape_cast %get3A_208 : vector<1x256x128xf32> to vector<256x128xf32>
    %ne3A_210 = arith.constant 0.000000e+00 : f32
    %ne3A_211 = vector.broadcast %ne3A_210 : f32 to vector<256x128xf32>
    %ne3A_212 = arith.cmpf one, %get3A_209, %ne3A_211 : vector<256x128xf32>
    %and3A_213 = arith.andi %ne3A_212, %eq3A_16 : vector<256x128xi1>
    %jit3A_214 = arith.constant 1 : i32
    %jit3A_215 = arith.constant 0 : i32
    %broadcast_in_dim3A_216 = vector.broadcast %jit3A_214 : i32 to vector<256x128xi32>
    %broadcast_in_dim3A_217 = vector.broadcast %jit3A_215 : i32 to vector<256x128xi32>
    %select_n3A_218 = arith.select %and3A_213, %broadcast_in_dim3A_216, %broadcast_in_dim3A_217 : vector<256x128xi1>, vector<256x128xi32>
    %add3A_219 = arith.addi %add3A_204, %select_n3A_218 : vector<256x128xi32>
    %get3A_220 = arith.constant 1 : index
    %get3A_221 = arith.constant 0 : index
    %get3A_222 = arith.constant 0 : index
    %get3A_223 = vector.load %arg5[%get3A_220, %get3A_221, %get3A_222] : memref<2x256x128xf32, #tpu.memory_space<vmem>>, vector<1x256x128xf32>
    %get3A_224 = vector.shape_cast %get3A_223 : vector<1x256x128xf32> to vector<256x128xf32>
    %ne3A_225 = arith.constant 0.000000e+00 : f32
    %ne3A_226 = vector.broadcast %ne3A_225 : f32 to vector<256x128xf32>
    %ne3A_227 = arith.cmpf one, %get3A_224, %ne3A_226 : vector<256x128xf32>
    %and3A_228 = arith.andi %ne3A_227, %eq3A_16 : vector<256x128xi1>
    %jit3A_229 = arith.constant 1 : i32
    %jit3A_230 = arith.constant 0 : i32
    %broadcast_in_dim3A_231 = vector.broadcast %jit3A_229 : i32 to vector<256x128xi32>
    %broadcast_in_dim3A_232 = vector.broadcast %jit3A_230 : i32 to vector<256x128xi32>
    %select_n3A_233 = arith.select %and3A_228, %broadcast_in_dim3A_231, %broadcast_in_dim3A_232 : vector<256x128xi1>, vector<256x128xi32>
    %add3A_234 = arith.addi %add3A_219, %select_n3A_233 : vector<256x128xi32>
    %get3A_235 = arith.constant 1 : index
    %get3A_236 = arith.constant 0 : index
    %get3A_237 = arith.constant 0 : index
    %get3A_238 = vector.load %arg6[%get3A_235, %get3A_236, %get3A_237] : memref<2x256x128xf32, #tpu.memory_space<vmem>>, vector<1x256x128xf32>
    %get3A_239 = vector.shape_cast %get3A_238 : vector<1x256x128xf32> to vector<256x128xf32>
    %ne3A_240 = arith.constant 0.000000e+00 : f32
    %ne3A_241 = vector.broadcast %ne3A_240 : f32 to vector<256x128xf32>
    %ne3A_242 = arith.cmpf one, %get3A_239, %ne3A_241 : vector<256x128xf32>
    %and3A_243 = arith.andi %ne3A_242, %eq3A_16 : vector<256x128xi1>
    %jit3A_244 = arith.constant 1 : i32
    %jit3A_245 = arith.constant 0 : i32
    %broadcast_in_dim3A_246 = vector.broadcast %jit3A_244 : i32 to vector<256x128xi32>
    %broadcast_in_dim3A_247 = vector.broadcast %jit3A_245 : i32 to vector<256x128xi32>
    %select_n3A_248 = arith.select %and3A_243, %broadcast_in_dim3A_246, %broadcast_in_dim3A_247 : vector<256x128xi1>, vector<256x128xi32>
    %add3A_249 = arith.addi %add3A_234, %select_n3A_248 : vector<256x128xi32>
    %get3A_250 = arith.constant 1 : index
    %get3A_251 = arith.constant 0 : index
    %get3A_252 = arith.constant 0 : index
    %get3A_253 = vector.load %arg7[%get3A_250, %get3A_251, %get3A_252] : memref<2x256x128xf32, #tpu.memory_space<vmem>>, vector<1x256x128xf32>
    %get3A_254 = vector.shape_cast %get3A_253 : vector<1x256x128xf32> to vector<256x128xf32>
    %ne3A_255 = arith.constant 0.000000e+00 : f32
    %ne3A_256 = vector.broadcast %ne3A_255 : f32 to vector<256x128xf32>
    %ne3A_257 = arith.cmpf one, %get3A_254, %ne3A_256 : vector<256x128xf32>
    %and3A_258 = arith.andi %ne3A_257, %eq3A_16 : vector<256x128xi1>
    %jit3A_259 = arith.constant 1 : i32
    %jit3A_260 = arith.constant 0 : i32
    %broadcast_in_dim3A_261 = vector.broadcast %jit3A_259 : i32 to vector<256x128xi32>
    %broadcast_in_dim3A_262 = vector.broadcast %jit3A_260 : i32 to vector<256x128xi32>
    %select_n3A_263 = arith.select %and3A_258, %broadcast_in_dim3A_261, %broadcast_in_dim3A_262 : vector<256x128xi1>, vector<256x128xi32>
    %add3A_264 = arith.addi %add3A_249, %select_n3A_263 : vector<256x128xi32>
    %get3A_265 = arith.constant 1 : index
    %get3A_266 = arith.constant 0 : index
    %get3A_267 = arith.constant 0 : index
    %get3A_268 = vector.load %arg8[%get3A_265, %get3A_266, %get3A_267] : memref<2x256x128xf32, #tpu.memory_space<vmem>>, vector<1x256x128xf32>
    %get3A_269 = vector.shape_cast %get3A_268 : vector<1x256x128xf32> to vector<256x128xf32>
    %ne3A_270 = arith.constant 0.000000e+00 : f32
    %ne3A_271 = vector.broadcast %ne3A_270 : f32 to vector<256x128xf32>
    %ne3A_272 = arith.cmpf one, %get3A_269, %ne3A_271 : vector<256x128xf32>
    %and3A_273 = arith.andi %ne3A_272, %eq3A_16 : vector<256x128xi1>
    %jit3A_274 = arith.constant 1 : i32
    %jit3A_275 = arith.constant 0 : i32
    %broadcast_in_dim3A_276 = vector.broadcast %jit3A_274 : i32 to vector<256x128xi32>
    %broadcast_in_dim3A_277 = vector.broadcast %jit3A_275 : i32 to vector<256x128xi32>
    %select_n3A_278 = arith.select %and3A_273, %broadcast_in_dim3A_276, %broadcast_in_dim3A_277 : vector<256x128xi1>, vector<256x128xi32>
    %add3A_279 = arith.addi %add3A_264, %select_n3A_278 : vector<256x128xi32>
    %get3A_280 = arith.constant 1 : index
    %get3A_281 = arith.constant 0 : index
    %get3A_282 = arith.constant 0 : index
    %get3A_283 = vector.load %arg9[%get3A_280, %get3A_281, %get3A_282] : memref<2x256x128xf32, #tpu.memory_space<vmem>>, vector<1x256x128xf32>
    %get3A_284 = vector.shape_cast %get3A_283 : vector<1x256x128xf32> to vector<256x128xf32>
    %ne3A_285 = arith.constant 0.000000e+00 : f32
    %ne3A_286 = vector.broadcast %ne3A_285 : f32 to vector<256x128xf32>
    %ne3A_287 = arith.cmpf one, %get3A_284, %ne3A_286 : vector<256x128xf32>
    %and3A_288 = arith.andi %ne3A_287, %eq3A_16 : vector<256x128xi1>
    %jit3A_289 = arith.constant 1 : i32
    %jit3A_290 = arith.constant 0 : i32
    %broadcast_in_dim3A_291 = vector.broadcast %jit3A_289 : i32 to vector<256x128xi32>
    %broadcast_in_dim3A_292 = vector.broadcast %jit3A_290 : i32 to vector<256x128xi32>
    %select_n3A_293 = arith.select %and3A_288, %broadcast_in_dim3A_291, %broadcast_in_dim3A_292 : vector<256x128xi1>, vector<256x128xi32>
    %add3A_294 = arith.addi %add3A_279, %select_n3A_293 : vector<256x128xi32>
    %reduce_sum3A_295 = arith.constant dense<0> : vector<128xi32>
    %reduce_sum3A_296 = vector.multi_reduction <add>, %add3A_294, %reduce_sum3A_295 [0] : vector<256x128xi32> to vector<128xi32>
    %swap3A_297 = arith.constant 1 : index
    %swap3A_298 = arith.constant 0 : index
    %swap3A_299 = arith.constant 0 : index
    %swap3A_300 = vector.load %arg10[%swap3A_297, %swap3A_298, %swap3A_299] : memref<2x1x128xi32, #tpu.memory_space<vmem>>, vector<1x1x128xi32>
    %swap3A_301 = vector.shape_cast %swap3A_300 : vector<1x1x128xi32> to vector<128xi32>
    %swap3A_302 = vector.shape_cast %reduce_sum3A_296 : vector<128xi32> to vector<1x1x128xi32>
    tpu.vector_store %arg10[%swap3A_297, %swap3A_298, %swap3A_299], %swap3A_302 {strides = array<i32>} : memref<2x1x128xi32, #tpu.memory_space<vmem>>, vector<1x1x128xi32>,
    return
  }
  func.func @transform_0(%arg0: i32) -> (i32, i32, i32) {
    %c7_i32 = arith.constant 7 : i32
    %c0_i32 = arith.constant 0 : i32
    %c0_i32_0 = arith.constant 0 : i32
    return %arg0, %c7_i32, %c0_i32 : i32, i32, i32
  }
  func.func @transform_1(%arg0: i32) -> (i32, i32, i32) {
    %c8_i32 = arith.constant 8 : i32
    %c0_i32 = arith.constant 0 : i32
    %c0_i32_0 = arith.constant 0 : i32
    return %arg0, %c8_i32, %c0_i32 : i32, i32, i32
  }
  func.func @transform_2(%arg0: i32) -> (i32, i32, i32) {
    %c9_i32 = arith.constant 9 : i32
    %c0_i32 = arith.constant 0 : i32
    %c0_i32_0 = arith.constant 0 : i32
    return %arg0, %c9_i32, %c0_i32 : i32, i32, i32
  }
  func.func @transform_3(%arg0: i32) -> (i32, i32, i32) {
    %c10_i32 = arith.constant 10 : i32
    %c0_i32 = arith.constant 0 : i32
    %c0_i32_0 = arith.constant 0 : i32
    return %arg0, %c10_i32, %c0_i32 : i32, i32, i32
  }
  func.func @transform_4(%arg0: i32) -> (i32, i32, i32) {
    %c11_i32 = arith.constant 11 : i32
    %c0_i32 = arith.constant 0 : i32
    %c0_i32_0 = arith.constant 0 : i32
    return %arg0, %c11_i32, %c0_i32 : i32, i32, i32
  }
  func.func @transform_5(%arg0: i32) -> (i32, i32, i32) {
    %c12_i32 = arith.constant 12 : i32
    %c0_i32 = arith.constant 0 : i32
    %c0_i32_0 = arith.constant 0 : i32
    return %arg0, %c12_i32, %c0_i32 : i32, i32, i32
  }
  func.func @transform_6(%arg0: i32) -> (i32, i32, i32) {
    %c13_i32 = arith.constant 13 : i32
    %c0_i32 = arith.constant 0 : i32
    %c0_i32_0 = arith.constant 0 : i32
    return %arg0, %c13_i32, %c0_i32 : i32, i32, i32
  }
  func.func @transform_7(%arg0: i32) -> (i32, i32, i32) {
    %c14_i32 = arith.constant 14 : i32
    %c0_i32 = arith.constant 0 : i32
    %c0_i32_0 = arith.constant 0 : i32
    return %arg0, %c14_i32, %c0_i32 : i32, i32, i32
  }
  func.func @transform_8(%arg0: i32) -> (i32, i32, i32) {
    %c15_i32 = arith.constant 15 : i32
    %c0_i32 = arith.constant 0 : i32
    %c0_i32_0 = arith.constant 0 : i32
    return %arg0, %c15_i32, %c0_i32 : i32, i32, i32
  }
  func.func @transform_9(%arg0: i32) -> (i32, i32, i32) {
    %c0_i32 = arith.constant 0 : i32
    %c0_i32_0 = arith.constant 0 : i32
    %c0_i32_1 = arith.constant 0 : i32
    return %arg0, %c0_i32, %c0_i32_0 : i32, i32, i32
  }
}

module attributes {stable_mosaic.version = 14 : i64} {
  func.func @_tc_gather_body(%arg0: i32, %arg1: memref<16x8x128xi32, #tpu.memory_space<smem>>, %arg2: memref<16x1x128xi32, #tpu.memory_space<smem>>, %arg3: memref<1x8x1024xf32, #tpu.memory_space<vmem>>, %arg4: memref<1x8x1024xf32, #tpu.memory_space<vmem>>, %arg5: memref<1x8x1024xf32, #tpu.memory_space<vmem>>, %arg6: memref<1x8x1024xf32, #tpu.memory_space<vmem>>, %arg7: memref<1x8x1024xf32, #tpu.memory_space<vmem>>, %arg8: memref<1x8x1024xf32, #tpu.memory_space<vmem>>, %arg9: memref<1x8x1024xf32, #tpu.memory_space<vmem>>, %arg10: memref<1x8x1024xf32, #tpu.memory_space<vmem>>, %arg11: memref<1x8x1024xf32, #tpu.memory_space<vmem>>, %arg12: memref<1x8x1024xf32, #tpu.memory_space<vmem>>, %arg13: memref<1x8x1024xf32, #tpu.memory_space<vmem>>, %arg14: memref<1x8x1024xf32, #tpu.memory_space<vmem>>, %arg15: memref<1x8x1024xf32, #tpu.memory_space<vmem>>, %arg16: memref<1x8x1024xf32, #tpu.memory_space<vmem>>, %arg17: memref<1x8x1024xf32, #tpu.memory_space<vmem>>, %arg18: memref<1x8x1024xf32, #tpu.memory_space<vmem>>, %arg19: memref<1x8x1024xf32, #tpu.memory_space<vmem>>, %arg20: memref<1x8x1024xf32, #tpu.memory_space<vmem>>, %arg21: memref<1x8x1024xf32, #tpu.memory_space<vmem>>, %arg22: memref<1x8x1024xf32, #tpu.memory_space<vmem>>, %arg23: memref<1x8x1024xf32, #tpu.memory_space<vmem>>, %arg24: memref<1x8x1024xf32, #tpu.memory_space<vmem>>, %arg25: memref<1x8x1024xf32, #tpu.memory_space<vmem>>, %arg26: memref<1x8x1024xf32, #tpu.memory_space<vmem>>, %arg27: memref<1x8x1024xf32, #tpu.memory_space<vmem>>, %arg28: memref<1x8x1024xf32, #tpu.memory_space<vmem>>, %arg29: memref<1x8x1024xf32, #tpu.memory_space<vmem>>, %arg30: memref<1x8x1024xf32, #tpu.memory_space<vmem>>, %arg31: memref<1x8x1024xf32, #tpu.memory_space<vmem>>, %arg32: memref<1x8x1024xf32, #tpu.memory_space<vmem>>, %arg33: memref<1x8x1024xf32, #tpu.memory_space<vmem>>, %arg34: memref<1x8x1024xf32, #tpu.memory_space<vmem>>, %arg35: memref<16x1024xf32, #tpu.memory_space<vmem>>, %arg36: memref<16x1024xf32, #tpu.memory_space<vmem>>) attributes {dimension_semantics = [#tpu.dimension_semantics<arbitrary>], iteration_bounds = array<i64: 1>, scalar_prefetch = 2 : i64, scratch_operands = 0 : i64, tpu.core_type = #tpu.core_type<tc>, window_params = [{transform_indices = @transform_0, window_bounds = array<i64: 1, 8, 1024>}, {transform_indices = @transform_1, window_bounds = array<i64: 1, 8, 1024>}, {transform_indices = @transform_2, window_bounds = array<i64: 1, 8, 1024>}, {transform_indices = @transform_3, window_bounds = array<i64: 1, 8, 1024>}, {transform_indices = @transform_4, window_bounds = array<i64: 1, 8, 1024>}, {transform_indices = @transform_5, window_bounds = array<i64: 1, 8, 1024>}, {transform_indices = @transform_6, window_bounds = array<i64: 1, 8, 1024>}, {transform_indices = @transform_7, window_bounds = array<i64: 1, 8, 1024>}, {transform_indices = @transform_8, window_bounds = array<i64: 1, 8, 1024>}, {transform_indices = @transform_9, window_bounds = array<i64: 1, 8, 1024>}, {transform_indices = @transform_10, window_bounds = array<i64: 1, 8, 1024>}, {transform_indices = @transform_11, window_bounds = array<i64: 1, 8, 1024>}, {transform_indices = @transform_12, window_bounds = array<i64: 1, 8, 1024>}, {transform_indices = @transform_13, window_bounds = array<i64: 1, 8, 1024>}, {transform_indices = @transform_14, window_bounds = array<i64: 1, 8, 1024>}, {transform_indices = @transform_15, window_bounds = array<i64: 1, 8, 1024>}, {transform_indices = @transform_16, window_bounds = array<i64: 1, 8, 1024>}, {transform_indices = @transform_17, window_bounds = array<i64: 1, 8, 1024>}, {transform_indices = @transform_18, window_bounds = array<i64: 1, 8, 1024>}, {transform_indices = @transform_19, window_bounds = array<i64: 1, 8, 1024>}, {transform_indices = @transform_20, window_bounds = array<i64: 1, 8, 1024>}, {transform_indices = @transform_21, window_bounds = array<i64: 1, 8, 1024>}, {transform_indices = @transform_22, window_bounds = array<i64: 1, 8, 1024>}, {transform_indices = @transform_23, window_bounds = array<i64: 1, 8, 1024>}, {transform_indices = @transform_24, window_bounds = array<i64: 1, 8, 1024>}, {transform_indices = @transform_25, window_bounds = array<i64: 1, 8, 1024>}, {transform_indices = @transform_26, window_bounds = array<i64: 1, 8, 1024>}, {transform_indices = @transform_27, window_bounds = array<i64: 1, 8, 1024>}, {transform_indices = @transform_28, window_bounds = array<i64: 1, 8, 1024>}, {transform_indices = @transform_29, window_bounds = array<i64: 1, 8, 1024>}, {transform_indices = @transform_30, window_bounds = array<i64: 1, 8, 1024>}, {transform_indices = @transform_31, window_bounds = array<i64: 1, 8, 1024>}, {pipeline_mode = #tpu.pipeline_mode<synchronous>, transform_indices = @transform_32, window_bounds = array<i64: 16, 1024>}, {pipeline_mode = #tpu.pipeline_mode<synchronous>, transform_indices = @transform_33, window_bounds = array<i64: 16, 1024>}]} {
    %iota3A = tpu.iota {dimensions = array<i32: 0>} : vector<8x1024xi32>
    %get3A = arith.constant 0 : index
    %get3A_0 = arith.constant 0 : index
    %get3A_1 = arith.constant 0 : index
    %get3A_2 = memref.load %arg1[%get3A, %get3A_0, %get3A_1] : memref<16x8x128xi32, #tpu.memory_space<smem>>
    %get3A_3 = arith.constant 0 : index
    %get3A_4 = arith.constant 0 : index
    %get3A_5 = arith.constant 0 : index
    %get3A_6 = memref.load %arg2[%get3A_3, %get3A_4, %get3A_5] : memref<16x1x128xi32, #tpu.memory_space<smem>>
    %add3A = arith.addi %get3A_2, %get3A_6 : i32
    %sub3A = arith.constant 2 : i32
    %sub3A_7 = arith.subi %add3A, %sub3A : i32
    %add3A_8 = arith.constant 0 : i32
    %add3A_9 = arith.addi %sub3A_7, %add3A_8 : i32
    %lt3A = arith.constant 0 : i32
    %lt3A_10 = arith.cmpi slt, %add3A_9, %lt3A : i32
    %add3A_11 = arith.constant 4096 : i32
    %add3A_12 = arith.addi %add3A_9, %add3A_11 : i32
    %select_n3A = arith.select %lt3A_10, %add3A_12, %add3A_9 : i32
    %jit3A = arith.constant 8 : i32
    %eq3A = arith.constant 0 : i32
    %eq3A_13 = arith.cmpi eq, %jit3A, %eq3A : i32
    %jit3A_14 = arith.constant 1 : i32
    %select_n3A_15 = arith.select %eq3A_13, %jit3A_14, %jit3A : i32
    %rem3A = arith.remsi %select_n3A, %select_n3A_15 : i32
    %ne3A = arith.constant 0 : i32
    %ne3A_16 = arith.cmpi ne, %rem3A, %ne3A : i32
    %lt3A_17 = arith.constant 0 : i32
    %lt3A_18 = arith.cmpi slt, %rem3A, %lt3A_17 : i32
    %lt3A_19 = arith.constant 0 : i32
    %lt3A_20 = arith.cmpi slt, %select_n3A_15, %lt3A_19 : i32
    %ne3A_21 = arith.xori %lt3A_18, %lt3A_20 : i1
    %and3A = arith.andi %ne3A_21, %ne3A_16 : i1
    %add3A_22 = arith.addi %rem3A, %select_n3A_15 : i32
    %select_n3A_23 = arith.select %and3A, %add3A_22, %rem3A : i32
    %get3A_24 = arith.constant 0 : index
    %get3A_25 = arith.constant 0 : index
    %get3A_26 = arith.constant 0 : index
    %get3A_27 = vector.load %arg3[%get3A_24, %get3A_25, %get3A_26] : memref<1x8x1024xf32, #tpu.memory_space<vmem>>, vector<1x8x1024xf32>
    %get3A_28 = vector.shape_cast %get3A_27 : vector<1x8x1024xf32> to vector<8x1024xf32>
    %eq3A_29 = vector.broadcast %select_n3A_23 : i32 to vector<8x1024xi32>
    %eq3A_30 = arith.cmpi eq, %iota3A, %eq3A_29 : vector<8x1024xi32>
    %jit3A_31 = arith.constant 0.000000e+00 : f32
    %broadcast_in_dim3A = vector.broadcast %jit3A_31 : f32 to vector<8x1024xf32>
    %select_n3A_32 = arith.select %eq3A_30, %get3A_28, %broadcast_in_dim3A : vector<8x1024xi1>, vector<8x1024xf32>
    %reduce_sum3A = arith.constant dense<0.000000e+00> : vector<1024xf32>
    %reduce_sum3A_33 = vector.multi_reduction <add>, %select_n3A_32, %reduce_sum3A [0] : vector<8x1024xf32> to vector<1024xf32>
    %swap3A = arith.constant 0 : index
    %swap3A_34 = arith.constant 0 : index
    %swap3A_35 = vector.load %arg35[%swap3A, %swap3A_34] : memref<16x1024xf32, #tpu.memory_space<vmem>>, vector<1x1024xf32>
    %swap3A_36 = vector.shape_cast %swap3A_35 : vector<1x1024xf32> to vector<1024xf32>
    %swap3A_37 = vector.shape_cast %reduce_sum3A_33 : vector<1024xf32> to vector<1x1024xf32>
    tpu.vector_store %arg35[%swap3A, %swap3A_34], %swap3A_37 {strides = array<i32>} : memref<16x1024xf32, #tpu.memory_space<vmem>>, vector<1x1024xf32>,
    %get3A_38 = arith.constant 0 : index
    %get3A_39 = arith.constant 0 : index
    %get3A_40 = arith.constant 0 : index
    %get3A_41 = memref.load %arg1[%get3A_38, %get3A_39, %get3A_40] : memref<16x8x128xi32, #tpu.memory_space<smem>>
    %get3A_42 = arith.constant 0 : index
    %get3A_43 = arith.constant 0 : index
    %get3A_44 = arith.constant 0 : index
    %get3A_45 = memref.load %arg2[%get3A_42, %get3A_43, %get3A_44] : memref<16x1x128xi32, #tpu.memory_space<smem>>
    %add3A_46 = arith.addi %get3A_41, %get3A_45 : i32
    %sub3A_47 = arith.constant 2 : i32
    %sub3A_48 = arith.subi %add3A_46, %sub3A_47 : i32
    %add3A_49 = arith.constant 1 : i32
    %add3A_50 = arith.addi %sub3A_48, %add3A_49 : i32
    %lt3A_51 = arith.constant 0 : i32
    %lt3A_52 = arith.cmpi slt, %add3A_50, %lt3A_51 : i32
    %add3A_53 = arith.constant 4096 : i32
    %add3A_54 = arith.addi %add3A_50, %add3A_53 : i32
    %select_n3A_55 = arith.select %lt3A_52, %add3A_54, %add3A_50 : i32
    %jit3A_56 = arith.constant 8 : i32
    %eq3A_57 = arith.constant 0 : i32
    %eq3A_58 = arith.cmpi eq, %jit3A_56, %eq3A_57 : i32
    %jit3A_59 = arith.constant 1 : i32
    %select_n3A_60 = arith.select %eq3A_58, %jit3A_59, %jit3A_56 : i32
    %rem3A_61 = arith.remsi %select_n3A_55, %select_n3A_60 : i32
    %ne3A_62 = arith.constant 0 : i32
    %ne3A_63 = arith.cmpi ne, %rem3A_61, %ne3A_62 : i32
    %lt3A_64 = arith.constant 0 : i32
    %lt3A_65 = arith.cmpi slt, %rem3A_61, %lt3A_64 : i32
    %lt3A_66 = arith.constant 0 : i32
    %lt3A_67 = arith.cmpi slt, %select_n3A_60, %lt3A_66 : i32
    %ne3A_68 = arith.xori %lt3A_65, %lt3A_67 : i1
    %and3A_69 = arith.andi %ne3A_68, %ne3A_63 : i1
    %add3A_70 = arith.addi %rem3A_61, %select_n3A_60 : i32
    %select_n3A_71 = arith.select %and3A_69, %add3A_70, %rem3A_61 : i32
    %get3A_72 = arith.constant 0 : index
    %get3A_73 = arith.constant 0 : index
    %get3A_74 = arith.constant 0 : index
    %get3A_75 = vector.load %arg4[%get3A_72, %get3A_73, %get3A_74] : memref<1x8x1024xf32, #tpu.memory_space<vmem>>, vector<1x8x1024xf32>
    %get3A_76 = vector.shape_cast %get3A_75 : vector<1x8x1024xf32> to vector<8x1024xf32>
    %eq3A_77 = vector.broadcast %select_n3A_71 : i32 to vector<8x1024xi32>
    %eq3A_78 = arith.cmpi eq, %iota3A, %eq3A_77 : vector<8x1024xi32>
    %jit3A_79 = arith.constant 0.000000e+00 : f32
    %broadcast_in_dim3A_80 = vector.broadcast %jit3A_79 : f32 to vector<8x1024xf32>
    %select_n3A_81 = arith.select %eq3A_78, %get3A_76, %broadcast_in_dim3A_80 : vector<8x1024xi1>, vector<8x1024xf32>
    %reduce_sum3A_82 = arith.constant dense<0.000000e+00> : vector<1024xf32>
    %reduce_sum3A_83 = vector.multi_reduction <add>, %select_n3A_81, %reduce_sum3A_82 [0] : vector<8x1024xf32> to vector<1024xf32>
    %swap3A_84 = arith.constant 0 : index
    %swap3A_85 = arith.constant 0 : index
    %swap3A_86 = vector.load %arg36[%swap3A_84, %swap3A_85] : memref<16x1024xf32, #tpu.memory_space<vmem>>, vector<1x1024xf32>
    %swap3A_87 = vector.shape_cast %swap3A_86 : vector<1x1024xf32> to vector<1024xf32>
    %swap3A_88 = vector.shape_cast %reduce_sum3A_83 : vector<1024xf32> to vector<1x1024xf32>
    tpu.vector_store %arg36[%swap3A_84, %swap3A_85], %swap3A_88 {strides = array<i32>} : memref<16x1024xf32, #tpu.memory_space<vmem>>, vector<1x1024xf32>,
    %get3A_89 = arith.constant 1 : index
    %get3A_90 = arith.constant 0 : index
    %get3A_91 = arith.constant 0 : index
    %get3A_92 = memref.load %arg1[%get3A_89, %get3A_90, %get3A_91] : memref<16x8x128xi32, #tpu.memory_space<smem>>
    %get3A_93 = arith.constant 1 : index
    %get3A_94 = arith.constant 0 : index
    %get3A_95 = arith.constant 0 : index
    %get3A_96 = memref.load %arg2[%get3A_93, %get3A_94, %get3A_95] : memref<16x1x128xi32, #tpu.memory_space<smem>>
    %add3A_97 = arith.addi %get3A_92, %get3A_96 : i32
    %sub3A_98 = arith.constant 2 : i32
    %sub3A_99 = arith.subi %add3A_97, %sub3A_98 : i32
    %add3A_100 = arith.constant 0 : i32
    %add3A_101 = arith.addi %sub3A_99, %add3A_100 : i32
    %lt3A_102 = arith.constant 0 : i32
    %lt3A_103 = arith.cmpi slt, %add3A_101, %lt3A_102 : i32
    %add3A_104 = arith.constant 4096 : i32
    %add3A_105 = arith.addi %add3A_101, %add3A_104 : i32
    %select_n3A_106 = arith.select %lt3A_103, %add3A_105, %add3A_101 : i32
    %jit3A_107 = arith.constant 8 : i32
    %eq3A_108 = arith.constant 0 : i32
    %eq3A_109 = arith.cmpi eq, %jit3A_107, %eq3A_108 : i32
    %jit3A_110 = arith.constant 1 : i32
    %select_n3A_111 = arith.select %eq3A_109, %jit3A_110, %jit3A_107 : i32
    %rem3A_112 = arith.remsi %select_n3A_106, %select_n3A_111 : i32
    %ne3A_113 = arith.constant 0 : i32
    %ne3A_114 = arith.cmpi ne, %rem3A_112, %ne3A_113 : i32
    %lt3A_115 = arith.constant 0 : i32
    %lt3A_116 = arith.cmpi slt, %rem3A_112, %lt3A_115 : i32
    %lt3A_117 = arith.constant 0 : i32
    %lt3A_118 = arith.cmpi slt, %select_n3A_111, %lt3A_117 : i32
    %ne3A_119 = arith.xori %lt3A_116, %lt3A_118 : i1
    %and3A_120 = arith.andi %ne3A_119, %ne3A_114 : i1
    %add3A_121 = arith.addi %rem3A_112, %select_n3A_111 : i32
    %select_n3A_122 = arith.select %and3A_120, %add3A_121, %rem3A_112 : i32
    %get3A_123 = arith.constant 0 : index
    %get3A_124 = arith.constant 0 : index
    %get3A_125 = arith.constant 0 : index
    %get3A_126 = vector.load %arg5[%get3A_123, %get3A_124, %get3A_125] : memref<1x8x1024xf32, #tpu.memory_space<vmem>>, vector<1x8x1024xf32>
    %get3A_127 = vector.shape_cast %get3A_126 : vector<1x8x1024xf32> to vector<8x1024xf32>
    %eq3A_128 = vector.broadcast %select_n3A_122 : i32 to vector<8x1024xi32>
    %eq3A_129 = arith.cmpi eq, %iota3A, %eq3A_128 : vector<8x1024xi32>
    %jit3A_130 = arith.constant 0.000000e+00 : f32
    %broadcast_in_dim3A_131 = vector.broadcast %jit3A_130 : f32 to vector<8x1024xf32>
    %select_n3A_132 = arith.select %eq3A_129, %get3A_127, %broadcast_in_dim3A_131 : vector<8x1024xi1>, vector<8x1024xf32>
    %reduce_sum3A_133 = arith.constant dense<0.000000e+00> : vector<1024xf32>
    %reduce_sum3A_134 = vector.multi_reduction <add>, %select_n3A_132, %reduce_sum3A_133 [0] : vector<8x1024xf32> to vector<1024xf32>
    %swap3A_135 = arith.constant 1 : index
    %swap3A_136 = arith.constant 0 : index
    %swap3A_137 = vector.load %arg35[%swap3A_135, %swap3A_136] : memref<16x1024xf32, #tpu.memory_space<vmem>>, vector<1x1024xf32>
    %swap3A_138 = vector.shape_cast %swap3A_137 : vector<1x1024xf32> to vector<1024xf32>
    %swap3A_139 = vector.shape_cast %reduce_sum3A_134 : vector<1024xf32> to vector<1x1024xf32>
    tpu.vector_store %arg35[%swap3A_135, %swap3A_136], %swap3A_139 {strides = array<i32>} : memref<16x1024xf32, #tpu.memory_space<vmem>>, vector<1x1024xf32>,
    %get3A_140 = arith.constant 1 : index
    %get3A_141 = arith.constant 0 : index
    %get3A_142 = arith.constant 0 : index
    %get3A_143 = memref.load %arg1[%get3A_140, %get3A_141, %get3A_142] : memref<16x8x128xi32, #tpu.memory_space<smem>>
    %get3A_144 = arith.constant 1 : index
    %get3A_145 = arith.constant 0 : index
    %get3A_146 = arith.constant 0 : index
    %get3A_147 = memref.load %arg2[%get3A_144, %get3A_145, %get3A_146] : memref<16x1x128xi32, #tpu.memory_space<smem>>
    %add3A_148 = arith.addi %get3A_143, %get3A_147 : i32
    %sub3A_149 = arith.constant 2 : i32
    %sub3A_150 = arith.subi %add3A_148, %sub3A_149 : i32
    %add3A_151 = arith.constant 1 : i32
    %add3A_152 = arith.addi %sub3A_150, %add3A_151 : i32
    %lt3A_153 = arith.constant 0 : i32
    %lt3A_154 = arith.cmpi slt, %add3A_152, %lt3A_153 : i32
    %add3A_155 = arith.constant 4096 : i32
    %add3A_156 = arith.addi %add3A_152, %add3A_155 : i32
    %select_n3A_157 = arith.select %lt3A_154, %add3A_156, %add3A_152 : i32
    %jit3A_158 = arith.constant 8 : i32
    %eq3A_159 = arith.constant 0 : i32
    %eq3A_160 = arith.cmpi eq, %jit3A_158, %eq3A_159 : i32
    %jit3A_161 = arith.constant 1 : i32
    %select_n3A_162 = arith.select %eq3A_160, %jit3A_161, %jit3A_158 : i32
    %rem3A_163 = arith.remsi %select_n3A_157, %select_n3A_162 : i32
    %ne3A_164 = arith.constant 0 : i32
    %ne3A_165 = arith.cmpi ne, %rem3A_163, %ne3A_164 : i32
    %lt3A_166 = arith.constant 0 : i32
    %lt3A_167 = arith.cmpi slt, %rem3A_163, %lt3A_166 : i32
    %lt3A_168 = arith.constant 0 : i32
    %lt3A_169 = arith.cmpi slt, %select_n3A_162, %lt3A_168 : i32
    %ne3A_170 = arith.xori %lt3A_167, %lt3A_169 : i1
    %and3A_171 = arith.andi %ne3A_170, %ne3A_165 : i1
    %add3A_172 = arith.addi %rem3A_163, %select_n3A_162 : i32
    %select_n3A_173 = arith.select %and3A_171, %add3A_172, %rem3A_163 : i32
    %get3A_174 = arith.constant 0 : index
    %get3A_175 = arith.constant 0 : index
    %get3A_176 = arith.constant 0 : index
    %get3A_177 = vector.load %arg6[%get3A_174, %get3A_175, %get3A_176] : memref<1x8x1024xf32, #tpu.memory_space<vmem>>, vector<1x8x1024xf32>
    %get3A_178 = vector.shape_cast %get3A_177 : vector<1x8x1024xf32> to vector<8x1024xf32>
    %eq3A_179 = vector.broadcast %select_n3A_173 : i32 to vector<8x1024xi32>
    %eq3A_180 = arith.cmpi eq, %iota3A, %eq3A_179 : vector<8x1024xi32>
    %jit3A_181 = arith.constant 0.000000e+00 : f32
    %broadcast_in_dim3A_182 = vector.broadcast %jit3A_181 : f32 to vector<8x1024xf32>
    %select_n3A_183 = arith.select %eq3A_180, %get3A_178, %broadcast_in_dim3A_182 : vector<8x1024xi1>, vector<8x1024xf32>
    %reduce_sum3A_184 = arith.constant dense<0.000000e+00> : vector<1024xf32>
    %reduce_sum3A_185 = vector.multi_reduction <add>, %select_n3A_183, %reduce_sum3A_184 [0] : vector<8x1024xf32> to vector<1024xf32>
    %swap3A_186 = arith.constant 1 : index
    %swap3A_187 = arith.constant 0 : index
    %swap3A_188 = vector.load %arg36[%swap3A_186, %swap3A_187] : memref<16x1024xf32, #tpu.memory_space<vmem>>, vector<1x1024xf32>
    %swap3A_189 = vector.shape_cast %swap3A_188 : vector<1x1024xf32> to vector<1024xf32>
    %swap3A_190 = vector.shape_cast %reduce_sum3A_185 : vector<1024xf32> to vector<1x1024xf32>
    tpu.vector_store %arg36[%swap3A_186, %swap3A_187], %swap3A_190 {strides = array<i32>} : memref<16x1024xf32, #tpu.memory_space<vmem>>, vector<1x1024xf32>,
    %get3A_191 = arith.constant 2 : index
    %get3A_192 = arith.constant 0 : index
    %get3A_193 = arith.constant 0 : index
    %get3A_194 = memref.load %arg1[%get3A_191, %get3A_192, %get3A_193] : memref<16x8x128xi32, #tpu.memory_space<smem>>
    %get3A_195 = arith.constant 2 : index
    %get3A_196 = arith.constant 0 : index
    %get3A_197 = arith.constant 0 : index
    %get3A_198 = memref.load %arg2[%get3A_195, %get3A_196, %get3A_197] : memref<16x1x128xi32, #tpu.memory_space<smem>>
    %add3A_199 = arith.addi %get3A_194, %get3A_198 : i32
    %sub3A_200 = arith.constant 2 : i32
    %sub3A_201 = arith.subi %add3A_199, %sub3A_200 : i32
    %add3A_202 = arith.constant 0 : i32
    %add3A_203 = arith.addi %sub3A_201, %add3A_202 : i32
    %lt3A_204 = arith.constant 0 : i32
    %lt3A_205 = arith.cmpi slt, %add3A_203, %lt3A_204 : i32
    %add3A_206 = arith.constant 4096 : i32
    %add3A_207 = arith.addi %add3A_203, %add3A_206 : i32
    %select_n3A_208 = arith.select %lt3A_205, %add3A_207, %add3A_203 : i32
    %jit3A_209 = arith.constant 8 : i32
    %eq3A_210 = arith.constant 0 : i32
    %eq3A_211 = arith.cmpi eq, %jit3A_209, %eq3A_210 : i32
    %jit3A_212 = arith.constant 1 : i32
    %select_n3A_213 = arith.select %eq3A_211, %jit3A_212, %jit3A_209 : i32
    %rem3A_214 = arith.remsi %select_n3A_208, %select_n3A_213 : i32
    %ne3A_215 = arith.constant 0 : i32
    %ne3A_216 = arith.cmpi ne, %rem3A_214, %ne3A_215 : i32
    %lt3A_217 = arith.constant 0 : i32
    %lt3A_218 = arith.cmpi slt, %rem3A_214, %lt3A_217 : i32
    %lt3A_219 = arith.constant 0 : i32
    %lt3A_220 = arith.cmpi slt, %select_n3A_213, %lt3A_219 : i32
    %ne3A_221 = arith.xori %lt3A_218, %lt3A_220 : i1
    %and3A_222 = arith.andi %ne3A_221, %ne3A_216 : i1
    %add3A_223 = arith.addi %rem3A_214, %select_n3A_213 : i32
    %select_n3A_224 = arith.select %and3A_222, %add3A_223, %rem3A_214 : i32
    %get3A_225 = arith.constant 0 : index
    %get3A_226 = arith.constant 0 : index
    %get3A_227 = arith.constant 0 : index
    %get3A_228 = vector.load %arg7[%get3A_225, %get3A_226, %get3A_227] : memref<1x8x1024xf32, #tpu.memory_space<vmem>>, vector<1x8x1024xf32>
    %get3A_229 = vector.shape_cast %get3A_228 : vector<1x8x1024xf32> to vector<8x1024xf32>
    %eq3A_230 = vector.broadcast %select_n3A_224 : i32 to vector<8x1024xi32>
    %eq3A_231 = arith.cmpi eq, %iota3A, %eq3A_230 : vector<8x1024xi32>
    %jit3A_232 = arith.constant 0.000000e+00 : f32
    %broadcast_in_dim3A_233 = vector.broadcast %jit3A_232 : f32 to vector<8x1024xf32>
    %select_n3A_234 = arith.select %eq3A_231, %get3A_229, %broadcast_in_dim3A_233 : vector<8x1024xi1>, vector<8x1024xf32>
    %reduce_sum3A_235 = arith.constant dense<0.000000e+00> : vector<1024xf32>
    %reduce_sum3A_236 = vector.multi_reduction <add>, %select_n3A_234, %reduce_sum3A_235 [0] : vector<8x1024xf32> to vector<1024xf32>
    %swap3A_237 = arith.constant 2 : index
    %swap3A_238 = arith.constant 0 : index
    %swap3A_239 = vector.load %arg35[%swap3A_237, %swap3A_238] : memref<16x1024xf32, #tpu.memory_space<vmem>>, vector<1x1024xf32>
    %swap3A_240 = vector.shape_cast %swap3A_239 : vector<1x1024xf32> to vector<1024xf32>
    %swap3A_241 = vector.shape_cast %reduce_sum3A_236 : vector<1024xf32> to vector<1x1024xf32>
    tpu.vector_store %arg35[%swap3A_237, %swap3A_238], %swap3A_241 {strides = array<i32>} : memref<16x1024xf32, #tpu.memory_space<vmem>>, vector<1x1024xf32>,
    %get3A_242 = arith.constant 2 : index
    %get3A_243 = arith.constant 0 : index
    %get3A_244 = arith.constant 0 : index
    %get3A_245 = memref.load %arg1[%get3A_242, %get3A_243, %get3A_244] : memref<16x8x128xi32, #tpu.memory_space<smem>>
    %get3A_246 = arith.constant 2 : index
    %get3A_247 = arith.constant 0 : index
    %get3A_248 = arith.constant 0 : index
    %get3A_249 = memref.load %arg2[%get3A_246, %get3A_247, %get3A_248] : memref<16x1x128xi32, #tpu.memory_space<smem>>
    %add3A_250 = arith.addi %get3A_245, %get3A_249 : i32
    %sub3A_251 = arith.constant 2 : i32
    %sub3A_252 = arith.subi %add3A_250, %sub3A_251 : i32
    %add3A_253 = arith.constant 1 : i32
    %add3A_254 = arith.addi %sub3A_252, %add3A_253 : i32
    %lt3A_255 = arith.constant 0 : i32
    %lt3A_256 = arith.cmpi slt, %add3A_254, %lt3A_255 : i32
    %add3A_257 = arith.constant 4096 : i32
    %add3A_258 = arith.addi %add3A_254, %add3A_257 : i32
    %select_n3A_259 = arith.select %lt3A_256, %add3A_258, %add3A_254 : i32
    %jit3A_260 = arith.constant 8 : i32
    %eq3A_261 = arith.constant 0 : i32
    %eq3A_262 = arith.cmpi eq, %jit3A_260, %eq3A_261 : i32
    %jit3A_263 = arith.constant 1 : i32
    %select_n3A_264 = arith.select %eq3A_262, %jit3A_263, %jit3A_260 : i32
    %rem3A_265 = arith.remsi %select_n3A_259, %select_n3A_264 : i32
    %ne3A_266 = arith.constant 0 : i32
    %ne3A_267 = arith.cmpi ne, %rem3A_265, %ne3A_266 : i32
    %lt3A_268 = arith.constant 0 : i32
    %lt3A_269 = arith.cmpi slt, %rem3A_265, %lt3A_268 : i32
    %lt3A_270 = arith.constant 0 : i32
    %lt3A_271 = arith.cmpi slt, %select_n3A_264, %lt3A_270 : i32
    %ne3A_272 = arith.xori %lt3A_269, %lt3A_271 : i1
    %and3A_273 = arith.andi %ne3A_272, %ne3A_267 : i1
    %add3A_274 = arith.addi %rem3A_265, %select_n3A_264 : i32
    %select_n3A_275 = arith.select %and3A_273, %add3A_274, %rem3A_265 : i32
    %get3A_276 = arith.constant 0 : index
    %get3A_277 = arith.constant 0 : index
    %get3A_278 = arith.constant 0 : index
    %get3A_279 = vector.load %arg8[%get3A_276, %get3A_277, %get3A_278] : memref<1x8x1024xf32, #tpu.memory_space<vmem>>, vector<1x8x1024xf32>
    %get3A_280 = vector.shape_cast %get3A_279 : vector<1x8x1024xf32> to vector<8x1024xf32>
    %eq3A_281 = vector.broadcast %select_n3A_275 : i32 to vector<8x1024xi32>
    %eq3A_282 = arith.cmpi eq, %iota3A, %eq3A_281 : vector<8x1024xi32>
    %jit3A_283 = arith.constant 0.000000e+00 : f32
    %broadcast_in_dim3A_284 = vector.broadcast %jit3A_283 : f32 to vector<8x1024xf32>
    %select_n3A_285 = arith.select %eq3A_282, %get3A_280, %broadcast_in_dim3A_284 : vector<8x1024xi1>, vector<8x1024xf32>
    %reduce_sum3A_286 = arith.constant dense<0.000000e+00> : vector<1024xf32>
    %reduce_sum3A_287 = vector.multi_reduction <add>, %select_n3A_285, %reduce_sum3A_286 [0] : vector<8x1024xf32> to vector<1024xf32>
    %swap3A_288 = arith.constant 2 : index
    %swap3A_289 = arith.constant 0 : index
    %swap3A_290 = vector.load %arg36[%swap3A_288, %swap3A_289] : memref<16x1024xf32, #tpu.memory_space<vmem>>, vector<1x1024xf32>
    %swap3A_291 = vector.shape_cast %swap3A_290 : vector<1x1024xf32> to vector<1024xf32>
    %swap3A_292 = vector.shape_cast %reduce_sum3A_287 : vector<1024xf32> to vector<1x1024xf32>
    tpu.vector_store %arg36[%swap3A_288, %swap3A_289], %swap3A_292 {strides = array<i32>} : memref<16x1024xf32, #tpu.memory_space<vmem>>, vector<1x1024xf32>,
    %get3A_293 = arith.constant 3 : index
    %get3A_294 = arith.constant 0 : index
    %get3A_295 = arith.constant 0 : index
    %get3A_296 = memref.load %arg1[%get3A_293, %get3A_294, %get3A_295] : memref<16x8x128xi32, #tpu.memory_space<smem>>
    %get3A_297 = arith.constant 3 : index
    %get3A_298 = arith.constant 0 : index
    %get3A_299 = arith.constant 0 : index
    %get3A_300 = memref.load %arg2[%get3A_297, %get3A_298, %get3A_299] : memref<16x1x128xi32, #tpu.memory_space<smem>>
    %add3A_301 = arith.addi %get3A_296, %get3A_300 : i32
    %sub3A_302 = arith.constant 2 : i32
    %sub3A_303 = arith.subi %add3A_301, %sub3A_302 : i32
    %add3A_304 = arith.constant 0 : i32
    %add3A_305 = arith.addi %sub3A_303, %add3A_304 : i32
    %lt3A_306 = arith.constant 0 : i32
    %lt3A_307 = arith.cmpi slt, %add3A_305, %lt3A_306 : i32
    %add3A_308 = arith.constant 4096 : i32
    %add3A_309 = arith.addi %add3A_305, %add3A_308 : i32
    %select_n3A_310 = arith.select %lt3A_307, %add3A_309, %add3A_305 : i32
    %jit3A_311 = arith.constant 8 : i32
    %eq3A_312 = arith.constant 0 : i32
    %eq3A_313 = arith.cmpi eq, %jit3A_311, %eq3A_312 : i32
    %jit3A_314 = arith.constant 1 : i32
    %select_n3A_315 = arith.select %eq3A_313, %jit3A_314, %jit3A_311 : i32
    %rem3A_316 = arith.remsi %select_n3A_310, %select_n3A_315 : i32
    %ne3A_317 = arith.constant 0 : i32
    %ne3A_318 = arith.cmpi ne, %rem3A_316, %ne3A_317 : i32
    %lt3A_319 = arith.constant 0 : i32
    %lt3A_320 = arith.cmpi slt, %rem3A_316, %lt3A_319 : i32
    %lt3A_321 = arith.constant 0 : i32
    %lt3A_322 = arith.cmpi slt, %select_n3A_315, %lt3A_321 : i32
    %ne3A_323 = arith.xori %lt3A_320, %lt3A_322 : i1
    %and3A_324 = arith.andi %ne3A_323, %ne3A_318 : i1
    %add3A_325 = arith.addi %rem3A_316, %select_n3A_315 : i32
    %select_n3A_326 = arith.select %and3A_324, %add3A_325, %rem3A_316 : i32
    %get3A_327 = arith.constant 0 : index
    %get3A_328 = arith.constant 0 : index
    %get3A_329 = arith.constant 0 : index
    %get3A_330 = vector.load %arg9[%get3A_327, %get3A_328, %get3A_329] : memref<1x8x1024xf32, #tpu.memory_space<vmem>>, vector<1x8x1024xf32>
    %get3A_331 = vector.shape_cast %get3A_330 : vector<1x8x1024xf32> to vector<8x1024xf32>
    %eq3A_332 = vector.broadcast %select_n3A_326 : i32 to vector<8x1024xi32>
    %eq3A_333 = arith.cmpi eq, %iota3A, %eq3A_332 : vector<8x1024xi32>
    %jit3A_334 = arith.constant 0.000000e+00 : f32
    %broadcast_in_dim3A_335 = vector.broadcast %jit3A_334 : f32 to vector<8x1024xf32>
    %select_n3A_336 = arith.select %eq3A_333, %get3A_331, %broadcast_in_dim3A_335 : vector<8x1024xi1>, vector<8x1024xf32>
    %reduce_sum3A_337 = arith.constant dense<0.000000e+00> : vector<1024xf32>
    %reduce_sum3A_338 = vector.multi_reduction <add>, %select_n3A_336, %reduce_sum3A_337 [0] : vector<8x1024xf32> to vector<1024xf32>
    %swap3A_339 = arith.constant 3 : index
    %swap3A_340 = arith.constant 0 : index
    %swap3A_341 = vector.load %arg35[%swap3A_339, %swap3A_340] : memref<16x1024xf32, #tpu.memory_space<vmem>>, vector<1x1024xf32>
    %swap3A_342 = vector.shape_cast %swap3A_341 : vector<1x1024xf32> to vector<1024xf32>
    %swap3A_343 = vector.shape_cast %reduce_sum3A_338 : vector<1024xf32> to vector<1x1024xf32>
    tpu.vector_store %arg35[%swap3A_339, %swap3A_340], %swap3A_343 {strides = array<i32>} : memref<16x1024xf32, #tpu.memory_space<vmem>>, vector<1x1024xf32>,
    %get3A_344 = arith.constant 3 : index
    %get3A_345 = arith.constant 0 : index
    %get3A_346 = arith.constant 0 : index
    %get3A_347 = memref.load %arg1[%get3A_344, %get3A_345, %get3A_346] : memref<16x8x128xi32, #tpu.memory_space<smem>>
    %get3A_348 = arith.constant 3 : index
    %get3A_349 = arith.constant 0 : index
    %get3A_350 = arith.constant 0 : index
    %get3A_351 = memref.load %arg2[%get3A_348, %get3A_349, %get3A_350] : memref<16x1x128xi32, #tpu.memory_space<smem>>
    %add3A_352 = arith.addi %get3A_347, %get3A_351 : i32
    %sub3A_353 = arith.constant 2 : i32
    %sub3A_354 = arith.subi %add3A_352, %sub3A_353 : i32
    %add3A_355 = arith.constant 1 : i32
    %add3A_356 = arith.addi %sub3A_354, %add3A_355 : i32
    %lt3A_357 = arith.constant 0 : i32
    %lt3A_358 = arith.cmpi slt, %add3A_356, %lt3A_357 : i32
    %add3A_359 = arith.constant 4096 : i32
    %add3A_360 = arith.addi %add3A_356, %add3A_359 : i32
    %select_n3A_361 = arith.select %lt3A_358, %add3A_360, %add3A_356 : i32
    %jit3A_362 = arith.constant 8 : i32
    %eq3A_363 = arith.constant 0 : i32
    %eq3A_364 = arith.cmpi eq, %jit3A_362, %eq3A_363 : i32
    %jit3A_365 = arith.constant 1 : i32
    %select_n3A_366 = arith.select %eq3A_364, %jit3A_365, %jit3A_362 : i32
    %rem3A_367 = arith.remsi %select_n3A_361, %select_n3A_366 : i32
    %ne3A_368 = arith.constant 0 : i32
    %ne3A_369 = arith.cmpi ne, %rem3A_367, %ne3A_368 : i32
    %lt3A_370 = arith.constant 0 : i32
    %lt3A_371 = arith.cmpi slt, %rem3A_367, %lt3A_370 : i32
    %lt3A_372 = arith.constant 0 : i32
    %lt3A_373 = arith.cmpi slt, %select_n3A_366, %lt3A_372 : i32
    %ne3A_374 = arith.xori %lt3A_371, %lt3A_373 : i1
    %and3A_375 = arith.andi %ne3A_374, %ne3A_369 : i1
    %add3A_376 = arith.addi %rem3A_367, %select_n3A_366 : i32
    %select_n3A_377 = arith.select %and3A_375, %add3A_376, %rem3A_367 : i32
    %get3A_378 = arith.constant 0 : index
    %get3A_379 = arith.constant 0 : index
    %get3A_380 = arith.constant 0 : index
    %get3A_381 = vector.load %arg10[%get3A_378, %get3A_379, %get3A_380] : memref<1x8x1024xf32, #tpu.memory_space<vmem>>, vector<1x8x1024xf32>
    %get3A_382 = vector.shape_cast %get3A_381 : vector<1x8x1024xf32> to vector<8x1024xf32>
    %eq3A_383 = vector.broadcast %select_n3A_377 : i32 to vector<8x1024xi32>
    %eq3A_384 = arith.cmpi eq, %iota3A, %eq3A_383 : vector<8x1024xi32>
    %jit3A_385 = arith.constant 0.000000e+00 : f32
    %broadcast_in_dim3A_386 = vector.broadcast %jit3A_385 : f32 to vector<8x1024xf32>
    %select_n3A_387 = arith.select %eq3A_384, %get3A_382, %broadcast_in_dim3A_386 : vector<8x1024xi1>, vector<8x1024xf32>
    %reduce_sum3A_388 = arith.constant dense<0.000000e+00> : vector<1024xf32>
    %reduce_sum3A_389 = vector.multi_reduction <add>, %select_n3A_387, %reduce_sum3A_388 [0] : vector<8x1024xf32> to vector<1024xf32>
    %swap3A_390 = arith.constant 3 : index
    %swap3A_391 = arith.constant 0 : index
    %swap3A_392 = vector.load %arg36[%swap3A_390, %swap3A_391] : memref<16x1024xf32, #tpu.memory_space<vmem>>, vector<1x1024xf32>
    %swap3A_393 = vector.shape_cast %swap3A_392 : vector<1x1024xf32> to vector<1024xf32>
    %swap3A_394 = vector.shape_cast %reduce_sum3A_389 : vector<1024xf32> to vector<1x1024xf32>
    tpu.vector_store %arg36[%swap3A_390, %swap3A_391], %swap3A_394 {strides = array<i32>} : memref<16x1024xf32, #tpu.memory_space<vmem>>, vector<1x1024xf32>,
    %get3A_395 = arith.constant 4 : index
    %get3A_396 = arith.constant 0 : index
    %get3A_397 = arith.constant 0 : index
    %get3A_398 = memref.load %arg1[%get3A_395, %get3A_396, %get3A_397] : memref<16x8x128xi32, #tpu.memory_space<smem>>
    %get3A_399 = arith.constant 4 : index
    %get3A_400 = arith.constant 0 : index
    %get3A_401 = arith.constant 0 : index
    %get3A_402 = memref.load %arg2[%get3A_399, %get3A_400, %get3A_401] : memref<16x1x128xi32, #tpu.memory_space<smem>>
    %add3A_403 = arith.addi %get3A_398, %get3A_402 : i32
    %sub3A_404 = arith.constant 2 : i32
    %sub3A_405 = arith.subi %add3A_403, %sub3A_404 : i32
    %add3A_406 = arith.constant 0 : i32
    %add3A_407 = arith.addi %sub3A_405, %add3A_406 : i32
    %lt3A_408 = arith.constant 0 : i32
    %lt3A_409 = arith.cmpi slt, %add3A_407, %lt3A_408 : i32
    %add3A_410 = arith.constant 4096 : i32
    %add3A_411 = arith.addi %add3A_407, %add3A_410 : i32
    %select_n3A_412 = arith.select %lt3A_409, %add3A_411, %add3A_407 : i32
    %jit3A_413 = arith.constant 8 : i32
    %eq3A_414 = arith.constant 0 : i32
    %eq3A_415 = arith.cmpi eq, %jit3A_413, %eq3A_414 : i32
    %jit3A_416 = arith.constant 1 : i32
    %select_n3A_417 = arith.select %eq3A_415, %jit3A_416, %jit3A_413 : i32
    %rem3A_418 = arith.remsi %select_n3A_412, %select_n3A_417 : i32
    %ne3A_419 = arith.constant 0 : i32
    %ne3A_420 = arith.cmpi ne, %rem3A_418, %ne3A_419 : i32
    %lt3A_421 = arith.constant 0 : i32
    %lt3A_422 = arith.cmpi slt, %rem3A_418, %lt3A_421 : i32
    %lt3A_423 = arith.constant 0 : i32
    %lt3A_424 = arith.cmpi slt, %select_n3A_417, %lt3A_423 : i32
    %ne3A_425 = arith.xori %lt3A_422, %lt3A_424 : i1
    %and3A_426 = arith.andi %ne3A_425, %ne3A_420 : i1
    %add3A_427 = arith.addi %rem3A_418, %select_n3A_417 : i32
    %select_n3A_428 = arith.select %and3A_426, %add3A_427, %rem3A_418 : i32
    %get3A_429 = arith.constant 0 : index
    %get3A_430 = arith.constant 0 : index
    %get3A_431 = arith.constant 0 : index
    %get3A_432 = vector.load %arg11[%get3A_429, %get3A_430, %get3A_431] : memref<1x8x1024xf32, #tpu.memory_space<vmem>>, vector<1x8x1024xf32>
    %get3A_433 = vector.shape_cast %get3A_432 : vector<1x8x1024xf32> to vector<8x1024xf32>
    %eq3A_434 = vector.broadcast %select_n3A_428 : i32 to vector<8x1024xi32>
    %eq3A_435 = arith.cmpi eq, %iota3A, %eq3A_434 : vector<8x1024xi32>
    %jit3A_436 = arith.constant 0.000000e+00 : f32
    %broadcast_in_dim3A_437 = vector.broadcast %jit3A_436 : f32 to vector<8x1024xf32>
    %select_n3A_438 = arith.select %eq3A_435, %get3A_433, %broadcast_in_dim3A_437 : vector<8x1024xi1>, vector<8x1024xf32>
    %reduce_sum3A_439 = arith.constant dense<0.000000e+00> : vector<1024xf32>
    %reduce_sum3A_440 = vector.multi_reduction <add>, %select_n3A_438, %reduce_sum3A_439 [0] : vector<8x1024xf32> to vector<1024xf32>
    %swap3A_441 = arith.constant 4 : index
    %swap3A_442 = arith.constant 0 : index
    %swap3A_443 = vector.load %arg35[%swap3A_441, %swap3A_442] : memref<16x1024xf32, #tpu.memory_space<vmem>>, vector<1x1024xf32>
    %swap3A_444 = vector.shape_cast %swap3A_443 : vector<1x1024xf32> to vector<1024xf32>
    %swap3A_445 = vector.shape_cast %reduce_sum3A_440 : vector<1024xf32> to vector<1x1024xf32>
    tpu.vector_store %arg35[%swap3A_441, %swap3A_442], %swap3A_445 {strides = array<i32>} : memref<16x1024xf32, #tpu.memory_space<vmem>>, vector<1x1024xf32>,
    %get3A_446 = arith.constant 4 : index
    %get3A_447 = arith.constant 0 : index
    %get3A_448 = arith.constant 0 : index
    %get3A_449 = memref.load %arg1[%get3A_446, %get3A_447, %get3A_448] : memref<16x8x128xi32, #tpu.memory_space<smem>>
    %get3A_450 = arith.constant 4 : index
    %get3A_451 = arith.constant 0 : index
    %get3A_452 = arith.constant 0 : index
    %get3A_453 = memref.load %arg2[%get3A_450, %get3A_451, %get3A_452] : memref<16x1x128xi32, #tpu.memory_space<smem>>
    %add3A_454 = arith.addi %get3A_449, %get3A_453 : i32
    %sub3A_455 = arith.constant 2 : i32
    %sub3A_456 = arith.subi %add3A_454, %sub3A_455 : i32
    %add3A_457 = arith.constant 1 : i32
    %add3A_458 = arith.addi %sub3A_456, %add3A_457 : i32
    %lt3A_459 = arith.constant 0 : i32
    %lt3A_460 = arith.cmpi slt, %add3A_458, %lt3A_459 : i32
    %add3A_461 = arith.constant 4096 : i32
    %add3A_462 = arith.addi %add3A_458, %add3A_461 : i32
    %select_n3A_463 = arith.select %lt3A_460, %add3A_462, %add3A_458 : i32
    %jit3A_464 = arith.constant 8 : i32
    %eq3A_465 = arith.constant 0 : i32
    %eq3A_466 = arith.cmpi eq, %jit3A_464, %eq3A_465 : i32
    %jit3A_467 = arith.constant 1 : i32
    %select_n3A_468 = arith.select %eq3A_466, %jit3A_467, %jit3A_464 : i32
    %rem3A_469 = arith.remsi %select_n3A_463, %select_n3A_468 : i32
    %ne3A_470 = arith.constant 0 : i32
    %ne3A_471 = arith.cmpi ne, %rem3A_469, %ne3A_470 : i32
    %lt3A_472 = arith.constant 0 : i32
    %lt3A_473 = arith.cmpi slt, %rem3A_469, %lt3A_472 : i32
    %lt3A_474 = arith.constant 0 : i32
    %lt3A_475 = arith.cmpi slt, %select_n3A_468, %lt3A_474 : i32
    %ne3A_476 = arith.xori %lt3A_473, %lt3A_475 : i1
    %and3A_477 = arith.andi %ne3A_476, %ne3A_471 : i1
    %add3A_478 = arith.addi %rem3A_469, %select_n3A_468 : i32
    %select_n3A_479 = arith.select %and3A_477, %add3A_478, %rem3A_469 : i32
    %get3A_480 = arith.constant 0 : index
    %get3A_481 = arith.constant 0 : index
    %get3A_482 = arith.constant 0 : index
    %get3A_483 = vector.load %arg12[%get3A_480, %get3A_481, %get3A_482] : memref<1x8x1024xf32, #tpu.memory_space<vmem>>, vector<1x8x1024xf32>
    %get3A_484 = vector.shape_cast %get3A_483 : vector<1x8x1024xf32> to vector<8x1024xf32>
    %eq3A_485 = vector.broadcast %select_n3A_479 : i32 to vector<8x1024xi32>
    %eq3A_486 = arith.cmpi eq, %iota3A, %eq3A_485 : vector<8x1024xi32>
    %jit3A_487 = arith.constant 0.000000e+00 : f32
    %broadcast_in_dim3A_488 = vector.broadcast %jit3A_487 : f32 to vector<8x1024xf32>
    %select_n3A_489 = arith.select %eq3A_486, %get3A_484, %broadcast_in_dim3A_488 : vector<8x1024xi1>, vector<8x1024xf32>
    %reduce_sum3A_490 = arith.constant dense<0.000000e+00> : vector<1024xf32>
    %reduce_sum3A_491 = vector.multi_reduction <add>, %select_n3A_489, %reduce_sum3A_490 [0] : vector<8x1024xf32> to vector<1024xf32>
    %swap3A_492 = arith.constant 4 : index
    %swap3A_493 = arith.constant 0 : index
    %swap3A_494 = vector.load %arg36[%swap3A_492, %swap3A_493] : memref<16x1024xf32, #tpu.memory_space<vmem>>, vector<1x1024xf32>
    %swap3A_495 = vector.shape_cast %swap3A_494 : vector<1x1024xf32> to vector<1024xf32>
    %swap3A_496 = vector.shape_cast %reduce_sum3A_491 : vector<1024xf32> to vector<1x1024xf32>
    tpu.vector_store %arg36[%swap3A_492, %swap3A_493], %swap3A_496 {strides = array<i32>} : memref<16x1024xf32, #tpu.memory_space<vmem>>, vector<1x1024xf32>,
    %get3A_497 = arith.constant 5 : index
    %get3A_498 = arith.constant 0 : index
    %get3A_499 = arith.constant 0 : index
    %get3A_500 = memref.load %arg1[%get3A_497, %get3A_498, %get3A_499] : memref<16x8x128xi32, #tpu.memory_space<smem>>
    %get3A_501 = arith.constant 5 : index
    %get3A_502 = arith.constant 0 : index
    %get3A_503 = arith.constant 0 : index
    %get3A_504 = memref.load %arg2[%get3A_501, %get3A_502, %get3A_503] : memref<16x1x128xi32, #tpu.memory_space<smem>>
    %add3A_505 = arith.addi %get3A_500, %get3A_504 : i32
    %sub3A_506 = arith.constant 2 : i32
    %sub3A_507 = arith.subi %add3A_505, %sub3A_506 : i32
    %add3A_508 = arith.constant 0 : i32
    %add3A_509 = arith.addi %sub3A_507, %add3A_508 : i32
    %lt3A_510 = arith.constant 0 : i32
    %lt3A_511 = arith.cmpi slt, %add3A_509, %lt3A_510 : i32
    %add3A_512 = arith.constant 4096 : i32
    %add3A_513 = arith.addi %add3A_509, %add3A_512 : i32
    %select_n3A_514 = arith.select %lt3A_511, %add3A_513, %add3A_509 : i32
    %jit3A_515 = arith.constant 8 : i32
    %eq3A_516 = arith.constant 0 : i32
    %eq3A_517 = arith.cmpi eq, %jit3A_515, %eq3A_516 : i32
    %jit3A_518 = arith.constant 1 : i32
    %select_n3A_519 = arith.select %eq3A_517, %jit3A_518, %jit3A_515 : i32
    %rem3A_520 = arith.remsi %select_n3A_514, %select_n3A_519 : i32
    %ne3A_521 = arith.constant 0 : i32
    %ne3A_522 = arith.cmpi ne, %rem3A_520, %ne3A_521 : i32
    %lt3A_523 = arith.constant 0 : i32
    %lt3A_524 = arith.cmpi slt, %rem3A_520, %lt3A_523 : i32
    %lt3A_525 = arith.constant 0 : i32
    %lt3A_526 = arith.cmpi slt, %select_n3A_519, %lt3A_525 : i32
    %ne3A_527 = arith.xori %lt3A_524, %lt3A_526 : i1
    %and3A_528 = arith.andi %ne3A_527, %ne3A_522 : i1
    %add3A_529 = arith.addi %rem3A_520, %select_n3A_519 : i32
    %select_n3A_530 = arith.select %and3A_528, %add3A_529, %rem3A_520 : i32
    %get3A_531 = arith.constant 0 : index
    %get3A_532 = arith.constant 0 : index
    %get3A_533 = arith.constant 0 : index
    %get3A_534 = vector.load %arg13[%get3A_531, %get3A_532, %get3A_533] : memref<1x8x1024xf32, #tpu.memory_space<vmem>>, vector<1x8x1024xf32>
    %get3A_535 = vector.shape_cast %get3A_534 : vector<1x8x1024xf32> to vector<8x1024xf32>
    %eq3A_536 = vector.broadcast %select_n3A_530 : i32 to vector<8x1024xi32>
    %eq3A_537 = arith.cmpi eq, %iota3A, %eq3A_536 : vector<8x1024xi32>
    %jit3A_538 = arith.constant 0.000000e+00 : f32
    %broadcast_in_dim3A_539 = vector.broadcast %jit3A_538 : f32 to vector<8x1024xf32>
    %select_n3A_540 = arith.select %eq3A_537, %get3A_535, %broadcast_in_dim3A_539 : vector<8x1024xi1>, vector<8x1024xf32>
    %reduce_sum3A_541 = arith.constant dense<0.000000e+00> : vector<1024xf32>
    %reduce_sum3A_542 = vector.multi_reduction <add>, %select_n3A_540, %reduce_sum3A_541 [0] : vector<8x1024xf32> to vector<1024xf32>
    %swap3A_543 = arith.constant 5 : index
    %swap3A_544 = arith.constant 0 : index
    %swap3A_545 = vector.load %arg35[%swap3A_543, %swap3A_544] : memref<16x1024xf32, #tpu.memory_space<vmem>>, vector<1x1024xf32>
    %swap3A_546 = vector.shape_cast %swap3A_545 : vector<1x1024xf32> to vector<1024xf32>
    %swap3A_547 = vector.shape_cast %reduce_sum3A_542 : vector<1024xf32> to vector<1x1024xf32>
    tpu.vector_store %arg35[%swap3A_543, %swap3A_544], %swap3A_547 {strides = array<i32>} : memref<16x1024xf32, #tpu.memory_space<vmem>>, vector<1x1024xf32>,
    %get3A_548 = arith.constant 5 : index
    %get3A_549 = arith.constant 0 : index
    %get3A_550 = arith.constant 0 : index
    %get3A_551 = memref.load %arg1[%get3A_548, %get3A_549, %get3A_550] : memref<16x8x128xi32, #tpu.memory_space<smem>>
    %get3A_552 = arith.constant 5 : index
    %get3A_553 = arith.constant 0 : index
    %get3A_554 = arith.constant 0 : index
    %get3A_555 = memref.load %arg2[%get3A_552, %get3A_553, %get3A_554] : memref<16x1x128xi32, #tpu.memory_space<smem>>
    %add3A_556 = arith.addi %get3A_551, %get3A_555 : i32
    %sub3A_557 = arith.constant 2 : i32
    %sub3A_558 = arith.subi %add3A_556, %sub3A_557 : i32
    %add3A_559 = arith.constant 1 : i32
    %add3A_560 = arith.addi %sub3A_558, %add3A_559 : i32
    %lt3A_561 = arith.constant 0 : i32
    %lt3A_562 = arith.cmpi slt, %add3A_560, %lt3A_561 : i32
    %add3A_563 = arith.constant 4096 : i32
    %add3A_564 = arith.addi %add3A_560, %add3A_563 : i32
    %select_n3A_565 = arith.select %lt3A_562, %add3A_564, %add3A_560 : i32
    %jit3A_566 = arith.constant 8 : i32
    %eq3A_567 = arith.constant 0 : i32
    %eq3A_568 = arith.cmpi eq, %jit3A_566, %eq3A_567 : i32
    %jit3A_569 = arith.constant 1 : i32
    %select_n3A_570 = arith.select %eq3A_568, %jit3A_569, %jit3A_566 : i32
    %rem3A_571 = arith.remsi %select_n3A_565, %select_n3A_570 : i32
    %ne3A_572 = arith.constant 0 : i32
    %ne3A_573 = arith.cmpi ne, %rem3A_571, %ne3A_572 : i32
    %lt3A_574 = arith.constant 0 : i32
    %lt3A_575 = arith.cmpi slt, %rem3A_571, %lt3A_574 : i32
    %lt3A_576 = arith.constant 0 : i32
    %lt3A_577 = arith.cmpi slt, %select_n3A_570, %lt3A_576 : i32
    %ne3A_578 = arith.xori %lt3A_575, %lt3A_577 : i1
    %and3A_579 = arith.andi %ne3A_578, %ne3A_573 : i1
    %add3A_580 = arith.addi %rem3A_571, %select_n3A_570 : i32
    %select_n3A_581 = arith.select %and3A_579, %add3A_580, %rem3A_571 : i32
    %get3A_582 = arith.constant 0 : index
    %get3A_583 = arith.constant 0 : index
    %get3A_584 = arith.constant 0 : index
    %get3A_585 = vector.load %arg14[%get3A_582, %get3A_583, %get3A_584] : memref<1x8x1024xf32, #tpu.memory_space<vmem>>, vector<1x8x1024xf32>
    %get3A_586 = vector.shape_cast %get3A_585 : vector<1x8x1024xf32> to vector<8x1024xf32>
    %eq3A_587 = vector.broadcast %select_n3A_581 : i32 to vector<8x1024xi32>
    %eq3A_588 = arith.cmpi eq, %iota3A, %eq3A_587 : vector<8x1024xi32>
    %jit3A_589 = arith.constant 0.000000e+00 : f32
    %broadcast_in_dim3A_590 = vector.broadcast %jit3A_589 : f32 to vector<8x1024xf32>
    %select_n3A_591 = arith.select %eq3A_588, %get3A_586, %broadcast_in_dim3A_590 : vector<8x1024xi1>, vector<8x1024xf32>
    %reduce_sum3A_592 = arith.constant dense<0.000000e+00> : vector<1024xf32>
    %reduce_sum3A_593 = vector.multi_reduction <add>, %select_n3A_591, %reduce_sum3A_592 [0] : vector<8x1024xf32> to vector<1024xf32>
    %swap3A_594 = arith.constant 5 : index
    %swap3A_595 = arith.constant 0 : index
    %swap3A_596 = vector.load %arg36[%swap3A_594, %swap3A_595] : memref<16x1024xf32, #tpu.memory_space<vmem>>, vector<1x1024xf32>
    %swap3A_597 = vector.shape_cast %swap3A_596 : vector<1x1024xf32> to vector<1024xf32>
    %swap3A_598 = vector.shape_cast %reduce_sum3A_593 : vector<1024xf32> to vector<1x1024xf32>
    tpu.vector_store %arg36[%swap3A_594, %swap3A_595], %swap3A_598 {strides = array<i32>} : memref<16x1024xf32, #tpu.memory_space<vmem>>, vector<1x1024xf32>,
    %get3A_599 = arith.constant 6 : index
    %get3A_600 = arith.constant 0 : index
    %get3A_601 = arith.constant 0 : index
    %get3A_602 = memref.load %arg1[%get3A_599, %get3A_600, %get3A_601] : memref<16x8x128xi32, #tpu.memory_space<smem>>
    %get3A_603 = arith.constant 6 : index
    %get3A_604 = arith.constant 0 : index
    %get3A_605 = arith.constant 0 : index
    %get3A_606 = memref.load %arg2[%get3A_603, %get3A_604, %get3A_605] : memref<16x1x128xi32, #tpu.memory_space<smem>>
    %add3A_607 = arith.addi %get3A_602, %get3A_606 : i32
    %sub3A_608 = arith.constant 2 : i32
    %sub3A_609 = arith.subi %add3A_607, %sub3A_608 : i32
    %add3A_610 = arith.constant 0 : i32
    %add3A_611 = arith.addi %sub3A_609, %add3A_610 : i32
    %lt3A_612 = arith.constant 0 : i32
    %lt3A_613 = arith.cmpi slt, %add3A_611, %lt3A_612 : i32
    %add3A_614 = arith.constant 4096 : i32
    %add3A_615 = arith.addi %add3A_611, %add3A_614 : i32
    %select_n3A_616 = arith.select %lt3A_613, %add3A_615, %add3A_611 : i32
    %jit3A_617 = arith.constant 8 : i32
    %eq3A_618 = arith.constant 0 : i32
    %eq3A_619 = arith.cmpi eq, %jit3A_617, %eq3A_618 : i32
    %jit3A_620 = arith.constant 1 : i32
    %select_n3A_621 = arith.select %eq3A_619, %jit3A_620, %jit3A_617 : i32
    %rem3A_622 = arith.remsi %select_n3A_616, %select_n3A_621 : i32
    %ne3A_623 = arith.constant 0 : i32
    %ne3A_624 = arith.cmpi ne, %rem3A_622, %ne3A_623 : i32
    %lt3A_625 = arith.constant 0 : i32
    %lt3A_626 = arith.cmpi slt, %rem3A_622, %lt3A_625 : i32
    %lt3A_627 = arith.constant 0 : i32
    %lt3A_628 = arith.cmpi slt, %select_n3A_621, %lt3A_627 : i32
    %ne3A_629 = arith.xori %lt3A_626, %lt3A_628 : i1
    %and3A_630 = arith.andi %ne3A_629, %ne3A_624 : i1
    %add3A_631 = arith.addi %rem3A_622, %select_n3A_621 : i32
    %select_n3A_632 = arith.select %and3A_630, %add3A_631, %rem3A_622 : i32
    %get3A_633 = arith.constant 0 : index
    %get3A_634 = arith.constant 0 : index
    %get3A_635 = arith.constant 0 : index
    %get3A_636 = vector.load %arg15[%get3A_633, %get3A_634, %get3A_635] : memref<1x8x1024xf32, #tpu.memory_space<vmem>>, vector<1x8x1024xf32>
    %get3A_637 = vector.shape_cast %get3A_636 : vector<1x8x1024xf32> to vector<8x1024xf32>
    %eq3A_638 = vector.broadcast %select_n3A_632 : i32 to vector<8x1024xi32>
    %eq3A_639 = arith.cmpi eq, %iota3A, %eq3A_638 : vector<8x1024xi32>
    %jit3A_640 = arith.constant 0.000000e+00 : f32
    %broadcast_in_dim3A_641 = vector.broadcast %jit3A_640 : f32 to vector<8x1024xf32>
    %select_n3A_642 = arith.select %eq3A_639, %get3A_637, %broadcast_in_dim3A_641 : vector<8x1024xi1>, vector<8x1024xf32>
    %reduce_sum3A_643 = arith.constant dense<0.000000e+00> : vector<1024xf32>
    %reduce_sum3A_644 = vector.multi_reduction <add>, %select_n3A_642, %reduce_sum3A_643 [0] : vector<8x1024xf32> to vector<1024xf32>
    %swap3A_645 = arith.constant 6 : index
    %swap3A_646 = arith.constant 0 : index
    %swap3A_647 = vector.load %arg35[%swap3A_645, %swap3A_646] : memref<16x1024xf32, #tpu.memory_space<vmem>>, vector<1x1024xf32>
    %swap3A_648 = vector.shape_cast %swap3A_647 : vector<1x1024xf32> to vector<1024xf32>
    %swap3A_649 = vector.shape_cast %reduce_sum3A_644 : vector<1024xf32> to vector<1x1024xf32>
    tpu.vector_store %arg35[%swap3A_645, %swap3A_646], %swap3A_649 {strides = array<i32>} : memref<16x1024xf32, #tpu.memory_space<vmem>>, vector<1x1024xf32>,
    %get3A_650 = arith.constant 6 : index
    %get3A_651 = arith.constant 0 : index
    %get3A_652 = arith.constant 0 : index
    %get3A_653 = memref.load %arg1[%get3A_650, %get3A_651, %get3A_652] : memref<16x8x128xi32, #tpu.memory_space<smem>>
    %get3A_654 = arith.constant 6 : index
    %get3A_655 = arith.constant 0 : index
    %get3A_656 = arith.constant 0 : index
    %get3A_657 = memref.load %arg2[%get3A_654, %get3A_655, %get3A_656] : memref<16x1x128xi32, #tpu.memory_space<smem>>
    %add3A_658 = arith.addi %get3A_653, %get3A_657 : i32
    %sub3A_659 = arith.constant 2 : i32
    %sub3A_660 = arith.subi %add3A_658, %sub3A_659 : i32
    %add3A_661 = arith.constant 1 : i32
    %add3A_662 = arith.addi %sub3A_660, %add3A_661 : i32
    %lt3A_663 = arith.constant 0 : i32
    %lt3A_664 = arith.cmpi slt, %add3A_662, %lt3A_663 : i32
    %add3A_665 = arith.constant 4096 : i32
    %add3A_666 = arith.addi %add3A_662, %add3A_665 : i32
    %select_n3A_667 = arith.select %lt3A_664, %add3A_666, %add3A_662 : i32
    %jit3A_668 = arith.constant 8 : i32
    %eq3A_669 = arith.constant 0 : i32
    %eq3A_670 = arith.cmpi eq, %jit3A_668, %eq3A_669 : i32
    %jit3A_671 = arith.constant 1 : i32
    %select_n3A_672 = arith.select %eq3A_670, %jit3A_671, %jit3A_668 : i32
    %rem3A_673 = arith.remsi %select_n3A_667, %select_n3A_672 : i32
    %ne3A_674 = arith.constant 0 : i32
    %ne3A_675 = arith.cmpi ne, %rem3A_673, %ne3A_674 : i32
    %lt3A_676 = arith.constant 0 : i32
    %lt3A_677 = arith.cmpi slt, %rem3A_673, %lt3A_676 : i32
    %lt3A_678 = arith.constant 0 : i32
    %lt3A_679 = arith.cmpi slt, %select_n3A_672, %lt3A_678 : i32
    %ne3A_680 = arith.xori %lt3A_677, %lt3A_679 : i1
    %and3A_681 = arith.andi %ne3A_680, %ne3A_675 : i1
    %add3A_682 = arith.addi %rem3A_673, %select_n3A_672 : i32
    %select_n3A_683 = arith.select %and3A_681, %add3A_682, %rem3A_673 : i32
    %get3A_684 = arith.constant 0 : index
    %get3A_685 = arith.constant 0 : index
    %get3A_686 = arith.constant 0 : index
    %get3A_687 = vector.load %arg16[%get3A_684, %get3A_685, %get3A_686] : memref<1x8x1024xf32, #tpu.memory_space<vmem>>, vector<1x8x1024xf32>
    %get3A_688 = vector.shape_cast %get3A_687 : vector<1x8x1024xf32> to vector<8x1024xf32>
    %eq3A_689 = vector.broadcast %select_n3A_683 : i32 to vector<8x1024xi32>
    %eq3A_690 = arith.cmpi eq, %iota3A, %eq3A_689 : vector<8x1024xi32>
    %jit3A_691 = arith.constant 0.000000e+00 : f32
    %broadcast_in_dim3A_692 = vector.broadcast %jit3A_691 : f32 to vector<8x1024xf32>
    %select_n3A_693 = arith.select %eq3A_690, %get3A_688, %broadcast_in_dim3A_692 : vector<8x1024xi1>, vector<8x1024xf32>
    %reduce_sum3A_694 = arith.constant dense<0.000000e+00> : vector<1024xf32>
    %reduce_sum3A_695 = vector.multi_reduction <add>, %select_n3A_693, %reduce_sum3A_694 [0] : vector<8x1024xf32> to vector<1024xf32>
    %swap3A_696 = arith.constant 6 : index
    %swap3A_697 = arith.constant 0 : index
    %swap3A_698 = vector.load %arg36[%swap3A_696, %swap3A_697] : memref<16x1024xf32, #tpu.memory_space<vmem>>, vector<1x1024xf32>
    %swap3A_699 = vector.shape_cast %swap3A_698 : vector<1x1024xf32> to vector<1024xf32>
    %swap3A_700 = vector.shape_cast %reduce_sum3A_695 : vector<1024xf32> to vector<1x1024xf32>
    tpu.vector_store %arg36[%swap3A_696, %swap3A_697], %swap3A_700 {strides = array<i32>} : memref<16x1024xf32, #tpu.memory_space<vmem>>, vector<1x1024xf32>,
    %get3A_701 = arith.constant 7 : index
    %get3A_702 = arith.constant 0 : index
    %get3A_703 = arith.constant 0 : index
    %get3A_704 = memref.load %arg1[%get3A_701, %get3A_702, %get3A_703] : memref<16x8x128xi32, #tpu.memory_space<smem>>
    %get3A_705 = arith.constant 7 : index
    %get3A_706 = arith.constant 0 : index
    %get3A_707 = arith.constant 0 : index
    %get3A_708 = memref.load %arg2[%get3A_705, %get3A_706, %get3A_707] : memref<16x1x128xi32, #tpu.memory_space<smem>>
    %add3A_709 = arith.addi %get3A_704, %get3A_708 : i32
    %sub3A_710 = arith.constant 2 : i32
    %sub3A_711 = arith.subi %add3A_709, %sub3A_710 : i32
    %add3A_712 = arith.constant 0 : i32
    %add3A_713 = arith.addi %sub3A_711, %add3A_712 : i32
    %lt3A_714 = arith.constant 0 : i32
    %lt3A_715 = arith.cmpi slt, %add3A_713, %lt3A_714 : i32
    %add3A_716 = arith.constant 4096 : i32
    %add3A_717 = arith.addi %add3A_713, %add3A_716 : i32
    %select_n3A_718 = arith.select %lt3A_715, %add3A_717, %add3A_713 : i32
    %jit3A_719 = arith.constant 8 : i32
    %eq3A_720 = arith.constant 0 : i32
    %eq3A_721 = arith.cmpi eq, %jit3A_719, %eq3A_720 : i32
    %jit3A_722 = arith.constant 1 : i32
    %select_n3A_723 = arith.select %eq3A_721, %jit3A_722, %jit3A_719 : i32
    %rem3A_724 = arith.remsi %select_n3A_718, %select_n3A_723 : i32
    %ne3A_725 = arith.constant 0 : i32
    %ne3A_726 = arith.cmpi ne, %rem3A_724, %ne3A_725 : i32
    %lt3A_727 = arith.constant 0 : i32
    %lt3A_728 = arith.cmpi slt, %rem3A_724, %lt3A_727 : i32
    %lt3A_729 = arith.constant 0 : i32
    %lt3A_730 = arith.cmpi slt, %select_n3A_723, %lt3A_729 : i32
    %ne3A_731 = arith.xori %lt3A_728, %lt3A_730 : i1
    %and3A_732 = arith.andi %ne3A_731, %ne3A_726 : i1
    %add3A_733 = arith.addi %rem3A_724, %select_n3A_723 : i32
    %select_n3A_734 = arith.select %and3A_732, %add3A_733, %rem3A_724 : i32
    %get3A_735 = arith.constant 0 : index
    %get3A_736 = arith.constant 0 : index
    %get3A_737 = arith.constant 0 : index
    %get3A_738 = vector.load %arg17[%get3A_735, %get3A_736, %get3A_737] : memref<1x8x1024xf32, #tpu.memory_space<vmem>>, vector<1x8x1024xf32>
    %get3A_739 = vector.shape_cast %get3A_738 : vector<1x8x1024xf32> to vector<8x1024xf32>
    %eq3A_740 = vector.broadcast %select_n3A_734 : i32 to vector<8x1024xi32>
    %eq3A_741 = arith.cmpi eq, %iota3A, %eq3A_740 : vector<8x1024xi32>
    %jit3A_742 = arith.constant 0.000000e+00 : f32
    %broadcast_in_dim3A_743 = vector.broadcast %jit3A_742 : f32 to vector<8x1024xf32>
    %select_n3A_744 = arith.select %eq3A_741, %get3A_739, %broadcast_in_dim3A_743 : vector<8x1024xi1>, vector<8x1024xf32>
    %reduce_sum3A_745 = arith.constant dense<0.000000e+00> : vector<1024xf32>
    %reduce_sum3A_746 = vector.multi_reduction <add>, %select_n3A_744, %reduce_sum3A_745 [0] : vector<8x1024xf32> to vector<1024xf32>
    %swap3A_747 = arith.constant 7 : index
    %swap3A_748 = arith.constant 0 : index
    %swap3A_749 = vector.load %arg35[%swap3A_747, %swap3A_748] : memref<16x1024xf32, #tpu.memory_space<vmem>>, vector<1x1024xf32>
    %swap3A_750 = vector.shape_cast %swap3A_749 : vector<1x1024xf32> to vector<1024xf32>
    %swap3A_751 = vector.shape_cast %reduce_sum3A_746 : vector<1024xf32> to vector<1x1024xf32>
    tpu.vector_store %arg35[%swap3A_747, %swap3A_748], %swap3A_751 {strides = array<i32>} : memref<16x1024xf32, #tpu.memory_space<vmem>>, vector<1x1024xf32>,
    %get3A_752 = arith.constant 7 : index
    %get3A_753 = arith.constant 0 : index
    %get3A_754 = arith.constant 0 : index
    %get3A_755 = memref.load %arg1[%get3A_752, %get3A_753, %get3A_754] : memref<16x8x128xi32, #tpu.memory_space<smem>>
    %get3A_756 = arith.constant 7 : index
    %get3A_757 = arith.constant 0 : index
    %get3A_758 = arith.constant 0 : index
    %get3A_759 = memref.load %arg2[%get3A_756, %get3A_757, %get3A_758] : memref<16x1x128xi32, #tpu.memory_space<smem>>
    %add3A_760 = arith.addi %get3A_755, %get3A_759 : i32
    %sub3A_761 = arith.constant 2 : i32
    %sub3A_762 = arith.subi %add3A_760, %sub3A_761 : i32
    %add3A_763 = arith.constant 1 : i32
    %add3A_764 = arith.addi %sub3A_762, %add3A_763 : i32
    %lt3A_765 = arith.constant 0 : i32
    %lt3A_766 = arith.cmpi slt, %add3A_764, %lt3A_765 : i32
    %add3A_767 = arith.constant 4096 : i32
    %add3A_768 = arith.addi %add3A_764, %add3A_767 : i32
    %select_n3A_769 = arith.select %lt3A_766, %add3A_768, %add3A_764 : i32
    %jit3A_770 = arith.constant 8 : i32
    %eq3A_771 = arith.constant 0 : i32
    %eq3A_772 = arith.cmpi eq, %jit3A_770, %eq3A_771 : i32
    %jit3A_773 = arith.constant 1 : i32
    %select_n3A_774 = arith.select %eq3A_772, %jit3A_773, %jit3A_770 : i32
    %rem3A_775 = arith.remsi %select_n3A_769, %select_n3A_774 : i32
    %ne3A_776 = arith.constant 0 : i32
    %ne3A_777 = arith.cmpi ne, %rem3A_775, %ne3A_776 : i32
    %lt3A_778 = arith.constant 0 : i32
    %lt3A_779 = arith.cmpi slt, %rem3A_775, %lt3A_778 : i32
    %lt3A_780 = arith.constant 0 : i32
    %lt3A_781 = arith.cmpi slt, %select_n3A_774, %lt3A_780 : i32
    %ne3A_782 = arith.xori %lt3A_779, %lt3A_781 : i1
    %and3A_783 = arith.andi %ne3A_782, %ne3A_777 : i1
    %add3A_784 = arith.addi %rem3A_775, %select_n3A_774 : i32
    %select_n3A_785 = arith.select %and3A_783, %add3A_784, %rem3A_775 : i32
    %get3A_786 = arith.constant 0 : index
    %get3A_787 = arith.constant 0 : index
    %get3A_788 = arith.constant 0 : index
    %get3A_789 = vector.load %arg18[%get3A_786, %get3A_787, %get3A_788] : memref<1x8x1024xf32, #tpu.memory_space<vmem>>, vector<1x8x1024xf32>
    %get3A_790 = vector.shape_cast %get3A_789 : vector<1x8x1024xf32> to vector<8x1024xf32>
    %eq3A_791 = vector.broadcast %select_n3A_785 : i32 to vector<8x1024xi32>
    %eq3A_792 = arith.cmpi eq, %iota3A, %eq3A_791 : vector<8x1024xi32>
    %jit3A_793 = arith.constant 0.000000e+00 : f32
    %broadcast_in_dim3A_794 = vector.broadcast %jit3A_793 : f32 to vector<8x1024xf32>
    %select_n3A_795 = arith.select %eq3A_792, %get3A_790, %broadcast_in_dim3A_794 : vector<8x1024xi1>, vector<8x1024xf32>
    %reduce_sum3A_796 = arith.constant dense<0.000000e+00> : vector<1024xf32>
    %reduce_sum3A_797 = vector.multi_reduction <add>, %select_n3A_795, %reduce_sum3A_796 [0] : vector<8x1024xf32> to vector<1024xf32>
    %swap3A_798 = arith.constant 7 : index
    %swap3A_799 = arith.constant 0 : index
    %swap3A_800 = vector.load %arg36[%swap3A_798, %swap3A_799] : memref<16x1024xf32, #tpu.memory_space<vmem>>, vector<1x1024xf32>
    %swap3A_801 = vector.shape_cast %swap3A_800 : vector<1x1024xf32> to vector<1024xf32>
    %swap3A_802 = vector.shape_cast %reduce_sum3A_797 : vector<1024xf32> to vector<1x1024xf32>
    tpu.vector_store %arg36[%swap3A_798, %swap3A_799], %swap3A_802 {strides = array<i32>} : memref<16x1024xf32, #tpu.memory_space<vmem>>, vector<1x1024xf32>,
    %get3A_803 = arith.constant 8 : index
    %get3A_804 = arith.constant 0 : index
    %get3A_805 = arith.constant 0 : index
    %get3A_806 = memref.load %arg1[%get3A_803, %get3A_804, %get3A_805] : memref<16x8x128xi32, #tpu.memory_space<smem>>
    %get3A_807 = arith.constant 8 : index
    %get3A_808 = arith.constant 0 : index
    %get3A_809 = arith.constant 0 : index
    %get3A_810 = memref.load %arg2[%get3A_807, %get3A_808, %get3A_809] : memref<16x1x128xi32, #tpu.memory_space<smem>>
    %add3A_811 = arith.addi %get3A_806, %get3A_810 : i32
    %sub3A_812 = arith.constant 2 : i32
    %sub3A_813 = arith.subi %add3A_811, %sub3A_812 : i32
    %add3A_814 = arith.constant 0 : i32
    %add3A_815 = arith.addi %sub3A_813, %add3A_814 : i32
    %lt3A_816 = arith.constant 0 : i32
    %lt3A_817 = arith.cmpi slt, %add3A_815, %lt3A_816 : i32
    %add3A_818 = arith.constant 4096 : i32
    %add3A_819 = arith.addi %add3A_815, %add3A_818 : i32
    %select_n3A_820 = arith.select %lt3A_817, %add3A_819, %add3A_815 : i32
    %jit3A_821 = arith.constant 8 : i32
    %eq3A_822 = arith.constant 0 : i32
    %eq3A_823 = arith.cmpi eq, %jit3A_821, %eq3A_822 : i32
    %jit3A_824 = arith.constant 1 : i32
    %select_n3A_825 = arith.select %eq3A_823, %jit3A_824, %jit3A_821 : i32
    %rem3A_826 = arith.remsi %select_n3A_820, %select_n3A_825 : i32
    %ne3A_827 = arith.constant 0 : i32
    %ne3A_828 = arith.cmpi ne, %rem3A_826, %ne3A_827 : i32
    %lt3A_829 = arith.constant 0 : i32
    %lt3A_830 = arith.cmpi slt, %rem3A_826, %lt3A_829 : i32
    %lt3A_831 = arith.constant 0 : i32
    %lt3A_832 = arith.cmpi slt, %select_n3A_825, %lt3A_831 : i32
    %ne3A_833 = arith.xori %lt3A_830, %lt3A_832 : i1
    %and3A_834 = arith.andi %ne3A_833, %ne3A_828 : i1
    %add3A_835 = arith.addi %rem3A_826, %select_n3A_825 : i32
    %select_n3A_836 = arith.select %and3A_834, %add3A_835, %rem3A_826 : i32
    %get3A_837 = arith.constant 0 : index
    %get3A_838 = arith.constant 0 : index
    %get3A_839 = arith.constant 0 : index
    %get3A_840 = vector.load %arg19[%get3A_837, %get3A_838, %get3A_839] : memref<1x8x1024xf32, #tpu.memory_space<vmem>>, vector<1x8x1024xf32>
    %get3A_841 = vector.shape_cast %get3A_840 : vector<1x8x1024xf32> to vector<8x1024xf32>
    %eq3A_842 = vector.broadcast %select_n3A_836 : i32 to vector<8x1024xi32>
    %eq3A_843 = arith.cmpi eq, %iota3A, %eq3A_842 : vector<8x1024xi32>
    %jit3A_844 = arith.constant 0.000000e+00 : f32
    %broadcast_in_dim3A_845 = vector.broadcast %jit3A_844 : f32 to vector<8x1024xf32>
    %select_n3A_846 = arith.select %eq3A_843, %get3A_841, %broadcast_in_dim3A_845 : vector<8x1024xi1>, vector<8x1024xf32>
    %reduce_sum3A_847 = arith.constant dense<0.000000e+00> : vector<1024xf32>
    %reduce_sum3A_848 = vector.multi_reduction <add>, %select_n3A_846, %reduce_sum3A_847 [0] : vector<8x1024xf32> to vector<1024xf32>
    %swap3A_849 = arith.constant 8 : index
    %swap3A_850 = arith.constant 0 : index
    %swap3A_851 = vector.load %arg35[%swap3A_849, %swap3A_850] : memref<16x1024xf32, #tpu.memory_space<vmem>>, vector<1x1024xf32>
    %swap3A_852 = vector.shape_cast %swap3A_851 : vector<1x1024xf32> to vector<1024xf32>
    %swap3A_853 = vector.shape_cast %reduce_sum3A_848 : vector<1024xf32> to vector<1x1024xf32>
    tpu.vector_store %arg35[%swap3A_849, %swap3A_850], %swap3A_853 {strides = array<i32>} : memref<16x1024xf32, #tpu.memory_space<vmem>>, vector<1x1024xf32>,
    %get3A_854 = arith.constant 8 : index
    %get3A_855 = arith.constant 0 : index
    %get3A_856 = arith.constant 0 : index
    %get3A_857 = memref.load %arg1[%get3A_854, %get3A_855, %get3A_856] : memref<16x8x128xi32, #tpu.memory_space<smem>>
    %get3A_858 = arith.constant 8 : index
    %get3A_859 = arith.constant 0 : index
    %get3A_860 = arith.constant 0 : index
    %get3A_861 = memref.load %arg2[%get3A_858, %get3A_859, %get3A_860] : memref<16x1x128xi32, #tpu.memory_space<smem>>
    %add3A_862 = arith.addi %get3A_857, %get3A_861 : i32
    %sub3A_863 = arith.constant 2 : i32
    %sub3A_864 = arith.subi %add3A_862, %sub3A_863 : i32
    %add3A_865 = arith.constant 1 : i32
    %add3A_866 = arith.addi %sub3A_864, %add3A_865 : i32
    %lt3A_867 = arith.constant 0 : i32
    %lt3A_868 = arith.cmpi slt, %add3A_866, %lt3A_867 : i32
    %add3A_869 = arith.constant 4096 : i32
    %add3A_870 = arith.addi %add3A_866, %add3A_869 : i32
    %select_n3A_871 = arith.select %lt3A_868, %add3A_870, %add3A_866 : i32
    %jit3A_872 = arith.constant 8 : i32
    %eq3A_873 = arith.constant 0 : i32
    %eq3A_874 = arith.cmpi eq, %jit3A_872, %eq3A_873 : i32
    %jit3A_875 = arith.constant 1 : i32
    %select_n3A_876 = arith.select %eq3A_874, %jit3A_875, %jit3A_872 : i32
    %rem3A_877 = arith.remsi %select_n3A_871, %select_n3A_876 : i32
    %ne3A_878 = arith.constant 0 : i32
    %ne3A_879 = arith.cmpi ne, %rem3A_877, %ne3A_878 : i32
    %lt3A_880 = arith.constant 0 : i32
    %lt3A_881 = arith.cmpi slt, %rem3A_877, %lt3A_880 : i32
    %lt3A_882 = arith.constant 0 : i32
    %lt3A_883 = arith.cmpi slt, %select_n3A_876, %lt3A_882 : i32
    %ne3A_884 = arith.xori %lt3A_881, %lt3A_883 : i1
    %and3A_885 = arith.andi %ne3A_884, %ne3A_879 : i1
    %add3A_886 = arith.addi %rem3A_877, %select_n3A_876 : i32
    %select_n3A_887 = arith.select %and3A_885, %add3A_886, %rem3A_877 : i32
    %get3A_888 = arith.constant 0 : index
    %get3A_889 = arith.constant 0 : index
    %get3A_890 = arith.constant 0 : index
    %get3A_891 = vector.load %arg20[%get3A_888, %get3A_889, %get3A_890] : memref<1x8x1024xf32, #tpu.memory_space<vmem>>, vector<1x8x1024xf32>
    %get3A_892 = vector.shape_cast %get3A_891 : vector<1x8x1024xf32> to vector<8x1024xf32>
    %eq3A_893 = vector.broadcast %select_n3A_887 : i32 to vector<8x1024xi32>
    %eq3A_894 = arith.cmpi eq, %iota3A, %eq3A_893 : vector<8x1024xi32>
    %jit3A_895 = arith.constant 0.000000e+00 : f32
    %broadcast_in_dim3A_896 = vector.broadcast %jit3A_895 : f32 to vector<8x1024xf32>
    %select_n3A_897 = arith.select %eq3A_894, %get3A_892, %broadcast_in_dim3A_896 : vector<8x1024xi1>, vector<8x1024xf32>
    %reduce_sum3A_898 = arith.constant dense<0.000000e+00> : vector<1024xf32>
    %reduce_sum3A_899 = vector.multi_reduction <add>, %select_n3A_897, %reduce_sum3A_898 [0] : vector<8x1024xf32> to vector<1024xf32>
    %swap3A_900 = arith.constant 8 : index
    %swap3A_901 = arith.constant 0 : index
    %swap3A_902 = vector.load %arg36[%swap3A_900, %swap3A_901] : memref<16x1024xf32, #tpu.memory_space<vmem>>, vector<1x1024xf32>
    %swap3A_903 = vector.shape_cast %swap3A_902 : vector<1x1024xf32> to vector<1024xf32>
    %swap3A_904 = vector.shape_cast %reduce_sum3A_899 : vector<1024xf32> to vector<1x1024xf32>
    tpu.vector_store %arg36[%swap3A_900, %swap3A_901], %swap3A_904 {strides = array<i32>} : memref<16x1024xf32, #tpu.memory_space<vmem>>, vector<1x1024xf32>,
    %get3A_905 = arith.constant 9 : index
    %get3A_906 = arith.constant 0 : index
    %get3A_907 = arith.constant 0 : index
    %get3A_908 = memref.load %arg1[%get3A_905, %get3A_906, %get3A_907] : memref<16x8x128xi32, #tpu.memory_space<smem>>
    %get3A_909 = arith.constant 9 : index
    %get3A_910 = arith.constant 0 : index
    %get3A_911 = arith.constant 0 : index
    %get3A_912 = memref.load %arg2[%get3A_909, %get3A_910, %get3A_911] : memref<16x1x128xi32, #tpu.memory_space<smem>>
    %add3A_913 = arith.addi %get3A_908, %get3A_912 : i32
    %sub3A_914 = arith.constant 2 : i32
    %sub3A_915 = arith.subi %add3A_913, %sub3A_914 : i32
    %add3A_916 = arith.constant 0 : i32
    %add3A_917 = arith.addi %sub3A_915, %add3A_916 : i32
    %lt3A_918 = arith.constant 0 : i32
    %lt3A_919 = arith.cmpi slt, %add3A_917, %lt3A_918 : i32
    %add3A_920 = arith.constant 4096 : i32
    %add3A_921 = arith.addi %add3A_917, %add3A_920 : i32
    %select_n3A_922 = arith.select %lt3A_919, %add3A_921, %add3A_917 : i32
    %jit3A_923 = arith.constant 8 : i32
    %eq3A_924 = arith.constant 0 : i32
    %eq3A_925 = arith.cmpi eq, %jit3A_923, %eq3A_924 : i32
    %jit3A_926 = arith.constant 1 : i32
    %select_n3A_927 = arith.select %eq3A_925, %jit3A_926, %jit3A_923 : i32
    %rem3A_928 = arith.remsi %select_n3A_922, %select_n3A_927 : i32
    %ne3A_929 = arith.constant 0 : i32
    %ne3A_930 = arith.cmpi ne, %rem3A_928, %ne3A_929 : i32
    %lt3A_931 = arith.constant 0 : i32
    %lt3A_932 = arith.cmpi slt, %rem3A_928, %lt3A_931 : i32
    %lt3A_933 = arith.constant 0 : i32
    %lt3A_934 = arith.cmpi slt, %select_n3A_927, %lt3A_933 : i32
    %ne3A_935 = arith.xori %lt3A_932, %lt3A_934 : i1
    %and3A_936 = arith.andi %ne3A_935, %ne3A_930 : i1
    %add3A_937 = arith.addi %rem3A_928, %select_n3A_927 : i32
    %select_n3A_938 = arith.select %and3A_936, %add3A_937, %rem3A_928 : i32
    %get3A_939 = arith.constant 0 : index
    %get3A_940 = arith.constant 0 : index
    %get3A_941 = arith.constant 0 : index
    %get3A_942 = vector.load %arg21[%get3A_939, %get3A_940, %get3A_941] : memref<1x8x1024xf32, #tpu.memory_space<vmem>>, vector<1x8x1024xf32>
    %get3A_943 = vector.shape_cast %get3A_942 : vector<1x8x1024xf32> to vector<8x1024xf32>
    %eq3A_944 = vector.broadcast %select_n3A_938 : i32 to vector<8x1024xi32>
    %eq3A_945 = arith.cmpi eq, %iota3A, %eq3A_944 : vector<8x1024xi32>
    %jit3A_946 = arith.constant 0.000000e+00 : f32
    %broadcast_in_dim3A_947 = vector.broadcast %jit3A_946 : f32 to vector<8x1024xf32>
    %select_n3A_948 = arith.select %eq3A_945, %get3A_943, %broadcast_in_dim3A_947 : vector<8x1024xi1>, vector<8x1024xf32>
    %reduce_sum3A_949 = arith.constant dense<0.000000e+00> : vector<1024xf32>
    %reduce_sum3A_950 = vector.multi_reduction <add>, %select_n3A_948, %reduce_sum3A_949 [0] : vector<8x1024xf32> to vector<1024xf32>
    %swap3A_951 = arith.constant 9 : index
    %swap3A_952 = arith.constant 0 : index
    %swap3A_953 = vector.load %arg35[%swap3A_951, %swap3A_952] : memref<16x1024xf32, #tpu.memory_space<vmem>>, vector<1x1024xf32>
    %swap3A_954 = vector.shape_cast %swap3A_953 : vector<1x1024xf32> to vector<1024xf32>
    %swap3A_955 = vector.shape_cast %reduce_sum3A_950 : vector<1024xf32> to vector<1x1024xf32>
    tpu.vector_store %arg35[%swap3A_951, %swap3A_952], %swap3A_955 {strides = array<i32>} : memref<16x1024xf32, #tpu.memory_space<vmem>>, vector<1x1024xf32>,
    %get3A_956 = arith.constant 9 : index
    %get3A_957 = arith.constant 0 : index
    %get3A_958 = arith.constant 0 : index
    %get3A_959 = memref.load %arg1[%get3A_956, %get3A_957, %get3A_958] : memref<16x8x128xi32, #tpu.memory_space<smem>>
    %get3A_960 = arith.constant 9 : index
    %get3A_961 = arith.constant 0 : index
    %get3A_962 = arith.constant 0 : index
    %get3A_963 = memref.load %arg2[%get3A_960, %get3A_961, %get3A_962] : memref<16x1x128xi32, #tpu.memory_space<smem>>
    %add3A_964 = arith.addi %get3A_959, %get3A_963 : i32
    %sub3A_965 = arith.constant 2 : i32
    %sub3A_966 = arith.subi %add3A_964, %sub3A_965 : i32
    %add3A_967 = arith.constant 1 : i32
    %add3A_968 = arith.addi %sub3A_966, %add3A_967 : i32
    %lt3A_969 = arith.constant 0 : i32
    %lt3A_970 = arith.cmpi slt, %add3A_968, %lt3A_969 : i32
    %add3A_971 = arith.constant 4096 : i32
    %add3A_972 = arith.addi %add3A_968, %add3A_971 : i32
    %select_n3A_973 = arith.select %lt3A_970, %add3A_972, %add3A_968 : i32
    %jit3A_974 = arith.constant 8 : i32
    %eq3A_975 = arith.constant 0 : i32
    %eq3A_976 = arith.cmpi eq, %jit3A_974, %eq3A_975 : i32
    %jit3A_977 = arith.constant 1 : i32
    %select_n3A_978 = arith.select %eq3A_976, %jit3A_977, %jit3A_974 : i32
    %rem3A_979 = arith.remsi %select_n3A_973, %select_n3A_978 : i32
    %ne3A_980 = arith.constant 0 : i32
    %ne3A_981 = arith.cmpi ne, %rem3A_979, %ne3A_980 : i32
    %lt3A_982 = arith.constant 0 : i32
    %lt3A_983 = arith.cmpi slt, %rem3A_979, %lt3A_982 : i32
    %lt3A_984 = arith.constant 0 : i32
    %lt3A_985 = arith.cmpi slt, %select_n3A_978, %lt3A_984 : i32
    %ne3A_986 = arith.xori %lt3A_983, %lt3A_985 : i1
    %and3A_987 = arith.andi %ne3A_986, %ne3A_981 : i1
    %add3A_988 = arith.addi %rem3A_979, %select_n3A_978 : i32
    %select_n3A_989 = arith.select %and3A_987, %add3A_988, %rem3A_979 : i32
    %get3A_990 = arith.constant 0 : index
    %get3A_991 = arith.constant 0 : index
    %get3A_992 = arith.constant 0 : index
    %get3A_993 = vector.load %arg22[%get3A_990, %get3A_991, %get3A_992] : memref<1x8x1024xf32, #tpu.memory_space<vmem>>, vector<1x8x1024xf32>
    %get3A_994 = vector.shape_cast %get3A_993 : vector<1x8x1024xf32> to vector<8x1024xf32>
    %eq3A_995 = vector.broadcast %select_n3A_989 : i32 to vector<8x1024xi32>
    %eq3A_996 = arith.cmpi eq, %iota3A, %eq3A_995 : vector<8x1024xi32>
    %jit3A_997 = arith.constant 0.000000e+00 : f32
    %broadcast_in_dim3A_998 = vector.broadcast %jit3A_997 : f32 to vector<8x1024xf32>
    %select_n3A_999 = arith.select %eq3A_996, %get3A_994, %broadcast_in_dim3A_998 : vector<8x1024xi1>, vector<8x1024xf32>
    %reduce_sum3A_1000 = arith.constant dense<0.000000e+00> : vector<1024xf32>
    %reduce_sum3A_1001 = vector.multi_reduction <add>, %select_n3A_999, %reduce_sum3A_1000 [0] : vector<8x1024xf32> to vector<1024xf32>
    %swap3A_1002 = arith.constant 9 : index
    %swap3A_1003 = arith.constant 0 : index
    %swap3A_1004 = vector.load %arg36[%swap3A_1002, %swap3A_1003] : memref<16x1024xf32, #tpu.memory_space<vmem>>, vector<1x1024xf32>
    %swap3A_1005 = vector.shape_cast %swap3A_1004 : vector<1x1024xf32> to vector<1024xf32>
    %swap3A_1006 = vector.shape_cast %reduce_sum3A_1001 : vector<1024xf32> to vector<1x1024xf32>
    tpu.vector_store %arg36[%swap3A_1002, %swap3A_1003], %swap3A_1006 {strides = array<i32>} : memref<16x1024xf32, #tpu.memory_space<vmem>>, vector<1x1024xf32>,
    %get3A_1007 = arith.constant 10 : index
    %get3A_1008 = arith.constant 0 : index
    %get3A_1009 = arith.constant 0 : index
    %get3A_1010 = memref.load %arg1[%get3A_1007, %get3A_1008, %get3A_1009] : memref<16x8x128xi32, #tpu.memory_space<smem>>
    %get3A_1011 = arith.constant 10 : index
    %get3A_1012 = arith.constant 0 : index
    %get3A_1013 = arith.constant 0 : index
    %get3A_1014 = memref.load %arg2[%get3A_1011, %get3A_1012, %get3A_1013] : memref<16x1x128xi32, #tpu.memory_space<smem>>
    %add3A_1015 = arith.addi %get3A_1010, %get3A_1014 : i32
    %sub3A_1016 = arith.constant 2 : i32
    %sub3A_1017 = arith.subi %add3A_1015, %sub3A_1016 : i32
    %add3A_1018 = arith.constant 0 : i32
    %add3A_1019 = arith.addi %sub3A_1017, %add3A_1018 : i32
    %lt3A_1020 = arith.constant 0 : i32
    %lt3A_1021 = arith.cmpi slt, %add3A_1019, %lt3A_1020 : i32
    %add3A_1022 = arith.constant 4096 : i32
    %add3A_1023 = arith.addi %add3A_1019, %add3A_1022 : i32
    %select_n3A_1024 = arith.select %lt3A_1021, %add3A_1023, %add3A_1019 : i32
    %jit3A_1025 = arith.constant 8 : i32
    %eq3A_1026 = arith.constant 0 : i32
    %eq3A_1027 = arith.cmpi eq, %jit3A_1025, %eq3A_1026 : i32
    %jit3A_1028 = arith.constant 1 : i32
    %select_n3A_1029 = arith.select %eq3A_1027, %jit3A_1028, %jit3A_1025 : i32
    %rem3A_1030 = arith.remsi %select_n3A_1024, %select_n3A_1029 : i32
    %ne3A_1031 = arith.constant 0 : i32
    %ne3A_1032 = arith.cmpi ne, %rem3A_1030, %ne3A_1031 : i32
    %lt3A_1033 = arith.constant 0 : i32
    %lt3A_1034 = arith.cmpi slt, %rem3A_1030, %lt3A_1033 : i32
    %lt3A_1035 = arith.constant 0 : i32
    %lt3A_1036 = arith.cmpi slt, %select_n3A_1029, %lt3A_1035 : i32
    %ne3A_1037 = arith.xori %lt3A_1034, %lt3A_1036 : i1
    %and3A_1038 = arith.andi %ne3A_1037, %ne3A_1032 : i1
    %add3A_1039 = arith.addi %rem3A_1030, %select_n3A_1029 : i32
    %select_n3A_1040 = arith.select %and3A_1038, %add3A_1039, %rem3A_1030 : i32
    %get3A_1041 = arith.constant 0 : index
    %get3A_1042 = arith.constant 0 : index
    %get3A_1043 = arith.constant 0 : index
    %get3A_1044 = vector.load %arg23[%get3A_1041, %get3A_1042, %get3A_1043] : memref<1x8x1024xf32, #tpu.memory_space<vmem>>, vector<1x8x1024xf32>
    %get3A_1045 = vector.shape_cast %get3A_1044 : vector<1x8x1024xf32> to vector<8x1024xf32>
    %eq3A_1046 = vector.broadcast %select_n3A_1040 : i32 to vector<8x1024xi32>
    %eq3A_1047 = arith.cmpi eq, %iota3A, %eq3A_1046 : vector<8x1024xi32>
    %jit3A_1048 = arith.constant 0.000000e+00 : f32
    %broadcast_in_dim3A_1049 = vector.broadcast %jit3A_1048 : f32 to vector<8x1024xf32>
    %select_n3A_1050 = arith.select %eq3A_1047, %get3A_1045, %broadcast_in_dim3A_1049 : vector<8x1024xi1>, vector<8x1024xf32>
    %reduce_sum3A_1051 = arith.constant dense<0.000000e+00> : vector<1024xf32>
    %reduce_sum3A_1052 = vector.multi_reduction <add>, %select_n3A_1050, %reduce_sum3A_1051 [0] : vector<8x1024xf32> to vector<1024xf32>
    %swap3A_1053 = arith.constant 10 : index
    %swap3A_1054 = arith.constant 0 : index
    %swap3A_1055 = vector.load %arg35[%swap3A_1053, %swap3A_1054] : memref<16x1024xf32, #tpu.memory_space<vmem>>, vector<1x1024xf32>
    %swap3A_1056 = vector.shape_cast %swap3A_1055 : vector<1x1024xf32> to vector<1024xf32>
    %swap3A_1057 = vector.shape_cast %reduce_sum3A_1052 : vector<1024xf32> to vector<1x1024xf32>
    tpu.vector_store %arg35[%swap3A_1053, %swap3A_1054], %swap3A_1057 {strides = array<i32>} : memref<16x1024xf32, #tpu.memory_space<vmem>>, vector<1x1024xf32>,
    %get3A_1058 = arith.constant 10 : index
    %get3A_1059 = arith.constant 0 : index
    %get3A_1060 = arith.constant 0 : index
    %get3A_1061 = memref.load %arg1[%get3A_1058, %get3A_1059, %get3A_1060] : memref<16x8x128xi32, #tpu.memory_space<smem>>
    %get3A_1062 = arith.constant 10 : index
    %get3A_1063 = arith.constant 0 : index
    %get3A_1064 = arith.constant 0 : index
    %get3A_1065 = memref.load %arg2[%get3A_1062, %get3A_1063, %get3A_1064] : memref<16x1x128xi32, #tpu.memory_space<smem>>
    %add3A_1066 = arith.addi %get3A_1061, %get3A_1065 : i32
    %sub3A_1067 = arith.constant 2 : i32
    %sub3A_1068 = arith.subi %add3A_1066, %sub3A_1067 : i32
    %add3A_1069 = arith.constant 1 : i32
    %add3A_1070 = arith.addi %sub3A_1068, %add3A_1069 : i32
    %lt3A_1071 = arith.constant 0 : i32
    %lt3A_1072 = arith.cmpi slt, %add3A_1070, %lt3A_1071 : i32
    %add3A_1073 = arith.constant 4096 : i32
    %add3A_1074 = arith.addi %add3A_1070, %add3A_1073 : i32
    %select_n3A_1075 = arith.select %lt3A_1072, %add3A_1074, %add3A_1070 : i32
    %jit3A_1076 = arith.constant 8 : i32
    %eq3A_1077 = arith.constant 0 : i32
    %eq3A_1078 = arith.cmpi eq, %jit3A_1076, %eq3A_1077 : i32
    %jit3A_1079 = arith.constant 1 : i32
    %select_n3A_1080 = arith.select %eq3A_1078, %jit3A_1079, %jit3A_1076 : i32
    %rem3A_1081 = arith.remsi %select_n3A_1075, %select_n3A_1080 : i32
    %ne3A_1082 = arith.constant 0 : i32
    %ne3A_1083 = arith.cmpi ne, %rem3A_1081, %ne3A_1082 : i32
    %lt3A_1084 = arith.constant 0 : i32
    %lt3A_1085 = arith.cmpi slt, %rem3A_1081, %lt3A_1084 : i32
    %lt3A_1086 = arith.constant 0 : i32
    %lt3A_1087 = arith.cmpi slt, %select_n3A_1080, %lt3A_1086 : i32
    %ne3A_1088 = arith.xori %lt3A_1085, %lt3A_1087 : i1
    %and3A_1089 = arith.andi %ne3A_1088, %ne3A_1083 : i1
    %add3A_1090 = arith.addi %rem3A_1081, %select_n3A_1080 : i32
    %select_n3A_1091 = arith.select %and3A_1089, %add3A_1090, %rem3A_1081 : i32
    %get3A_1092 = arith.constant 0 : index
    %get3A_1093 = arith.constant 0 : index
    %get3A_1094 = arith.constant 0 : index
    %get3A_1095 = vector.load %arg24[%get3A_1092, %get3A_1093, %get3A_1094] : memref<1x8x1024xf32, #tpu.memory_space<vmem>>, vector<1x8x1024xf32>
    %get3A_1096 = vector.shape_cast %get3A_1095 : vector<1x8x1024xf32> to vector<8x1024xf32>
    %eq3A_1097 = vector.broadcast %select_n3A_1091 : i32 to vector<8x1024xi32>
    %eq3A_1098 = arith.cmpi eq, %iota3A, %eq3A_1097 : vector<8x1024xi32>
    %jit3A_1099 = arith.constant 0.000000e+00 : f32
    %broadcast_in_dim3A_1100 = vector.broadcast %jit3A_1099 : f32 to vector<8x1024xf32>
    %select_n3A_1101 = arith.select %eq3A_1098, %get3A_1096, %broadcast_in_dim3A_1100 : vector<8x1024xi1>, vector<8x1024xf32>
    %reduce_sum3A_1102 = arith.constant dense<0.000000e+00> : vector<1024xf32>
    %reduce_sum3A_1103 = vector.multi_reduction <add>, %select_n3A_1101, %reduce_sum3A_1102 [0] : vector<8x1024xf32> to vector<1024xf32>
    %swap3A_1104 = arith.constant 10 : index
    %swap3A_1105 = arith.constant 0 : index
    %swap3A_1106 = vector.load %arg36[%swap3A_1104, %swap3A_1105] : memref<16x1024xf32, #tpu.memory_space<vmem>>, vector<1x1024xf32>
    %swap3A_1107 = vector.shape_cast %swap3A_1106 : vector<1x1024xf32> to vector<1024xf32>
    %swap3A_1108 = vector.shape_cast %reduce_sum3A_1103 : vector<1024xf32> to vector<1x1024xf32>
    tpu.vector_store %arg36[%swap3A_1104, %swap3A_1105], %swap3A_1108 {strides = array<i32>} : memref<16x1024xf32, #tpu.memory_space<vmem>>, vector<1x1024xf32>,
    %get3A_1109 = arith.constant 11 : index
    %get3A_1110 = arith.constant 0 : index
    %get3A_1111 = arith.constant 0 : index
    %get3A_1112 = memref.load %arg1[%get3A_1109, %get3A_1110, %get3A_1111] : memref<16x8x128xi32, #tpu.memory_space<smem>>
    %get3A_1113 = arith.constant 11 : index
    %get3A_1114 = arith.constant 0 : index
    %get3A_1115 = arith.constant 0 : index
    %get3A_1116 = memref.load %arg2[%get3A_1113, %get3A_1114, %get3A_1115] : memref<16x1x128xi32, #tpu.memory_space<smem>>
    %add3A_1117 = arith.addi %get3A_1112, %get3A_1116 : i32
    %sub3A_1118 = arith.constant 2 : i32
    %sub3A_1119 = arith.subi %add3A_1117, %sub3A_1118 : i32
    %add3A_1120 = arith.constant 0 : i32
    %add3A_1121 = arith.addi %sub3A_1119, %add3A_1120 : i32
    %lt3A_1122 = arith.constant 0 : i32
    %lt3A_1123 = arith.cmpi slt, %add3A_1121, %lt3A_1122 : i32
    %add3A_1124 = arith.constant 4096 : i32
    %add3A_1125 = arith.addi %add3A_1121, %add3A_1124 : i32
    %select_n3A_1126 = arith.select %lt3A_1123, %add3A_1125, %add3A_1121 : i32
    %jit3A_1127 = arith.constant 8 : i32
    %eq3A_1128 = arith.constant 0 : i32
    %eq3A_1129 = arith.cmpi eq, %jit3A_1127, %eq3A_1128 : i32
    %jit3A_1130 = arith.constant 1 : i32
    %select_n3A_1131 = arith.select %eq3A_1129, %jit3A_1130, %jit3A_1127 : i32
    %rem3A_1132 = arith.remsi %select_n3A_1126, %select_n3A_1131 : i32
    %ne3A_1133 = arith.constant 0 : i32
    %ne3A_1134 = arith.cmpi ne, %rem3A_1132, %ne3A_1133 : i32
    %lt3A_1135 = arith.constant 0 : i32
    %lt3A_1136 = arith.cmpi slt, %rem3A_1132, %lt3A_1135 : i32
    %lt3A_1137 = arith.constant 0 : i32
    %lt3A_1138 = arith.cmpi slt, %select_n3A_1131, %lt3A_1137 : i32
    %ne3A_1139 = arith.xori %lt3A_1136, %lt3A_1138 : i1
    %and3A_1140 = arith.andi %ne3A_1139, %ne3A_1134 : i1
    %add3A_1141 = arith.addi %rem3A_1132, %select_n3A_1131 : i32
    %select_n3A_1142 = arith.select %and3A_1140, %add3A_1141, %rem3A_1132 : i32
    %get3A_1143 = arith.constant 0 : index
    %get3A_1144 = arith.constant 0 : index
    %get3A_1145 = arith.constant 0 : index
    %get3A_1146 = vector.load %arg25[%get3A_1143, %get3A_1144, %get3A_1145] : memref<1x8x1024xf32, #tpu.memory_space<vmem>>, vector<1x8x1024xf32>
    %get3A_1147 = vector.shape_cast %get3A_1146 : vector<1x8x1024xf32> to vector<8x1024xf32>
    %eq3A_1148 = vector.broadcast %select_n3A_1142 : i32 to vector<8x1024xi32>
    %eq3A_1149 = arith.cmpi eq, %iota3A, %eq3A_1148 : vector<8x1024xi32>
    %jit3A_1150 = arith.constant 0.000000e+00 : f32
    %broadcast_in_dim3A_1151 = vector.broadcast %jit3A_1150 : f32 to vector<8x1024xf32>
    %select_n3A_1152 = arith.select %eq3A_1149, %get3A_1147, %broadcast_in_dim3A_1151 : vector<8x1024xi1>, vector<8x1024xf32>
    %reduce_sum3A_1153 = arith.constant dense<0.000000e+00> : vector<1024xf32>
    %reduce_sum3A_1154 = vector.multi_reduction <add>, %select_n3A_1152, %reduce_sum3A_1153 [0] : vector<8x1024xf32> to vector<1024xf32>
    %swap3A_1155 = arith.constant 11 : index
    %swap3A_1156 = arith.constant 0 : index
    %swap3A_1157 = vector.load %arg35[%swap3A_1155, %swap3A_1156] : memref<16x1024xf32, #tpu.memory_space<vmem>>, vector<1x1024xf32>
    %swap3A_1158 = vector.shape_cast %swap3A_1157 : vector<1x1024xf32> to vector<1024xf32>
    %swap3A_1159 = vector.shape_cast %reduce_sum3A_1154 : vector<1024xf32> to vector<1x1024xf32>
    tpu.vector_store %arg35[%swap3A_1155, %swap3A_1156], %swap3A_1159 {strides = array<i32>} : memref<16x1024xf32, #tpu.memory_space<vmem>>, vector<1x1024xf32>,
    %get3A_1160 = arith.constant 11 : index
    %get3A_1161 = arith.constant 0 : index
    %get3A_1162 = arith.constant 0 : index
    %get3A_1163 = memref.load %arg1[%get3A_1160, %get3A_1161, %get3A_1162] : memref<16x8x128xi32, #tpu.memory_space<smem>>
    %get3A_1164 = arith.constant 11 : index
    %get3A_1165 = arith.constant 0 : index
    %get3A_1166 = arith.constant 0 : index
    %get3A_1167 = memref.load %arg2[%get3A_1164, %get3A_1165, %get3A_1166] : memref<16x1x128xi32, #tpu.memory_space<smem>>
    %add3A_1168 = arith.addi %get3A_1163, %get3A_1167 : i32
    %sub3A_1169 = arith.constant 2 : i32
    %sub3A_1170 = arith.subi %add3A_1168, %sub3A_1169 : i32
    %add3A_1171 = arith.constant 1 : i32
    %add3A_1172 = arith.addi %sub3A_1170, %add3A_1171 : i32
    %lt3A_1173 = arith.constant 0 : i32
    %lt3A_1174 = arith.cmpi slt, %add3A_1172, %lt3A_1173 : i32
    %add3A_1175 = arith.constant 4096 : i32
    %add3A_1176 = arith.addi %add3A_1172, %add3A_1175 : i32
    %select_n3A_1177 = arith.select %lt3A_1174, %add3A_1176, %add3A_1172 : i32
    %jit3A_1178 = arith.constant 8 : i32
    %eq3A_1179 = arith.constant 0 : i32
    %eq3A_1180 = arith.cmpi eq, %jit3A_1178, %eq3A_1179 : i32
    %jit3A_1181 = arith.constant 1 : i32
    %select_n3A_1182 = arith.select %eq3A_1180, %jit3A_1181, %jit3A_1178 : i32
    %rem3A_1183 = arith.remsi %select_n3A_1177, %select_n3A_1182 : i32
    %ne3A_1184 = arith.constant 0 : i32
    %ne3A_1185 = arith.cmpi ne, %rem3A_1183, %ne3A_1184 : i32
    %lt3A_1186 = arith.constant 0 : i32
    %lt3A_1187 = arith.cmpi slt, %rem3A_1183, %lt3A_1186 : i32
    %lt3A_1188 = arith.constant 0 : i32
    %lt3A_1189 = arith.cmpi slt, %select_n3A_1182, %lt3A_1188 : i32
    %ne3A_1190 = arith.xori %lt3A_1187, %lt3A_1189 : i1
    %and3A_1191 = arith.andi %ne3A_1190, %ne3A_1185 : i1
    %add3A_1192 = arith.addi %rem3A_1183, %select_n3A_1182 : i32
    %select_n3A_1193 = arith.select %and3A_1191, %add3A_1192, %rem3A_1183 : i32
    %get3A_1194 = arith.constant 0 : index
    %get3A_1195 = arith.constant 0 : index
    %get3A_1196 = arith.constant 0 : index
    %get3A_1197 = vector.load %arg26[%get3A_1194, %get3A_1195, %get3A_1196] : memref<1x8x1024xf32, #tpu.memory_space<vmem>>, vector<1x8x1024xf32>
    %get3A_1198 = vector.shape_cast %get3A_1197 : vector<1x8x1024xf32> to vector<8x1024xf32>
    %eq3A_1199 = vector.broadcast %select_n3A_1193 : i32 to vector<8x1024xi32>
    %eq3A_1200 = arith.cmpi eq, %iota3A, %eq3A_1199 : vector<8x1024xi32>
    %jit3A_1201 = arith.constant 0.000000e+00 : f32
    %broadcast_in_dim3A_1202 = vector.broadcast %jit3A_1201 : f32 to vector<8x1024xf32>
    %select_n3A_1203 = arith.select %eq3A_1200, %get3A_1198, %broadcast_in_dim3A_1202 : vector<8x1024xi1>, vector<8x1024xf32>
    %reduce_sum3A_1204 = arith.constant dense<0.000000e+00> : vector<1024xf32>
    %reduce_sum3A_1205 = vector.multi_reduction <add>, %select_n3A_1203, %reduce_sum3A_1204 [0] : vector<8x1024xf32> to vector<1024xf32>
    %swap3A_1206 = arith.constant 11 : index
    %swap3A_1207 = arith.constant 0 : index
    %swap3A_1208 = vector.load %arg36[%swap3A_1206, %swap3A_1207] : memref<16x1024xf32, #tpu.memory_space<vmem>>, vector<1x1024xf32>
    %swap3A_1209 = vector.shape_cast %swap3A_1208 : vector<1x1024xf32> to vector<1024xf32>
    %swap3A_1210 = vector.shape_cast %reduce_sum3A_1205 : vector<1024xf32> to vector<1x1024xf32>
    tpu.vector_store %arg36[%swap3A_1206, %swap3A_1207], %swap3A_1210 {strides = array<i32>} : memref<16x1024xf32, #tpu.memory_space<vmem>>, vector<1x1024xf32>,
    %get3A_1211 = arith.constant 12 : index
    %get3A_1212 = arith.constant 0 : index
    %get3A_1213 = arith.constant 0 : index
    %get3A_1214 = memref.load %arg1[%get3A_1211, %get3A_1212, %get3A_1213] : memref<16x8x128xi32, #tpu.memory_space<smem>>
    %get3A_1215 = arith.constant 12 : index
    %get3A_1216 = arith.constant 0 : index
    %get3A_1217 = arith.constant 0 : index
    %get3A_1218 = memref.load %arg2[%get3A_1215, %get3A_1216, %get3A_1217] : memref<16x1x128xi32, #tpu.memory_space<smem>>
    %add3A_1219 = arith.addi %get3A_1214, %get3A_1218 : i32
    %sub3A_1220 = arith.constant 2 : i32
    %sub3A_1221 = arith.subi %add3A_1219, %sub3A_1220 : i32
    %add3A_1222 = arith.constant 0 : i32
    %add3A_1223 = arith.addi %sub3A_1221, %add3A_1222 : i32
    %lt3A_1224 = arith.constant 0 : i32
    %lt3A_1225 = arith.cmpi slt, %add3A_1223, %lt3A_1224 : i32
    %add3A_1226 = arith.constant 4096 : i32
    %add3A_1227 = arith.addi %add3A_1223, %add3A_1226 : i32
    %select_n3A_1228 = arith.select %lt3A_1225, %add3A_1227, %add3A_1223 : i32
    %jit3A_1229 = arith.constant 8 : i32
    %eq3A_1230 = arith.constant 0 : i32
    %eq3A_1231 = arith.cmpi eq, %jit3A_1229, %eq3A_1230 : i32
    %jit3A_1232 = arith.constant 1 : i32
    %select_n3A_1233 = arith.select %eq3A_1231, %jit3A_1232, %jit3A_1229 : i32
    %rem3A_1234 = arith.remsi %select_n3A_1228, %select_n3A_1233 : i32
    %ne3A_1235 = arith.constant 0 : i32
    %ne3A_1236 = arith.cmpi ne, %rem3A_1234, %ne3A_1235 : i32
    %lt3A_1237 = arith.constant 0 : i32
    %lt3A_1238 = arith.cmpi slt, %rem3A_1234, %lt3A_1237 : i32
    %lt3A_1239 = arith.constant 0 : i32
    %lt3A_1240 = arith.cmpi slt, %select_n3A_1233, %lt3A_1239 : i32
    %ne3A_1241 = arith.xori %lt3A_1238, %lt3A_1240 : i1
    %and3A_1242 = arith.andi %ne3A_1241, %ne3A_1236 : i1
    %add3A_1243 = arith.addi %rem3A_1234, %select_n3A_1233 : i32
    %select_n3A_1244 = arith.select %and3A_1242, %add3A_1243, %rem3A_1234 : i32
    %get3A_1245 = arith.constant 0 : index
    %get3A_1246 = arith.constant 0 : index
    %get3A_1247 = arith.constant 0 : index
    %get3A_1248 = vector.load %arg27[%get3A_1245, %get3A_1246, %get3A_1247] : memref<1x8x1024xf32, #tpu.memory_space<vmem>>, vector<1x8x1024xf32>
    %get3A_1249 = vector.shape_cast %get3A_1248 : vector<1x8x1024xf32> to vector<8x1024xf32>
    %eq3A_1250 = vector.broadcast %select_n3A_1244 : i32 to vector<8x1024xi32>
    %eq3A_1251 = arith.cmpi eq, %iota3A, %eq3A_1250 : vector<8x1024xi32>
    %jit3A_1252 = arith.constant 0.000000e+00 : f32
    %broadcast_in_dim3A_1253 = vector.broadcast %jit3A_1252 : f32 to vector<8x1024xf32>
    %select_n3A_1254 = arith.select %eq3A_1251, %get3A_1249, %broadcast_in_dim3A_1253 : vector<8x1024xi1>, vector<8x1024xf32>
    %reduce_sum3A_1255 = arith.constant dense<0.000000e+00> : vector<1024xf32>
    %reduce_sum3A_1256 = vector.multi_reduction <add>, %select_n3A_1254, %reduce_sum3A_1255 [0] : vector<8x1024xf32> to vector<1024xf32>
    %swap3A_1257 = arith.constant 12 : index
    %swap3A_1258 = arith.constant 0 : index
    %swap3A_1259 = vector.load %arg35[%swap3A_1257, %swap3A_1258] : memref<16x1024xf32, #tpu.memory_space<vmem>>, vector<1x1024xf32>
    %swap3A_1260 = vector.shape_cast %swap3A_1259 : vector<1x1024xf32> to vector<1024xf32>
    %swap3A_1261 = vector.shape_cast %reduce_sum3A_1256 : vector<1024xf32> to vector<1x1024xf32>
    tpu.vector_store %arg35[%swap3A_1257, %swap3A_1258], %swap3A_1261 {strides = array<i32>} : memref<16x1024xf32, #tpu.memory_space<vmem>>, vector<1x1024xf32>,
    %get3A_1262 = arith.constant 12 : index
    %get3A_1263 = arith.constant 0 : index
    %get3A_1264 = arith.constant 0 : index
    %get3A_1265 = memref.load %arg1[%get3A_1262, %get3A_1263, %get3A_1264] : memref<16x8x128xi32, #tpu.memory_space<smem>>
    %get3A_1266 = arith.constant 12 : index
    %get3A_1267 = arith.constant 0 : index
    %get3A_1268 = arith.constant 0 : index
    %get3A_1269 = memref.load %arg2[%get3A_1266, %get3A_1267, %get3A_1268] : memref<16x1x128xi32, #tpu.memory_space<smem>>
    %add3A_1270 = arith.addi %get3A_1265, %get3A_1269 : i32
    %sub3A_1271 = arith.constant 2 : i32
    %sub3A_1272 = arith.subi %add3A_1270, %sub3A_1271 : i32
    %add3A_1273 = arith.constant 1 : i32
    %add3A_1274 = arith.addi %sub3A_1272, %add3A_1273 : i32
    %lt3A_1275 = arith.constant 0 : i32
    %lt3A_1276 = arith.cmpi slt, %add3A_1274, %lt3A_1275 : i32
    %add3A_1277 = arith.constant 4096 : i32
    %add3A_1278 = arith.addi %add3A_1274, %add3A_1277 : i32
    %select_n3A_1279 = arith.select %lt3A_1276, %add3A_1278, %add3A_1274 : i32
    %jit3A_1280 = arith.constant 8 : i32
    %eq3A_1281 = arith.constant 0 : i32
    %eq3A_1282 = arith.cmpi eq, %jit3A_1280, %eq3A_1281 : i32
    %jit3A_1283 = arith.constant 1 : i32
    %select_n3A_1284 = arith.select %eq3A_1282, %jit3A_1283, %jit3A_1280 : i32
    %rem3A_1285 = arith.remsi %select_n3A_1279, %select_n3A_1284 : i32
    %ne3A_1286 = arith.constant 0 : i32
    %ne3A_1287 = arith.cmpi ne, %rem3A_1285, %ne3A_1286 : i32
    %lt3A_1288 = arith.constant 0 : i32
    %lt3A_1289 = arith.cmpi slt, %rem3A_1285, %lt3A_1288 : i32
    %lt3A_1290 = arith.constant 0 : i32
    %lt3A_1291 = arith.cmpi slt, %select_n3A_1284, %lt3A_1290 : i32
    %ne3A_1292 = arith.xori %lt3A_1289, %lt3A_1291 : i1
    %and3A_1293 = arith.andi %ne3A_1292, %ne3A_1287 : i1
    %add3A_1294 = arith.addi %rem3A_1285, %select_n3A_1284 : i32
    %select_n3A_1295 = arith.select %and3A_1293, %add3A_1294, %rem3A_1285 : i32
    %get3A_1296 = arith.constant 0 : index
    %get3A_1297 = arith.constant 0 : index
    %get3A_1298 = arith.constant 0 : index
    %get3A_1299 = vector.load %arg28[%get3A_1296, %get3A_1297, %get3A_1298] : memref<1x8x1024xf32, #tpu.memory_space<vmem>>, vector<1x8x1024xf32>
    %get3A_1300 = vector.shape_cast %get3A_1299 : vector<1x8x1024xf32> to vector<8x1024xf32>
    %eq3A_1301 = vector.broadcast %select_n3A_1295 : i32 to vector<8x1024xi32>
    %eq3A_1302 = arith.cmpi eq, %iota3A, %eq3A_1301 : vector<8x1024xi32>
    %jit3A_1303 = arith.constant 0.000000e+00 : f32
    %broadcast_in_dim3A_1304 = vector.broadcast %jit3A_1303 : f32 to vector<8x1024xf32>
    %select_n3A_1305 = arith.select %eq3A_1302, %get3A_1300, %broadcast_in_dim3A_1304 : vector<8x1024xi1>, vector<8x1024xf32>
    %reduce_sum3A_1306 = arith.constant dense<0.000000e+00> : vector<1024xf32>
    %reduce_sum3A_1307 = vector.multi_reduction <add>, %select_n3A_1305, %reduce_sum3A_1306 [0] : vector<8x1024xf32> to vector<1024xf32>
    %swap3A_1308 = arith.constant 12 : index
    %swap3A_1309 = arith.constant 0 : index
    %swap3A_1310 = vector.load %arg36[%swap3A_1308, %swap3A_1309] : memref<16x1024xf32, #tpu.memory_space<vmem>>, vector<1x1024xf32>
    %swap3A_1311 = vector.shape_cast %swap3A_1310 : vector<1x1024xf32> to vector<1024xf32>
    %swap3A_1312 = vector.shape_cast %reduce_sum3A_1307 : vector<1024xf32> to vector<1x1024xf32>
    tpu.vector_store %arg36[%swap3A_1308, %swap3A_1309], %swap3A_1312 {strides = array<i32>} : memref<16x1024xf32, #tpu.memory_space<vmem>>, vector<1x1024xf32>,
    %get3A_1313 = arith.constant 13 : index
    %get3A_1314 = arith.constant 0 : index
    %get3A_1315 = arith.constant 0 : index
    %get3A_1316 = memref.load %arg1[%get3A_1313, %get3A_1314, %get3A_1315] : memref<16x8x128xi32, #tpu.memory_space<smem>>
    %get3A_1317 = arith.constant 13 : index
    %get3A_1318 = arith.constant 0 : index
    %get3A_1319 = arith.constant 0 : index
    %get3A_1320 = memref.load %arg2[%get3A_1317, %get3A_1318, %get3A_1319] : memref<16x1x128xi32, #tpu.memory_space<smem>>
    %add3A_1321 = arith.addi %get3A_1316, %get3A_1320 : i32
    %sub3A_1322 = arith.constant 2 : i32
    %sub3A_1323 = arith.subi %add3A_1321, %sub3A_1322 : i32
    %add3A_1324 = arith.constant 0 : i32
    %add3A_1325 = arith.addi %sub3A_1323, %add3A_1324 : i32
    %lt3A_1326 = arith.constant 0 : i32
    %lt3A_1327 = arith.cmpi slt, %add3A_1325, %lt3A_1326 : i32
    %add3A_1328 = arith.constant 4096 : i32
    %add3A_1329 = arith.addi %add3A_1325, %add3A_1328 : i32
    %select_n3A_1330 = arith.select %lt3A_1327, %add3A_1329, %add3A_1325 : i32
    %jit3A_1331 = arith.constant 8 : i32
    %eq3A_1332 = arith.constant 0 : i32
    %eq3A_1333 = arith.cmpi eq, %jit3A_1331, %eq3A_1332 : i32
    %jit3A_1334 = arith.constant 1 : i32
    %select_n3A_1335 = arith.select %eq3A_1333, %jit3A_1334, %jit3A_1331 : i32
    %rem3A_1336 = arith.remsi %select_n3A_1330, %select_n3A_1335 : i32
    %ne3A_1337 = arith.constant 0 : i32
    %ne3A_1338 = arith.cmpi ne, %rem3A_1336, %ne3A_1337 : i32
    %lt3A_1339 = arith.constant 0 : i32
    %lt3A_1340 = arith.cmpi slt, %rem3A_1336, %lt3A_1339 : i32
    %lt3A_1341 = arith.constant 0 : i32
    %lt3A_1342 = arith.cmpi slt, %select_n3A_1335, %lt3A_1341 : i32
    %ne3A_1343 = arith.xori %lt3A_1340, %lt3A_1342 : i1
    %and3A_1344 = arith.andi %ne3A_1343, %ne3A_1338 : i1
    %add3A_1345 = arith.addi %rem3A_1336, %select_n3A_1335 : i32
    %select_n3A_1346 = arith.select %and3A_1344, %add3A_1345, %rem3A_1336 : i32
    %get3A_1347 = arith.constant 0 : index
    %get3A_1348 = arith.constant 0 : index
    %get3A_1349 = arith.constant 0 : index
    %get3A_1350 = vector.load %arg29[%get3A_1347, %get3A_1348, %get3A_1349] : memref<1x8x1024xf32, #tpu.memory_space<vmem>>, vector<1x8x1024xf32>
    %get3A_1351 = vector.shape_cast %get3A_1350 : vector<1x8x1024xf32> to vector<8x1024xf32>
    %eq3A_1352 = vector.broadcast %select_n3A_1346 : i32 to vector<8x1024xi32>
    %eq3A_1353 = arith.cmpi eq, %iota3A, %eq3A_1352 : vector<8x1024xi32>
    %jit3A_1354 = arith.constant 0.000000e+00 : f32
    %broadcast_in_dim3A_1355 = vector.broadcast %jit3A_1354 : f32 to vector<8x1024xf32>
    %select_n3A_1356 = arith.select %eq3A_1353, %get3A_1351, %broadcast_in_dim3A_1355 : vector<8x1024xi1>, vector<8x1024xf32>
    %reduce_sum3A_1357 = arith.constant dense<0.000000e+00> : vector<1024xf32>
    %reduce_sum3A_1358 = vector.multi_reduction <add>, %select_n3A_1356, %reduce_sum3A_1357 [0] : vector<8x1024xf32> to vector<1024xf32>
    %swap3A_1359 = arith.constant 13 : index
    %swap3A_1360 = arith.constant 0 : index
    %swap3A_1361 = vector.load %arg35[%swap3A_1359, %swap3A_1360] : memref<16x1024xf32, #tpu.memory_space<vmem>>, vector<1x1024xf32>
    %swap3A_1362 = vector.shape_cast %swap3A_1361 : vector<1x1024xf32> to vector<1024xf32>
    %swap3A_1363 = vector.shape_cast %reduce_sum3A_1358 : vector<1024xf32> to vector<1x1024xf32>
    tpu.vector_store %arg35[%swap3A_1359, %swap3A_1360], %swap3A_1363 {strides = array<i32>} : memref<16x1024xf32, #tpu.memory_space<vmem>>, vector<1x1024xf32>,
    %get3A_1364 = arith.constant 13 : index
    %get3A_1365 = arith.constant 0 : index
    %get3A_1366 = arith.constant 0 : index
    %get3A_1367 = memref.load %arg1[%get3A_1364, %get3A_1365, %get3A_1366] : memref<16x8x128xi32, #tpu.memory_space<smem>>
    %get3A_1368 = arith.constant 13 : index
    %get3A_1369 = arith.constant 0 : index
    %get3A_1370 = arith.constant 0 : index
    %get3A_1371 = memref.load %arg2[%get3A_1368, %get3A_1369, %get3A_1370] : memref<16x1x128xi32, #tpu.memory_space<smem>>
    %add3A_1372 = arith.addi %get3A_1367, %get3A_1371 : i32
    %sub3A_1373 = arith.constant 2 : i32
    %sub3A_1374 = arith.subi %add3A_1372, %sub3A_1373 : i32
    %add3A_1375 = arith.constant 1 : i32
    %add3A_1376 = arith.addi %sub3A_1374, %add3A_1375 : i32
    %lt3A_1377 = arith.constant 0 : i32
    %lt3A_1378 = arith.cmpi slt, %add3A_1376, %lt3A_1377 : i32
    %add3A_1379 = arith.constant 4096 : i32
    %add3A_1380 = arith.addi %add3A_1376, %add3A_1379 : i32
    %select_n3A_1381 = arith.select %lt3A_1378, %add3A_1380, %add3A_1376 : i32
    %jit3A_1382 = arith.constant 8 : i32
    %eq3A_1383 = arith.constant 0 : i32
    %eq3A_1384 = arith.cmpi eq, %jit3A_1382, %eq3A_1383 : i32
    %jit3A_1385 = arith.constant 1 : i32
    %select_n3A_1386 = arith.select %eq3A_1384, %jit3A_1385, %jit3A_1382 : i32
    %rem3A_1387 = arith.remsi %select_n3A_1381, %select_n3A_1386 : i32
    %ne3A_1388 = arith.constant 0 : i32
    %ne3A_1389 = arith.cmpi ne, %rem3A_1387, %ne3A_1388 : i32
    %lt3A_1390 = arith.constant 0 : i32
    %lt3A_1391 = arith.cmpi slt, %rem3A_1387, %lt3A_1390 : i32
    %lt3A_1392 = arith.constant 0 : i32
    %lt3A_1393 = arith.cmpi slt, %select_n3A_1386, %lt3A_1392 : i32
    %ne3A_1394 = arith.xori %lt3A_1391, %lt3A_1393 : i1
    %and3A_1395 = arith.andi %ne3A_1394, %ne3A_1389 : i1
    %add3A_1396 = arith.addi %rem3A_1387, %select_n3A_1386 : i32
    %select_n3A_1397 = arith.select %and3A_1395, %add3A_1396, %rem3A_1387 : i32
    %get3A_1398 = arith.constant 0 : index
    %get3A_1399 = arith.constant 0 : index
    %get3A_1400 = arith.constant 0 : index
    %get3A_1401 = vector.load %arg30[%get3A_1398, %get3A_1399, %get3A_1400] : memref<1x8x1024xf32, #tpu.memory_space<vmem>>, vector<1x8x1024xf32>
    %get3A_1402 = vector.shape_cast %get3A_1401 : vector<1x8x1024xf32> to vector<8x1024xf32>
    %eq3A_1403 = vector.broadcast %select_n3A_1397 : i32 to vector<8x1024xi32>
    %eq3A_1404 = arith.cmpi eq, %iota3A, %eq3A_1403 : vector<8x1024xi32>
    %jit3A_1405 = arith.constant 0.000000e+00 : f32
    %broadcast_in_dim3A_1406 = vector.broadcast %jit3A_1405 : f32 to vector<8x1024xf32>
    %select_n3A_1407 = arith.select %eq3A_1404, %get3A_1402, %broadcast_in_dim3A_1406 : vector<8x1024xi1>, vector<8x1024xf32>
    %reduce_sum3A_1408 = arith.constant dense<0.000000e+00> : vector<1024xf32>
    %reduce_sum3A_1409 = vector.multi_reduction <add>, %select_n3A_1407, %reduce_sum3A_1408 [0] : vector<8x1024xf32> to vector<1024xf32>
    %swap3A_1410 = arith.constant 13 : index
    %swap3A_1411 = arith.constant 0 : index
    %swap3A_1412 = vector.load %arg36[%swap3A_1410, %swap3A_1411] : memref<16x1024xf32, #tpu.memory_space<vmem>>, vector<1x1024xf32>
    %swap3A_1413 = vector.shape_cast %swap3A_1412 : vector<1x1024xf32> to vector<1024xf32>
    %swap3A_1414 = vector.shape_cast %reduce_sum3A_1409 : vector<1024xf32> to vector<1x1024xf32>
    tpu.vector_store %arg36[%swap3A_1410, %swap3A_1411], %swap3A_1414 {strides = array<i32>} : memref<16x1024xf32, #tpu.memory_space<vmem>>, vector<1x1024xf32>,
    %get3A_1415 = arith.constant 14 : index
    %get3A_1416 = arith.constant 0 : index
    %get3A_1417 = arith.constant 0 : index
    %get3A_1418 = memref.load %arg1[%get3A_1415, %get3A_1416, %get3A_1417] : memref<16x8x128xi32, #tpu.memory_space<smem>>
    %get3A_1419 = arith.constant 14 : index
    %get3A_1420 = arith.constant 0 : index
    %get3A_1421 = arith.constant 0 : index
    %get3A_1422 = memref.load %arg2[%get3A_1419, %get3A_1420, %get3A_1421] : memref<16x1x128xi32, #tpu.memory_space<smem>>
    %add3A_1423 = arith.addi %get3A_1418, %get3A_1422 : i32
    %sub3A_1424 = arith.constant 2 : i32
    %sub3A_1425 = arith.subi %add3A_1423, %sub3A_1424 : i32
    %add3A_1426 = arith.constant 0 : i32
    %add3A_1427 = arith.addi %sub3A_1425, %add3A_1426 : i32
    %lt3A_1428 = arith.constant 0 : i32
    %lt3A_1429 = arith.cmpi slt, %add3A_1427, %lt3A_1428 : i32
    %add3A_1430 = arith.constant 4096 : i32
    %add3A_1431 = arith.addi %add3A_1427, %add3A_1430 : i32
    %select_n3A_1432 = arith.select %lt3A_1429, %add3A_1431, %add3A_1427 : i32
    %jit3A_1433 = arith.constant 8 : i32
    %eq3A_1434 = arith.constant 0 : i32
    %eq3A_1435 = arith.cmpi eq, %jit3A_1433, %eq3A_1434 : i32
    %jit3A_1436 = arith.constant 1 : i32
    %select_n3A_1437 = arith.select %eq3A_1435, %jit3A_1436, %jit3A_1433 : i32
    %rem3A_1438 = arith.remsi %select_n3A_1432, %select_n3A_1437 : i32
    %ne3A_1439 = arith.constant 0 : i32
    %ne3A_1440 = arith.cmpi ne, %rem3A_1438, %ne3A_1439 : i32
    %lt3A_1441 = arith.constant 0 : i32
    %lt3A_1442 = arith.cmpi slt, %rem3A_1438, %lt3A_1441 : i32
    %lt3A_1443 = arith.constant 0 : i32
    %lt3A_1444 = arith.cmpi slt, %select_n3A_1437, %lt3A_1443 : i32
    %ne3A_1445 = arith.xori %lt3A_1442, %lt3A_1444 : i1
    %and3A_1446 = arith.andi %ne3A_1445, %ne3A_1440 : i1
    %add3A_1447 = arith.addi %rem3A_1438, %select_n3A_1437 : i32
    %select_n3A_1448 = arith.select %and3A_1446, %add3A_1447, %rem3A_1438 : i32
    %get3A_1449 = arith.constant 0 : index
    %get3A_1450 = arith.constant 0 : index
    %get3A_1451 = arith.constant 0 : index
    %get3A_1452 = vector.load %arg31[%get3A_1449, %get3A_1450, %get3A_1451] : memref<1x8x1024xf32, #tpu.memory_space<vmem>>, vector<1x8x1024xf32>
    %get3A_1453 = vector.shape_cast %get3A_1452 : vector<1x8x1024xf32> to vector<8x1024xf32>
    %eq3A_1454 = vector.broadcast %select_n3A_1448 : i32 to vector<8x1024xi32>
    %eq3A_1455 = arith.cmpi eq, %iota3A, %eq3A_1454 : vector<8x1024xi32>
    %jit3A_1456 = arith.constant 0.000000e+00 : f32
    %broadcast_in_dim3A_1457 = vector.broadcast %jit3A_1456 : f32 to vector<8x1024xf32>
    %select_n3A_1458 = arith.select %eq3A_1455, %get3A_1453, %broadcast_in_dim3A_1457 : vector<8x1024xi1>, vector<8x1024xf32>
    %reduce_sum3A_1459 = arith.constant dense<0.000000e+00> : vector<1024xf32>
    %reduce_sum3A_1460 = vector.multi_reduction <add>, %select_n3A_1458, %reduce_sum3A_1459 [0] : vector<8x1024xf32> to vector<1024xf32>
    %swap3A_1461 = arith.constant 14 : index
    %swap3A_1462 = arith.constant 0 : index
    %swap3A_1463 = vector.load %arg35[%swap3A_1461, %swap3A_1462] : memref<16x1024xf32, #tpu.memory_space<vmem>>, vector<1x1024xf32>
    %swap3A_1464 = vector.shape_cast %swap3A_1463 : vector<1x1024xf32> to vector<1024xf32>
    %swap3A_1465 = vector.shape_cast %reduce_sum3A_1460 : vector<1024xf32> to vector<1x1024xf32>
    tpu.vector_store %arg35[%swap3A_1461, %swap3A_1462], %swap3A_1465 {strides = array<i32>} : memref<16x1024xf32, #tpu.memory_space<vmem>>, vector<1x1024xf32>,
    %get3A_1466 = arith.constant 14 : index
    %get3A_1467 = arith.constant 0 : index
    %get3A_1468 = arith.constant 0 : index
    %get3A_1469 = memref.load %arg1[%get3A_1466, %get3A_1467, %get3A_1468] : memref<16x8x128xi32, #tpu.memory_space<smem>>
    %get3A_1470 = arith.constant 14 : index
    %get3A_1471 = arith.constant 0 : index
    %get3A_1472 = arith.constant 0 : index
    %get3A_1473 = memref.load %arg2[%get3A_1470, %get3A_1471, %get3A_1472] : memref<16x1x128xi32, #tpu.memory_space<smem>>
    %add3A_1474 = arith.addi %get3A_1469, %get3A_1473 : i32
    %sub3A_1475 = arith.constant 2 : i32
    %sub3A_1476 = arith.subi %add3A_1474, %sub3A_1475 : i32
    %add3A_1477 = arith.constant 1 : i32
    %add3A_1478 = arith.addi %sub3A_1476, %add3A_1477 : i32
    %lt3A_1479 = arith.constant 0 : i32
    %lt3A_1480 = arith.cmpi slt, %add3A_1478, %lt3A_1479 : i32
    %add3A_1481 = arith.constant 4096 : i32
    %add3A_1482 = arith.addi %add3A_1478, %add3A_1481 : i32
    %select_n3A_1483 = arith.select %lt3A_1480, %add3A_1482, %add3A_1478 : i32
    %jit3A_1484 = arith.constant 8 : i32
    %eq3A_1485 = arith.constant 0 : i32
    %eq3A_1486 = arith.cmpi eq, %jit3A_1484, %eq3A_1485 : i32
    %jit3A_1487 = arith.constant 1 : i32
    %select_n3A_1488 = arith.select %eq3A_1486, %jit3A_1487, %jit3A_1484 : i32
    %rem3A_1489 = arith.remsi %select_n3A_1483, %select_n3A_1488 : i32
    %ne3A_1490 = arith.constant 0 : i32
    %ne3A_1491 = arith.cmpi ne, %rem3A_1489, %ne3A_1490 : i32
    %lt3A_1492 = arith.constant 0 : i32
    %lt3A_1493 = arith.cmpi slt, %rem3A_1489, %lt3A_1492 : i32
    %lt3A_1494 = arith.constant 0 : i32
    %lt3A_1495 = arith.cmpi slt, %select_n3A_1488, %lt3A_1494 : i32
    %ne3A_1496 = arith.xori %lt3A_1493, %lt3A_1495 : i1
    %and3A_1497 = arith.andi %ne3A_1496, %ne3A_1491 : i1
    %add3A_1498 = arith.addi %rem3A_1489, %select_n3A_1488 : i32
    %select_n3A_1499 = arith.select %and3A_1497, %add3A_1498, %rem3A_1489 : i32
    %get3A_1500 = arith.constant 0 : index
    %get3A_1501 = arith.constant 0 : index
    %get3A_1502 = arith.constant 0 : index
    %get3A_1503 = vector.load %arg32[%get3A_1500, %get3A_1501, %get3A_1502] : memref<1x8x1024xf32, #tpu.memory_space<vmem>>, vector<1x8x1024xf32>
    %get3A_1504 = vector.shape_cast %get3A_1503 : vector<1x8x1024xf32> to vector<8x1024xf32>
    %eq3A_1505 = vector.broadcast %select_n3A_1499 : i32 to vector<8x1024xi32>
    %eq3A_1506 = arith.cmpi eq, %iota3A, %eq3A_1505 : vector<8x1024xi32>
    %jit3A_1507 = arith.constant 0.000000e+00 : f32
    %broadcast_in_dim3A_1508 = vector.broadcast %jit3A_1507 : f32 to vector<8x1024xf32>
    %select_n3A_1509 = arith.select %eq3A_1506, %get3A_1504, %broadcast_in_dim3A_1508 : vector<8x1024xi1>, vector<8x1024xf32>
    %reduce_sum3A_1510 = arith.constant dense<0.000000e+00> : vector<1024xf32>
    %reduce_sum3A_1511 = vector.multi_reduction <add>, %select_n3A_1509, %reduce_sum3A_1510 [0] : vector<8x1024xf32> to vector<1024xf32>
    %swap3A_1512 = arith.constant 14 : index
    %swap3A_1513 = arith.constant 0 : index
    %swap3A_1514 = vector.load %arg36[%swap3A_1512, %swap3A_1513] : memref<16x1024xf32, #tpu.memory_space<vmem>>, vector<1x1024xf32>
    %swap3A_1515 = vector.shape_cast %swap3A_1514 : vector<1x1024xf32> to vector<1024xf32>
    %swap3A_1516 = vector.shape_cast %reduce_sum3A_1511 : vector<1024xf32> to vector<1x1024xf32>
    tpu.vector_store %arg36[%swap3A_1512, %swap3A_1513], %swap3A_1516 {strides = array<i32>} : memref<16x1024xf32, #tpu.memory_space<vmem>>, vector<1x1024xf32>,
    %get3A_1517 = arith.constant 15 : index
    %get3A_1518 = arith.constant 0 : index
    %get3A_1519 = arith.constant 0 : index
    %get3A_1520 = memref.load %arg1[%get3A_1517, %get3A_1518, %get3A_1519] : memref<16x8x128xi32, #tpu.memory_space<smem>>
    %get3A_1521 = arith.constant 15 : index
    %get3A_1522 = arith.constant 0 : index
    %get3A_1523 = arith.constant 0 : index
    %get3A_1524 = memref.load %arg2[%get3A_1521, %get3A_1522, %get3A_1523] : memref<16x1x128xi32, #tpu.memory_space<smem>>
    %add3A_1525 = arith.addi %get3A_1520, %get3A_1524 : i32
    %sub3A_1526 = arith.constant 2 : i32
    %sub3A_1527 = arith.subi %add3A_1525, %sub3A_1526 : i32
    %add3A_1528 = arith.constant 0 : i32
    %add3A_1529 = arith.addi %sub3A_1527, %add3A_1528 : i32
    %lt3A_1530 = arith.constant 0 : i32
    %lt3A_1531 = arith.cmpi slt, %add3A_1529, %lt3A_1530 : i32
    %add3A_1532 = arith.constant 4096 : i32
    %add3A_1533 = arith.addi %add3A_1529, %add3A_1532 : i32
    %select_n3A_1534 = arith.select %lt3A_1531, %add3A_1533, %add3A_1529 : i32
    %jit3A_1535 = arith.constant 8 : i32
    %eq3A_1536 = arith.constant 0 : i32
    %eq3A_1537 = arith.cmpi eq, %jit3A_1535, %eq3A_1536 : i32
    %jit3A_1538 = arith.constant 1 : i32
    %select_n3A_1539 = arith.select %eq3A_1537, %jit3A_1538, %jit3A_1535 : i32
    %rem3A_1540 = arith.remsi %select_n3A_1534, %select_n3A_1539 : i32
    %ne3A_1541 = arith.constant 0 : i32
    %ne3A_1542 = arith.cmpi ne, %rem3A_1540, %ne3A_1541 : i32
    %lt3A_1543 = arith.constant 0 : i32
    %lt3A_1544 = arith.cmpi slt, %rem3A_1540, %lt3A_1543 : i32
    %lt3A_1545 = arith.constant 0 : i32
    %lt3A_1546 = arith.cmpi slt, %select_n3A_1539, %lt3A_1545 : i32
    %ne3A_1547 = arith.xori %lt3A_1544, %lt3A_1546 : i1
    %and3A_1548 = arith.andi %ne3A_1547, %ne3A_1542 : i1
    %add3A_1549 = arith.addi %rem3A_1540, %select_n3A_1539 : i32
    %select_n3A_1550 = arith.select %and3A_1548, %add3A_1549, %rem3A_1540 : i32
    %get3A_1551 = arith.constant 0 : index
    %get3A_1552 = arith.constant 0 : index
    %get3A_1553 = arith.constant 0 : index
    %get3A_1554 = vector.load %arg33[%get3A_1551, %get3A_1552, %get3A_1553] : memref<1x8x1024xf32, #tpu.memory_space<vmem>>, vector<1x8x1024xf32>
    %get3A_1555 = vector.shape_cast %get3A_1554 : vector<1x8x1024xf32> to vector<8x1024xf32>
    %eq3A_1556 = vector.broadcast %select_n3A_1550 : i32 to vector<8x1024xi32>
    %eq3A_1557 = arith.cmpi eq, %iota3A, %eq3A_1556 : vector<8x1024xi32>
    %jit3A_1558 = arith.constant 0.000000e+00 : f32
    %broadcast_in_dim3A_1559 = vector.broadcast %jit3A_1558 : f32 to vector<8x1024xf32>
    %select_n3A_1560 = arith.select %eq3A_1557, %get3A_1555, %broadcast_in_dim3A_1559 : vector<8x1024xi1>, vector<8x1024xf32>
    %reduce_sum3A_1561 = arith.constant dense<0.000000e+00> : vector<1024xf32>
    %reduce_sum3A_1562 = vector.multi_reduction <add>, %select_n3A_1560, %reduce_sum3A_1561 [0] : vector<8x1024xf32> to vector<1024xf32>
    %swap3A_1563 = arith.constant 15 : index
    %swap3A_1564 = arith.constant 0 : index
    %swap3A_1565 = vector.load %arg35[%swap3A_1563, %swap3A_1564] : memref<16x1024xf32, #tpu.memory_space<vmem>>, vector<1x1024xf32>
    %swap3A_1566 = vector.shape_cast %swap3A_1565 : vector<1x1024xf32> to vector<1024xf32>
    %swap3A_1567 = vector.shape_cast %reduce_sum3A_1562 : vector<1024xf32> to vector<1x1024xf32>
    tpu.vector_store %arg35[%swap3A_1563, %swap3A_1564], %swap3A_1567 {strides = array<i32>} : memref<16x1024xf32, #tpu.memory_space<vmem>>, vector<1x1024xf32>,
    %get3A_1568 = arith.constant 15 : index
    %get3A_1569 = arith.constant 0 : index
    %get3A_1570 = arith.constant 0 : index
    %get3A_1571 = memref.load %arg1[%get3A_1568, %get3A_1569, %get3A_1570] : memref<16x8x128xi32, #tpu.memory_space<smem>>
    %get3A_1572 = arith.constant 15 : index
    %get3A_1573 = arith.constant 0 : index
    %get3A_1574 = arith.constant 0 : index
    %get3A_1575 = memref.load %arg2[%get3A_1572, %get3A_1573, %get3A_1574] : memref<16x1x128xi32, #tpu.memory_space<smem>>
    %add3A_1576 = arith.addi %get3A_1571, %get3A_1575 : i32
    %sub3A_1577 = arith.constant 2 : i32
    %sub3A_1578 = arith.subi %add3A_1576, %sub3A_1577 : i32
    %add3A_1579 = arith.constant 1 : i32
    %add3A_1580 = arith.addi %sub3A_1578, %add3A_1579 : i32
    %lt3A_1581 = arith.constant 0 : i32
    %lt3A_1582 = arith.cmpi slt, %add3A_1580, %lt3A_1581 : i32
    %add3A_1583 = arith.constant 4096 : i32
    %add3A_1584 = arith.addi %add3A_1580, %add3A_1583 : i32
    %select_n3A_1585 = arith.select %lt3A_1582, %add3A_1584, %add3A_1580 : i32
    %jit3A_1586 = arith.constant 8 : i32
    %eq3A_1587 = arith.constant 0 : i32
    %eq3A_1588 = arith.cmpi eq, %jit3A_1586, %eq3A_1587 : i32
    %jit3A_1589 = arith.constant 1 : i32
    %select_n3A_1590 = arith.select %eq3A_1588, %jit3A_1589, %jit3A_1586 : i32
    %rem3A_1591 = arith.remsi %select_n3A_1585, %select_n3A_1590 : i32
    %ne3A_1592 = arith.constant 0 : i32
    %ne3A_1593 = arith.cmpi ne, %rem3A_1591, %ne3A_1592 : i32
    %lt3A_1594 = arith.constant 0 : i32
    %lt3A_1595 = arith.cmpi slt, %rem3A_1591, %lt3A_1594 : i32
    %lt3A_1596 = arith.constant 0 : i32
    %lt3A_1597 = arith.cmpi slt, %select_n3A_1590, %lt3A_1596 : i32
    %ne3A_1598 = arith.xori %lt3A_1595, %lt3A_1597 : i1
    %and3A_1599 = arith.andi %ne3A_1598, %ne3A_1593 : i1
    %add3A_1600 = arith.addi %rem3A_1591, %select_n3A_1590 : i32
    %select_n3A_1601 = arith.select %and3A_1599, %add3A_1600, %rem3A_1591 : i32
    %get3A_1602 = arith.constant 0 : index
    %get3A_1603 = arith.constant 0 : index
    %get3A_1604 = arith.constant 0 : index
    %get3A_1605 = vector.load %arg34[%get3A_1602, %get3A_1603, %get3A_1604] : memref<1x8x1024xf32, #tpu.memory_space<vmem>>, vector<1x8x1024xf32>
    %get3A_1606 = vector.shape_cast %get3A_1605 : vector<1x8x1024xf32> to vector<8x1024xf32>
    %eq3A_1607 = vector.broadcast %select_n3A_1601 : i32 to vector<8x1024xi32>
    %eq3A_1608 = arith.cmpi eq, %iota3A, %eq3A_1607 : vector<8x1024xi32>
    %jit3A_1609 = arith.constant 0.000000e+00 : f32
    %broadcast_in_dim3A_1610 = vector.broadcast %jit3A_1609 : f32 to vector<8x1024xf32>
    %select_n3A_1611 = arith.select %eq3A_1608, %get3A_1606, %broadcast_in_dim3A_1610 : vector<8x1024xi1>, vector<8x1024xf32>
    %reduce_sum3A_1612 = arith.constant dense<0.000000e+00> : vector<1024xf32>
    %reduce_sum3A_1613 = vector.multi_reduction <add>, %select_n3A_1611, %reduce_sum3A_1612 [0] : vector<8x1024xf32> to vector<1024xf32>
    %swap3A_1614 = arith.constant 15 : index
    %swap3A_1615 = arith.constant 0 : index
    %swap3A_1616 = vector.load %arg36[%swap3A_1614, %swap3A_1615] : memref<16x1024xf32, #tpu.memory_space<vmem>>, vector<1x1024xf32>
    %swap3A_1617 = vector.shape_cast %swap3A_1616 : vector<1x1024xf32> to vector<1024xf32>
    %swap3A_1618 = vector.shape_cast %reduce_sum3A_1613 : vector<1024xf32> to vector<1x1024xf32>
    tpu.vector_store %arg36[%swap3A_1614, %swap3A_1615], %swap3A_1618 {strides = array<i32>} : memref<16x1024xf32, #tpu.memory_space<vmem>>, vector<1x1024xf32>,
    return
  }
  func.func @transform_0(%arg0: i32, %arg1: memref<16x8x128xi32, #tpu.memory_space<smem>>, %arg2: memref<16x1x128xi32, #tpu.memory_space<smem>>) -> (i32, i32, i32) {
    %get3A = arith.constant 0 : index
    %get3A_0 = arith.constant 0 : index
    %get3A_1 = arith.constant 0 : index
    %get3A_2 = memref.load %arg1[%get3A, %get3A_0, %get3A_1] : memref<16x8x128xi32, #tpu.memory_space<smem>>
    %get3A_3 = arith.constant 0 : index
    %get3A_4 = arith.constant 0 : index
    %get3A_5 = arith.constant 0 : index
    %get3A_6 = memref.load %arg2[%get3A_3, %get3A_4, %get3A_5] : memref<16x1x128xi32, #tpu.memory_space<smem>>
    %add3A = arith.addi %get3A_2, %get3A_6 : i32
    %sub3A = arith.constant 2 : i32
    %sub3A_7 = arith.subi %add3A, %sub3A : i32
    %add3A_8 = arith.constant 0 : i32
    %add3A_9 = arith.addi %sub3A_7, %add3A_8 : i32
    %lt3A = arith.constant 0 : i32
    %lt3A_10 = arith.cmpi slt, %add3A_9, %lt3A : i32
    %add3A_11 = arith.constant 4096 : i32
    %add3A_12 = arith.addi %add3A_9, %add3A_11 : i32
    %select_n3A = arith.select %lt3A_10, %add3A_12, %add3A_9 : i32
    %jit3A = arith.constant 8 : i32
    %div3A = arith.divsi %select_n3A, %jit3A : i32
    %sign3A = arith.constant 0 : i32
    %sign3A_13 = arith.cmpi sgt, %select_n3A, %sign3A : i32
    %sign3A_14 = arith.extui %sign3A_13 : i1 to i32
    %sign3A_15 = arith.constant 0 : i32
    %sign3A_16 = arith.cmpi slt, %select_n3A, %sign3A_15 : i32
    %sign3A_17 = arith.extui %sign3A_16 : i1 to i32
    %sign3A_18 = arith.subi %sign3A_14, %sign3A_17 : i32
    %sign3A_19 = arith.constant 0 : i32
    %sign3A_20 = arith.cmpi sgt, %jit3A, %sign3A_19 : i32
    %sign3A_21 = arith.extui %sign3A_20 : i1 to i32
    %sign3A_22 = arith.constant 0 : i32
    %sign3A_23 = arith.cmpi slt, %jit3A, %sign3A_22 : i32
    %sign3A_24 = arith.extui %sign3A_23 : i1 to i32
    %sign3A_25 = arith.subi %sign3A_21, %sign3A_24 : i32
    %ne3A = arith.cmpi ne, %sign3A_18, %sign3A_25 : i32
    %rem3A = arith.remsi %select_n3A, %jit3A : i32
    %ne3A_26 = arith.constant 0 : i32
    %ne3A_27 = arith.cmpi ne, %rem3A, %ne3A_26 : i32
    %and3A = arith.andi %ne3A, %ne3A_27 : i1
    %sub3A_28 = arith.constant 1 : i32
    %sub3A_29 = arith.subi %div3A, %sub3A_28 : i32
    %select_n3A_30 = arith.select %and3A, %sub3A_29, %div3A : i32
    %c0_i32 = arith.constant 0 : i32
    %c0_i32_31 = arith.constant 0 : i32
    %c0_i32_32 = arith.constant 0 : i32
    return %c0_i32, %select_n3A_30, %c0_i32_31 : i32, i32, i32
  }
  func.func @transform_1(%arg0: i32, %arg1: memref<16x8x128xi32, #tpu.memory_space<smem>>, %arg2: memref<16x1x128xi32, #tpu.memory_space<smem>>) -> (i32, i32, i32) {
    %get3A = arith.constant 0 : index
    %get3A_0 = arith.constant 0 : index
    %get3A_1 = arith.constant 0 : index
    %get3A_2 = memref.load %arg1[%get3A, %get3A_0, %get3A_1] : memref<16x8x128xi32, #tpu.memory_space<smem>>
    %get3A_3 = arith.constant 0 : index
    %get3A_4 = arith.constant 0 : index
    %get3A_5 = arith.constant 0 : index
    %get3A_6 = memref.load %arg2[%get3A_3, %get3A_4, %get3A_5] : memref<16x1x128xi32, #tpu.memory_space<smem>>
    %add3A = arith.addi %get3A_2, %get3A_6 : i32
    %sub3A = arith.constant 2 : i32
    %sub3A_7 = arith.subi %add3A, %sub3A : i32
    %add3A_8 = arith.constant 1 : i32
    %add3A_9 = arith.addi %sub3A_7, %add3A_8 : i32
    %lt3A = arith.constant 0 : i32
    %lt3A_10 = arith.cmpi slt, %add3A_9, %lt3A : i32
    %add3A_11 = arith.constant 4096 : i32
    %add3A_12 = arith.addi %add3A_9, %add3A_11 : i32
    %select_n3A = arith.select %lt3A_10, %add3A_12, %add3A_9 : i32
    %jit3A = arith.constant 8 : i32
    %div3A = arith.divsi %select_n3A, %jit3A : i32
    %sign3A = arith.constant 0 : i32
    %sign3A_13 = arith.cmpi sgt, %select_n3A, %sign3A : i32
    %sign3A_14 = arith.extui %sign3A_13 : i1 to i32
    %sign3A_15 = arith.constant 0 : i32
    %sign3A_16 = arith.cmpi slt, %select_n3A, %sign3A_15 : i32
    %sign3A_17 = arith.extui %sign3A_16 : i1 to i32
    %sign3A_18 = arith.subi %sign3A_14, %sign3A_17 : i32
    %sign3A_19 = arith.constant 0 : i32
    %sign3A_20 = arith.cmpi sgt, %jit3A, %sign3A_19 : i32
    %sign3A_21 = arith.extui %sign3A_20 : i1 to i32
    %sign3A_22 = arith.constant 0 : i32
    %sign3A_23 = arith.cmpi slt, %jit3A, %sign3A_22 : i32
    %sign3A_24 = arith.extui %sign3A_23 : i1 to i32
    %sign3A_25 = arith.subi %sign3A_21, %sign3A_24 : i32
    %ne3A = arith.cmpi ne, %sign3A_18, %sign3A_25 : i32
    %rem3A = arith.remsi %select_n3A, %jit3A : i32
    %ne3A_26 = arith.constant 0 : i32
    %ne3A_27 = arith.cmpi ne, %rem3A, %ne3A_26 : i32
    %and3A = arith.andi %ne3A, %ne3A_27 : i1
    %sub3A_28 = arith.constant 1 : i32
    %sub3A_29 = arith.subi %div3A, %sub3A_28 : i32
    %select_n3A_30 = arith.select %and3A, %sub3A_29, %div3A : i32
    %c0_i32 = arith.constant 0 : i32
    %c0_i32_31 = arith.constant 0 : i32
    %c0_i32_32 = arith.constant 0 : i32
    return %c0_i32, %select_n3A_30, %c0_i32_31 : i32, i32, i32
  }
  func.func @transform_2(%arg0: i32, %arg1: memref<16x8x128xi32, #tpu.memory_space<smem>>, %arg2: memref<16x1x128xi32, #tpu.memory_space<smem>>) -> (i32, i32, i32) {
    %get3A = arith.constant 1 : index
    %get3A_0 = arith.constant 0 : index
    %get3A_1 = arith.constant 0 : index
    %get3A_2 = memref.load %arg1[%get3A, %get3A_0, %get3A_1] : memref<16x8x128xi32, #tpu.memory_space<smem>>
    %get3A_3 = arith.constant 1 : index
    %get3A_4 = arith.constant 0 : index
    %get3A_5 = arith.constant 0 : index
    %get3A_6 = memref.load %arg2[%get3A_3, %get3A_4, %get3A_5] : memref<16x1x128xi32, #tpu.memory_space<smem>>
    %add3A = arith.addi %get3A_2, %get3A_6 : i32
    %sub3A = arith.constant 2 : i32
    %sub3A_7 = arith.subi %add3A, %sub3A : i32
    %add3A_8 = arith.constant 0 : i32
    %add3A_9 = arith.addi %sub3A_7, %add3A_8 : i32
    %lt3A = arith.constant 0 : i32
    %lt3A_10 = arith.cmpi slt, %add3A_9, %lt3A : i32
    %add3A_11 = arith.constant 4096 : i32
    %add3A_12 = arith.addi %add3A_9, %add3A_11 : i32
    %select_n3A = arith.select %lt3A_10, %add3A_12, %add3A_9 : i32
    %jit3A = arith.constant 8 : i32
    %div3A = arith.divsi %select_n3A, %jit3A : i32
    %sign3A = arith.constant 0 : i32
    %sign3A_13 = arith.cmpi sgt, %select_n3A, %sign3A : i32
    %sign3A_14 = arith.extui %sign3A_13 : i1 to i32
    %sign3A_15 = arith.constant 0 : i32
    %sign3A_16 = arith.cmpi slt, %select_n3A, %sign3A_15 : i32
    %sign3A_17 = arith.extui %sign3A_16 : i1 to i32
    %sign3A_18 = arith.subi %sign3A_14, %sign3A_17 : i32
    %sign3A_19 = arith.constant 0 : i32
    %sign3A_20 = arith.cmpi sgt, %jit3A, %sign3A_19 : i32
    %sign3A_21 = arith.extui %sign3A_20 : i1 to i32
    %sign3A_22 = arith.constant 0 : i32
    %sign3A_23 = arith.cmpi slt, %jit3A, %sign3A_22 : i32
    %sign3A_24 = arith.extui %sign3A_23 : i1 to i32
    %sign3A_25 = arith.subi %sign3A_21, %sign3A_24 : i32
    %ne3A = arith.cmpi ne, %sign3A_18, %sign3A_25 : i32
    %rem3A = arith.remsi %select_n3A, %jit3A : i32
    %ne3A_26 = arith.constant 0 : i32
    %ne3A_27 = arith.cmpi ne, %rem3A, %ne3A_26 : i32
    %and3A = arith.andi %ne3A, %ne3A_27 : i1
    %sub3A_28 = arith.constant 1 : i32
    %sub3A_29 = arith.subi %div3A, %sub3A_28 : i32
    %select_n3A_30 = arith.select %and3A, %sub3A_29, %div3A : i32
    %c1_i32 = arith.constant 1 : i32
    %c0_i32 = arith.constant 0 : i32
    %c0_i32_31 = arith.constant 0 : i32
    return %c1_i32, %select_n3A_30, %c0_i32 : i32, i32, i32
  }
  func.func @transform_3(%arg0: i32, %arg1: memref<16x8x128xi32, #tpu.memory_space<smem>>, %arg2: memref<16x1x128xi32, #tpu.memory_space<smem>>) -> (i32, i32, i32) {
    %get3A = arith.constant 1 : index
    %get3A_0 = arith.constant 0 : index
    %get3A_1 = arith.constant 0 : index
    %get3A_2 = memref.load %arg1[%get3A, %get3A_0, %get3A_1] : memref<16x8x128xi32, #tpu.memory_space<smem>>
    %get3A_3 = arith.constant 1 : index
    %get3A_4 = arith.constant 0 : index
    %get3A_5 = arith.constant 0 : index
    %get3A_6 = memref.load %arg2[%get3A_3, %get3A_4, %get3A_5] : memref<16x1x128xi32, #tpu.memory_space<smem>>
    %add3A = arith.addi %get3A_2, %get3A_6 : i32
    %sub3A = arith.constant 2 : i32
    %sub3A_7 = arith.subi %add3A, %sub3A : i32
    %add3A_8 = arith.constant 1 : i32
    %add3A_9 = arith.addi %sub3A_7, %add3A_8 : i32
    %lt3A = arith.constant 0 : i32
    %lt3A_10 = arith.cmpi slt, %add3A_9, %lt3A : i32
    %add3A_11 = arith.constant 4096 : i32
    %add3A_12 = arith.addi %add3A_9, %add3A_11 : i32
    %select_n3A = arith.select %lt3A_10, %add3A_12, %add3A_9 : i32
    %jit3A = arith.constant 8 : i32
    %div3A = arith.divsi %select_n3A, %jit3A : i32
    %sign3A = arith.constant 0 : i32
    %sign3A_13 = arith.cmpi sgt, %select_n3A, %sign3A : i32
    %sign3A_14 = arith.extui %sign3A_13 : i1 to i32
    %sign3A_15 = arith.constant 0 : i32
    %sign3A_16 = arith.cmpi slt, %select_n3A, %sign3A_15 : i32
    %sign3A_17 = arith.extui %sign3A_16 : i1 to i32
    %sign3A_18 = arith.subi %sign3A_14, %sign3A_17 : i32
    %sign3A_19 = arith.constant 0 : i32
    %sign3A_20 = arith.cmpi sgt, %jit3A, %sign3A_19 : i32
    %sign3A_21 = arith.extui %sign3A_20 : i1 to i32
    %sign3A_22 = arith.constant 0 : i32
    %sign3A_23 = arith.cmpi slt, %jit3A, %sign3A_22 : i32
    %sign3A_24 = arith.extui %sign3A_23 : i1 to i32
    %sign3A_25 = arith.subi %sign3A_21, %sign3A_24 : i32
    %ne3A = arith.cmpi ne, %sign3A_18, %sign3A_25 : i32
    %rem3A = arith.remsi %select_n3A, %jit3A : i32
    %ne3A_26 = arith.constant 0 : i32
    %ne3A_27 = arith.cmpi ne, %rem3A, %ne3A_26 : i32
    %and3A = arith.andi %ne3A, %ne3A_27 : i1
    %sub3A_28 = arith.constant 1 : i32
    %sub3A_29 = arith.subi %div3A, %sub3A_28 : i32
    %select_n3A_30 = arith.select %and3A, %sub3A_29, %div3A : i32
    %c1_i32 = arith.constant 1 : i32
    %c0_i32 = arith.constant 0 : i32
    %c0_i32_31 = arith.constant 0 : i32
    return %c1_i32, %select_n3A_30, %c0_i32 : i32, i32, i32
  }
  func.func @transform_4(%arg0: i32, %arg1: memref<16x8x128xi32, #tpu.memory_space<smem>>, %arg2: memref<16x1x128xi32, #tpu.memory_space<smem>>) -> (i32, i32, i32) {
    %get3A = arith.constant 2 : index
    %get3A_0 = arith.constant 0 : index
    %get3A_1 = arith.constant 0 : index
    %get3A_2 = memref.load %arg1[%get3A, %get3A_0, %get3A_1] : memref<16x8x128xi32, #tpu.memory_space<smem>>
    %get3A_3 = arith.constant 2 : index
    %get3A_4 = arith.constant 0 : index
    %get3A_5 = arith.constant 0 : index
    %get3A_6 = memref.load %arg2[%get3A_3, %get3A_4, %get3A_5] : memref<16x1x128xi32, #tpu.memory_space<smem>>
    %add3A = arith.addi %get3A_2, %get3A_6 : i32
    %sub3A = arith.constant 2 : i32
    %sub3A_7 = arith.subi %add3A, %sub3A : i32
    %add3A_8 = arith.constant 0 : i32
    %add3A_9 = arith.addi %sub3A_7, %add3A_8 : i32
    %lt3A = arith.constant 0 : i32
    %lt3A_10 = arith.cmpi slt, %add3A_9, %lt3A : i32
    %add3A_11 = arith.constant 4096 : i32
    %add3A_12 = arith.addi %add3A_9, %add3A_11 : i32
    %select_n3A = arith.select %lt3A_10, %add3A_12, %add3A_9 : i32
    %jit3A = arith.constant 8 : i32
    %div3A = arith.divsi %select_n3A, %jit3A : i32
    %sign3A = arith.constant 0 : i32
    %sign3A_13 = arith.cmpi sgt, %select_n3A, %sign3A : i32
    %sign3A_14 = arith.extui %sign3A_13 : i1 to i32
    %sign3A_15 = arith.constant 0 : i32
    %sign3A_16 = arith.cmpi slt, %select_n3A, %sign3A_15 : i32
    %sign3A_17 = arith.extui %sign3A_16 : i1 to i32
    %sign3A_18 = arith.subi %sign3A_14, %sign3A_17 : i32
    %sign3A_19 = arith.constant 0 : i32
    %sign3A_20 = arith.cmpi sgt, %jit3A, %sign3A_19 : i32
    %sign3A_21 = arith.extui %sign3A_20 : i1 to i32
    %sign3A_22 = arith.constant 0 : i32
    %sign3A_23 = arith.cmpi slt, %jit3A, %sign3A_22 : i32
    %sign3A_24 = arith.extui %sign3A_23 : i1 to i32
    %sign3A_25 = arith.subi %sign3A_21, %sign3A_24 : i32
    %ne3A = arith.cmpi ne, %sign3A_18, %sign3A_25 : i32
    %rem3A = arith.remsi %select_n3A, %jit3A : i32
    %ne3A_26 = arith.constant 0 : i32
    %ne3A_27 = arith.cmpi ne, %rem3A, %ne3A_26 : i32
    %and3A = arith.andi %ne3A, %ne3A_27 : i1
    %sub3A_28 = arith.constant 1 : i32
    %sub3A_29 = arith.subi %div3A, %sub3A_28 : i32
    %select_n3A_30 = arith.select %and3A, %sub3A_29, %div3A : i32
    %c2_i32 = arith.constant 2 : i32
    %c0_i32 = arith.constant 0 : i32
    %c0_i32_31 = arith.constant 0 : i32
    return %c2_i32, %select_n3A_30, %c0_i32 : i32, i32, i32
  }
  func.func @transform_5(%arg0: i32, %arg1: memref<16x8x128xi32, #tpu.memory_space<smem>>, %arg2: memref<16x1x128xi32, #tpu.memory_space<smem>>) -> (i32, i32, i32) {
    %get3A = arith.constant 2 : index
    %get3A_0 = arith.constant 0 : index
    %get3A_1 = arith.constant 0 : index
    %get3A_2 = memref.load %arg1[%get3A, %get3A_0, %get3A_1] : memref<16x8x128xi32, #tpu.memory_space<smem>>
    %get3A_3 = arith.constant 2 : index
    %get3A_4 = arith.constant 0 : index
    %get3A_5 = arith.constant 0 : index
    %get3A_6 = memref.load %arg2[%get3A_3, %get3A_4, %get3A_5] : memref<16x1x128xi32, #tpu.memory_space<smem>>
    %add3A = arith.addi %get3A_2, %get3A_6 : i32
    %sub3A = arith.constant 2 : i32
    %sub3A_7 = arith.subi %add3A, %sub3A : i32
    %add3A_8 = arith.constant 1 : i32
    %add3A_9 = arith.addi %sub3A_7, %add3A_8 : i32
    %lt3A = arith.constant 0 : i32
    %lt3A_10 = arith.cmpi slt, %add3A_9, %lt3A : i32
    %add3A_11 = arith.constant 4096 : i32
    %add3A_12 = arith.addi %add3A_9, %add3A_11 : i32
    %select_n3A = arith.select %lt3A_10, %add3A_12, %add3A_9 : i32
    %jit3A = arith.constant 8 : i32
    %div3A = arith.divsi %select_n3A, %jit3A : i32
    %sign3A = arith.constant 0 : i32
    %sign3A_13 = arith.cmpi sgt, %select_n3A, %sign3A : i32
    %sign3A_14 = arith.extui %sign3A_13 : i1 to i32
    %sign3A_15 = arith.constant 0 : i32
    %sign3A_16 = arith.cmpi slt, %select_n3A, %sign3A_15 : i32
    %sign3A_17 = arith.extui %sign3A_16 : i1 to i32
    %sign3A_18 = arith.subi %sign3A_14, %sign3A_17 : i32
    %sign3A_19 = arith.constant 0 : i32
    %sign3A_20 = arith.cmpi sgt, %jit3A, %sign3A_19 : i32
    %sign3A_21 = arith.extui %sign3A_20 : i1 to i32
    %sign3A_22 = arith.constant 0 : i32
    %sign3A_23 = arith.cmpi slt, %jit3A, %sign3A_22 : i32
    %sign3A_24 = arith.extui %sign3A_23 : i1 to i32
    %sign3A_25 = arith.subi %sign3A_21, %sign3A_24 : i32
    %ne3A = arith.cmpi ne, %sign3A_18, %sign3A_25 : i32
    %rem3A = arith.remsi %select_n3A, %jit3A : i32
    %ne3A_26 = arith.constant 0 : i32
    %ne3A_27 = arith.cmpi ne, %rem3A, %ne3A_26 : i32
    %and3A = arith.andi %ne3A, %ne3A_27 : i1
    %sub3A_28 = arith.constant 1 : i32
    %sub3A_29 = arith.subi %div3A, %sub3A_28 : i32
    %select_n3A_30 = arith.select %and3A, %sub3A_29, %div3A : i32
    %c2_i32 = arith.constant 2 : i32
    %c0_i32 = arith.constant 0 : i32
    %c0_i32_31 = arith.constant 0 : i32
    return %c2_i32, %select_n3A_30, %c0_i32 : i32, i32, i32
  }
  func.func @transform_6(%arg0: i32, %arg1: memref<16x8x128xi32, #tpu.memory_space<smem>>, %arg2: memref<16x1x128xi32, #tpu.memory_space<smem>>) -> (i32, i32, i32) {
    %get3A = arith.constant 3 : index
    %get3A_0 = arith.constant 0 : index
    %get3A_1 = arith.constant 0 : index
    %get3A_2 = memref.load %arg1[%get3A, %get3A_0, %get3A_1] : memref<16x8x128xi32, #tpu.memory_space<smem>>
    %get3A_3 = arith.constant 3 : index
    %get3A_4 = arith.constant 0 : index
    %get3A_5 = arith.constant 0 : index
    %get3A_6 = memref.load %arg2[%get3A_3, %get3A_4, %get3A_5] : memref<16x1x128xi32, #tpu.memory_space<smem>>
    %add3A = arith.addi %get3A_2, %get3A_6 : i32
    %sub3A = arith.constant 2 : i32
    %sub3A_7 = arith.subi %add3A, %sub3A : i32
    %add3A_8 = arith.constant 0 : i32
    %add3A_9 = arith.addi %sub3A_7, %add3A_8 : i32
    %lt3A = arith.constant 0 : i32
    %lt3A_10 = arith.cmpi slt, %add3A_9, %lt3A : i32
    %add3A_11 = arith.constant 4096 : i32
    %add3A_12 = arith.addi %add3A_9, %add3A_11 : i32
    %select_n3A = arith.select %lt3A_10, %add3A_12, %add3A_9 : i32
    %jit3A = arith.constant 8 : i32
    %div3A = arith.divsi %select_n3A, %jit3A : i32
    %sign3A = arith.constant 0 : i32
    %sign3A_13 = arith.cmpi sgt, %select_n3A, %sign3A : i32
    %sign3A_14 = arith.extui %sign3A_13 : i1 to i32
    %sign3A_15 = arith.constant 0 : i32
    %sign3A_16 = arith.cmpi slt, %select_n3A, %sign3A_15 : i32
    %sign3A_17 = arith.extui %sign3A_16 : i1 to i32
    %sign3A_18 = arith.subi %sign3A_14, %sign3A_17 : i32
    %sign3A_19 = arith.constant 0 : i32
    %sign3A_20 = arith.cmpi sgt, %jit3A, %sign3A_19 : i32
    %sign3A_21 = arith.extui %sign3A_20 : i1 to i32
    %sign3A_22 = arith.constant 0 : i32
    %sign3A_23 = arith.cmpi slt, %jit3A, %sign3A_22 : i32
    %sign3A_24 = arith.extui %sign3A_23 : i1 to i32
    %sign3A_25 = arith.subi %sign3A_21, %sign3A_24 : i32
    %ne3A = arith.cmpi ne, %sign3A_18, %sign3A_25 : i32
    %rem3A = arith.remsi %select_n3A, %jit3A : i32
    %ne3A_26 = arith.constant 0 : i32
    %ne3A_27 = arith.cmpi ne, %rem3A, %ne3A_26 : i32
    %and3A = arith.andi %ne3A, %ne3A_27 : i1
    %sub3A_28 = arith.constant 1 : i32
    %sub3A_29 = arith.subi %div3A, %sub3A_28 : i32
    %select_n3A_30 = arith.select %and3A, %sub3A_29, %div3A : i32
    %c3_i32 = arith.constant 3 : i32
    %c0_i32 = arith.constant 0 : i32
    %c0_i32_31 = arith.constant 0 : i32
    return %c3_i32, %select_n3A_30, %c0_i32 : i32, i32, i32
  }
  func.func @transform_7(%arg0: i32, %arg1: memref<16x8x128xi32, #tpu.memory_space<smem>>, %arg2: memref<16x1x128xi32, #tpu.memory_space<smem>>) -> (i32, i32, i32) {
    %get3A = arith.constant 3 : index
    %get3A_0 = arith.constant 0 : index
    %get3A_1 = arith.constant 0 : index
    %get3A_2 = memref.load %arg1[%get3A, %get3A_0, %get3A_1] : memref<16x8x128xi32, #tpu.memory_space<smem>>
    %get3A_3 = arith.constant 3 : index
    %get3A_4 = arith.constant 0 : index
    %get3A_5 = arith.constant 0 : index
    %get3A_6 = memref.load %arg2[%get3A_3, %get3A_4, %get3A_5] : memref<16x1x128xi32, #tpu.memory_space<smem>>
    %add3A = arith.addi %get3A_2, %get3A_6 : i32
    %sub3A = arith.constant 2 : i32
    %sub3A_7 = arith.subi %add3A, %sub3A : i32
    %add3A_8 = arith.constant 1 : i32
    %add3A_9 = arith.addi %sub3A_7, %add3A_8 : i32
    %lt3A = arith.constant 0 : i32
    %lt3A_10 = arith.cmpi slt, %add3A_9, %lt3A : i32
    %add3A_11 = arith.constant 4096 : i32
    %add3A_12 = arith.addi %add3A_9, %add3A_11 : i32
    %select_n3A = arith.select %lt3A_10, %add3A_12, %add3A_9 : i32
    %jit3A = arith.constant 8 : i32
    %div3A = arith.divsi %select_n3A, %jit3A : i32
    %sign3A = arith.constant 0 : i32
    %sign3A_13 = arith.cmpi sgt, %select_n3A, %sign3A : i32
    %sign3A_14 = arith.extui %sign3A_13 : i1 to i32
    %sign3A_15 = arith.constant 0 : i32
    %sign3A_16 = arith.cmpi slt, %select_n3A, %sign3A_15 : i32
    %sign3A_17 = arith.extui %sign3A_16 : i1 to i32
    %sign3A_18 = arith.subi %sign3A_14, %sign3A_17 : i32
    %sign3A_19 = arith.constant 0 : i32
    %sign3A_20 = arith.cmpi sgt, %jit3A, %sign3A_19 : i32
    %sign3A_21 = arith.extui %sign3A_20 : i1 to i32
    %sign3A_22 = arith.constant 0 : i32
    %sign3A_23 = arith.cmpi slt, %jit3A, %sign3A_22 : i32
    %sign3A_24 = arith.extui %sign3A_23 : i1 to i32
    %sign3A_25 = arith.subi %sign3A_21, %sign3A_24 : i32
    %ne3A = arith.cmpi ne, %sign3A_18, %sign3A_25 : i32
    %rem3A = arith.remsi %select_n3A, %jit3A : i32
    %ne3A_26 = arith.constant 0 : i32
    %ne3A_27 = arith.cmpi ne, %rem3A, %ne3A_26 : i32
    %and3A = arith.andi %ne3A, %ne3A_27 : i1
    %sub3A_28 = arith.constant 1 : i32
    %sub3A_29 = arith.subi %div3A, %sub3A_28 : i32
    %select_n3A_30 = arith.select %and3A, %sub3A_29, %div3A : i32
    %c3_i32 = arith.constant 3 : i32
    %c0_i32 = arith.constant 0 : i32
    %c0_i32_31 = arith.constant 0 : i32
    return %c3_i32, %select_n3A_30, %c0_i32 : i32, i32, i32
  }
  func.func @transform_8(%arg0: i32, %arg1: memref<16x8x128xi32, #tpu.memory_space<smem>>, %arg2: memref<16x1x128xi32, #tpu.memory_space<smem>>) -> (i32, i32, i32) {
    %get3A = arith.constant 4 : index
    %get3A_0 = arith.constant 0 : index
    %get3A_1 = arith.constant 0 : index
    %get3A_2 = memref.load %arg1[%get3A, %get3A_0, %get3A_1] : memref<16x8x128xi32, #tpu.memory_space<smem>>
    %get3A_3 = arith.constant 4 : index
    %get3A_4 = arith.constant 0 : index
    %get3A_5 = arith.constant 0 : index
    %get3A_6 = memref.load %arg2[%get3A_3, %get3A_4, %get3A_5] : memref<16x1x128xi32, #tpu.memory_space<smem>>
    %add3A = arith.addi %get3A_2, %get3A_6 : i32
    %sub3A = arith.constant 2 : i32
    %sub3A_7 = arith.subi %add3A, %sub3A : i32
    %add3A_8 = arith.constant 0 : i32
    %add3A_9 = arith.addi %sub3A_7, %add3A_8 : i32
    %lt3A = arith.constant 0 : i32
    %lt3A_10 = arith.cmpi slt, %add3A_9, %lt3A : i32
    %add3A_11 = arith.constant 4096 : i32
    %add3A_12 = arith.addi %add3A_9, %add3A_11 : i32
    %select_n3A = arith.select %lt3A_10, %add3A_12, %add3A_9 : i32
    %jit3A = arith.constant 8 : i32
    %div3A = arith.divsi %select_n3A, %jit3A : i32
    %sign3A = arith.constant 0 : i32
    %sign3A_13 = arith.cmpi sgt, %select_n3A, %sign3A : i32
    %sign3A_14 = arith.extui %sign3A_13 : i1 to i32
    %sign3A_15 = arith.constant 0 : i32
    %sign3A_16 = arith.cmpi slt, %select_n3A, %sign3A_15 : i32
    %sign3A_17 = arith.extui %sign3A_16 : i1 to i32
    %sign3A_18 = arith.subi %sign3A_14, %sign3A_17 : i32
    %sign3A_19 = arith.constant 0 : i32
    %sign3A_20 = arith.cmpi sgt, %jit3A, %sign3A_19 : i32
    %sign3A_21 = arith.extui %sign3A_20 : i1 to i32
    %sign3A_22 = arith.constant 0 : i32
    %sign3A_23 = arith.cmpi slt, %jit3A, %sign3A_22 : i32
    %sign3A_24 = arith.extui %sign3A_23 : i1 to i32
    %sign3A_25 = arith.subi %sign3A_21, %sign3A_24 : i32
    %ne3A = arith.cmpi ne, %sign3A_18, %sign3A_25 : i32
    %rem3A = arith.remsi %select_n3A, %jit3A : i32
    %ne3A_26 = arith.constant 0 : i32
    %ne3A_27 = arith.cmpi ne, %rem3A, %ne3A_26 : i32
    %and3A = arith.andi %ne3A, %ne3A_27 : i1
    %sub3A_28 = arith.constant 1 : i32
    %sub3A_29 = arith.subi %div3A, %sub3A_28 : i32
    %select_n3A_30 = arith.select %and3A, %sub3A_29, %div3A : i32
    %c4_i32 = arith.constant 4 : i32
    %c0_i32 = arith.constant 0 : i32
    %c0_i32_31 = arith.constant 0 : i32
    return %c4_i32, %select_n3A_30, %c0_i32 : i32, i32, i32
  }
  func.func @transform_9(%arg0: i32, %arg1: memref<16x8x128xi32, #tpu.memory_space<smem>>, %arg2: memref<16x1x128xi32, #tpu.memory_space<smem>>) -> (i32, i32, i32) {
    %get3A = arith.constant 4 : index
    %get3A_0 = arith.constant 0 : index
    %get3A_1 = arith.constant 0 : index
    %get3A_2 = memref.load %arg1[%get3A, %get3A_0, %get3A_1] : memref<16x8x128xi32, #tpu.memory_space<smem>>
    %get3A_3 = arith.constant 4 : index
    %get3A_4 = arith.constant 0 : index
    %get3A_5 = arith.constant 0 : index
    %get3A_6 = memref.load %arg2[%get3A_3, %get3A_4, %get3A_5] : memref<16x1x128xi32, #tpu.memory_space<smem>>
    %add3A = arith.addi %get3A_2, %get3A_6 : i32
    %sub3A = arith.constant 2 : i32
    %sub3A_7 = arith.subi %add3A, %sub3A : i32
    %add3A_8 = arith.constant 1 : i32
    %add3A_9 = arith.addi %sub3A_7, %add3A_8 : i32
    %lt3A = arith.constant 0 : i32
    %lt3A_10 = arith.cmpi slt, %add3A_9, %lt3A : i32
    %add3A_11 = arith.constant 4096 : i32
    %add3A_12 = arith.addi %add3A_9, %add3A_11 : i32
    %select_n3A = arith.select %lt3A_10, %add3A_12, %add3A_9 : i32
    %jit3A = arith.constant 8 : i32
    %div3A = arith.divsi %select_n3A, %jit3A : i32
    %sign3A = arith.constant 0 : i32
    %sign3A_13 = arith.cmpi sgt, %select_n3A, %sign3A : i32
    %sign3A_14 = arith.extui %sign3A_13 : i1 to i32
    %sign3A_15 = arith.constant 0 : i32
    %sign3A_16 = arith.cmpi slt, %select_n3A, %sign3A_15 : i32
    %sign3A_17 = arith.extui %sign3A_16 : i1 to i32
    %sign3A_18 = arith.subi %sign3A_14, %sign3A_17 : i32
    %sign3A_19 = arith.constant 0 : i32
    %sign3A_20 = arith.cmpi sgt, %jit3A, %sign3A_19 : i32
    %sign3A_21 = arith.extui %sign3A_20 : i1 to i32
    %sign3A_22 = arith.constant 0 : i32
    %sign3A_23 = arith.cmpi slt, %jit3A, %sign3A_22 : i32
    %sign3A_24 = arith.extui %sign3A_23 : i1 to i32
    %sign3A_25 = arith.subi %sign3A_21, %sign3A_24 : i32
    %ne3A = arith.cmpi ne, %sign3A_18, %sign3A_25 : i32
    %rem3A = arith.remsi %select_n3A, %jit3A : i32
    %ne3A_26 = arith.constant 0 : i32
    %ne3A_27 = arith.cmpi ne, %rem3A, %ne3A_26 : i32
    %and3A = arith.andi %ne3A, %ne3A_27 : i1
    %sub3A_28 = arith.constant 1 : i32
    %sub3A_29 = arith.subi %div3A, %sub3A_28 : i32
    %select_n3A_30 = arith.select %and3A, %sub3A_29, %div3A : i32
    %c4_i32 = arith.constant 4 : i32
    %c0_i32 = arith.constant 0 : i32
    %c0_i32_31 = arith.constant 0 : i32
    return %c4_i32, %select_n3A_30, %c0_i32 : i32, i32, i32
  }
  func.func @transform_10(%arg0: i32, %arg1: memref<16x8x128xi32, #tpu.memory_space<smem>>, %arg2: memref<16x1x128xi32, #tpu.memory_space<smem>>) -> (i32, i32, i32) {
    %get3A = arith.constant 5 : index
    %get3A_0 = arith.constant 0 : index
    %get3A_1 = arith.constant 0 : index
    %get3A_2 = memref.load %arg1[%get3A, %get3A_0, %get3A_1] : memref<16x8x128xi32, #tpu.memory_space<smem>>
    %get3A_3 = arith.constant 5 : index
    %get3A_4 = arith.constant 0 : index
    %get3A_5 = arith.constant 0 : index
    %get3A_6 = memref.load %arg2[%get3A_3, %get3A_4, %get3A_5] : memref<16x1x128xi32, #tpu.memory_space<smem>>
    %add3A = arith.addi %get3A_2, %get3A_6 : i32
    %sub3A = arith.constant 2 : i32
    %sub3A_7 = arith.subi %add3A, %sub3A : i32
    %add3A_8 = arith.constant 0 : i32
    %add3A_9 = arith.addi %sub3A_7, %add3A_8 : i32
    %lt3A = arith.constant 0 : i32
    %lt3A_10 = arith.cmpi slt, %add3A_9, %lt3A : i32
    %add3A_11 = arith.constant 4096 : i32
    %add3A_12 = arith.addi %add3A_9, %add3A_11 : i32
    %select_n3A = arith.select %lt3A_10, %add3A_12, %add3A_9 : i32
    %jit3A = arith.constant 8 : i32
    %div3A = arith.divsi %select_n3A, %jit3A : i32
    %sign3A = arith.constant 0 : i32
    %sign3A_13 = arith.cmpi sgt, %select_n3A, %sign3A : i32
    %sign3A_14 = arith.extui %sign3A_13 : i1 to i32
    %sign3A_15 = arith.constant 0 : i32
    %sign3A_16 = arith.cmpi slt, %select_n3A, %sign3A_15 : i32
    %sign3A_17 = arith.extui %sign3A_16 : i1 to i32
    %sign3A_18 = arith.subi %sign3A_14, %sign3A_17 : i32
    %sign3A_19 = arith.constant 0 : i32
    %sign3A_20 = arith.cmpi sgt, %jit3A, %sign3A_19 : i32
    %sign3A_21 = arith.extui %sign3A_20 : i1 to i32
    %sign3A_22 = arith.constant 0 : i32
    %sign3A_23 = arith.cmpi slt, %jit3A, %sign3A_22 : i32
    %sign3A_24 = arith.extui %sign3A_23 : i1 to i32
    %sign3A_25 = arith.subi %sign3A_21, %sign3A_24 : i32
    %ne3A = arith.cmpi ne, %sign3A_18, %sign3A_25 : i32
    %rem3A = arith.remsi %select_n3A, %jit3A : i32
    %ne3A_26 = arith.constant 0 : i32
    %ne3A_27 = arith.cmpi ne, %rem3A, %ne3A_26 : i32
    %and3A = arith.andi %ne3A, %ne3A_27 : i1
    %sub3A_28 = arith.constant 1 : i32
    %sub3A_29 = arith.subi %div3A, %sub3A_28 : i32
    %select_n3A_30 = arith.select %and3A, %sub3A_29, %div3A : i32
    %c5_i32 = arith.constant 5 : i32
    %c0_i32 = arith.constant 0 : i32
    %c0_i32_31 = arith.constant 0 : i32
    return %c5_i32, %select_n3A_30, %c0_i32 : i32, i32, i32
  }
  func.func @transform_11(%arg0: i32, %arg1: memref<16x8x128xi32, #tpu.memory_space<smem>>, %arg2: memref<16x1x128xi32, #tpu.memory_space<smem>>) -> (i32, i32, i32) {
    %get3A = arith.constant 5 : index
    %get3A_0 = arith.constant 0 : index
    %get3A_1 = arith.constant 0 : index
    %get3A_2 = memref.load %arg1[%get3A, %get3A_0, %get3A_1] : memref<16x8x128xi32, #tpu.memory_space<smem>>
    %get3A_3 = arith.constant 5 : index
    %get3A_4 = arith.constant 0 : index
    %get3A_5 = arith.constant 0 : index
    %get3A_6 = memref.load %arg2[%get3A_3, %get3A_4, %get3A_5] : memref<16x1x128xi32, #tpu.memory_space<smem>>
    %add3A = arith.addi %get3A_2, %get3A_6 : i32
    %sub3A = arith.constant 2 : i32
    %sub3A_7 = arith.subi %add3A, %sub3A : i32
    %add3A_8 = arith.constant 1 : i32
    %add3A_9 = arith.addi %sub3A_7, %add3A_8 : i32
    %lt3A = arith.constant 0 : i32
    %lt3A_10 = arith.cmpi slt, %add3A_9, %lt3A : i32
    %add3A_11 = arith.constant 4096 : i32
    %add3A_12 = arith.addi %add3A_9, %add3A_11 : i32
    %select_n3A = arith.select %lt3A_10, %add3A_12, %add3A_9 : i32
    %jit3A = arith.constant 8 : i32
    %div3A = arith.divsi %select_n3A, %jit3A : i32
    %sign3A = arith.constant 0 : i32
    %sign3A_13 = arith.cmpi sgt, %select_n3A, %sign3A : i32
    %sign3A_14 = arith.extui %sign3A_13 : i1 to i32
    %sign3A_15 = arith.constant 0 : i32
    %sign3A_16 = arith.cmpi slt, %select_n3A, %sign3A_15 : i32
    %sign3A_17 = arith.extui %sign3A_16 : i1 to i32
    %sign3A_18 = arith.subi %sign3A_14, %sign3A_17 : i32
    %sign3A_19 = arith.constant 0 : i32
    %sign3A_20 = arith.cmpi sgt, %jit3A, %sign3A_19 : i32
    %sign3A_21 = arith.extui %sign3A_20 : i1 to i32
    %sign3A_22 = arith.constant 0 : i32
    %sign3A_23 = arith.cmpi slt, %jit3A, %sign3A_22 : i32
    %sign3A_24 = arith.extui %sign3A_23 : i1 to i32
    %sign3A_25 = arith.subi %sign3A_21, %sign3A_24 : i32
    %ne3A = arith.cmpi ne, %sign3A_18, %sign3A_25 : i32
    %rem3A = arith.remsi %select_n3A, %jit3A : i32
    %ne3A_26 = arith.constant 0 : i32
    %ne3A_27 = arith.cmpi ne, %rem3A, %ne3A_26 : i32
    %and3A = arith.andi %ne3A, %ne3A_27 : i1
    %sub3A_28 = arith.constant 1 : i32
    %sub3A_29 = arith.subi %div3A, %sub3A_28 : i32
    %select_n3A_30 = arith.select %and3A, %sub3A_29, %div3A : i32
    %c5_i32 = arith.constant 5 : i32
    %c0_i32 = arith.constant 0 : i32
    %c0_i32_31 = arith.constant 0 : i32
    return %c5_i32, %select_n3A_30, %c0_i32 : i32, i32, i32
  }
  func.func @transform_12(%arg0: i32, %arg1: memref<16x8x128xi32, #tpu.memory_space<smem>>, %arg2: memref<16x1x128xi32, #tpu.memory_space<smem>>) -> (i32, i32, i32) {
    %get3A = arith.constant 6 : index
    %get3A_0 = arith.constant 0 : index
    %get3A_1 = arith.constant 0 : index
    %get3A_2 = memref.load %arg1[%get3A, %get3A_0, %get3A_1] : memref<16x8x128xi32, #tpu.memory_space<smem>>
    %get3A_3 = arith.constant 6 : index
    %get3A_4 = arith.constant 0 : index
    %get3A_5 = arith.constant 0 : index
    %get3A_6 = memref.load %arg2[%get3A_3, %get3A_4, %get3A_5] : memref<16x1x128xi32, #tpu.memory_space<smem>>
    %add3A = arith.addi %get3A_2, %get3A_6 : i32
    %sub3A = arith.constant 2 : i32
    %sub3A_7 = arith.subi %add3A, %sub3A : i32
    %add3A_8 = arith.constant 0 : i32
    %add3A_9 = arith.addi %sub3A_7, %add3A_8 : i32
    %lt3A = arith.constant 0 : i32
    %lt3A_10 = arith.cmpi slt, %add3A_9, %lt3A : i32
    %add3A_11 = arith.constant 4096 : i32
    %add3A_12 = arith.addi %add3A_9, %add3A_11 : i32
    %select_n3A = arith.select %lt3A_10, %add3A_12, %add3A_9 : i32
    %jit3A = arith.constant 8 : i32
    %div3A = arith.divsi %select_n3A, %jit3A : i32
    %sign3A = arith.constant 0 : i32
    %sign3A_13 = arith.cmpi sgt, %select_n3A, %sign3A : i32
    %sign3A_14 = arith.extui %sign3A_13 : i1 to i32
    %sign3A_15 = arith.constant 0 : i32
    %sign3A_16 = arith.cmpi slt, %select_n3A, %sign3A_15 : i32
    %sign3A_17 = arith.extui %sign3A_16 : i1 to i32
    %sign3A_18 = arith.subi %sign3A_14, %sign3A_17 : i32
    %sign3A_19 = arith.constant 0 : i32
    %sign3A_20 = arith.cmpi sgt, %jit3A, %sign3A_19 : i32
    %sign3A_21 = arith.extui %sign3A_20 : i1 to i32
    %sign3A_22 = arith.constant 0 : i32
    %sign3A_23 = arith.cmpi slt, %jit3A, %sign3A_22 : i32
    %sign3A_24 = arith.extui %sign3A_23 : i1 to i32
    %sign3A_25 = arith.subi %sign3A_21, %sign3A_24 : i32
    %ne3A = arith.cmpi ne, %sign3A_18, %sign3A_25 : i32
    %rem3A = arith.remsi %select_n3A, %jit3A : i32
    %ne3A_26 = arith.constant 0 : i32
    %ne3A_27 = arith.cmpi ne, %rem3A, %ne3A_26 : i32
    %and3A = arith.andi %ne3A, %ne3A_27 : i1
    %sub3A_28 = arith.constant 1 : i32
    %sub3A_29 = arith.subi %div3A, %sub3A_28 : i32
    %select_n3A_30 = arith.select %and3A, %sub3A_29, %div3A : i32
    %c6_i32 = arith.constant 6 : i32
    %c0_i32 = arith.constant 0 : i32
    %c0_i32_31 = arith.constant 0 : i32
    return %c6_i32, %select_n3A_30, %c0_i32 : i32, i32, i32
  }
  func.func @transform_13(%arg0: i32, %arg1: memref<16x8x128xi32, #tpu.memory_space<smem>>, %arg2: memref<16x1x128xi32, #tpu.memory_space<smem>>) -> (i32, i32, i32) {
    %get3A = arith.constant 6 : index
    %get3A_0 = arith.constant 0 : index
    %get3A_1 = arith.constant 0 : index
    %get3A_2 = memref.load %arg1[%get3A, %get3A_0, %get3A_1] : memref<16x8x128xi32, #tpu.memory_space<smem>>
    %get3A_3 = arith.constant 6 : index
    %get3A_4 = arith.constant 0 : index
    %get3A_5 = arith.constant 0 : index
    %get3A_6 = memref.load %arg2[%get3A_3, %get3A_4, %get3A_5] : memref<16x1x128xi32, #tpu.memory_space<smem>>
    %add3A = arith.addi %get3A_2, %get3A_6 : i32
    %sub3A = arith.constant 2 : i32
    %sub3A_7 = arith.subi %add3A, %sub3A : i32
    %add3A_8 = arith.constant 1 : i32
    %add3A_9 = arith.addi %sub3A_7, %add3A_8 : i32
    %lt3A = arith.constant 0 : i32
    %lt3A_10 = arith.cmpi slt, %add3A_9, %lt3A : i32
    %add3A_11 = arith.constant 4096 : i32
    %add3A_12 = arith.addi %add3A_9, %add3A_11 : i32
    %select_n3A = arith.select %lt3A_10, %add3A_12, %add3A_9 : i32
    %jit3A = arith.constant 8 : i32
    %div3A = arith.divsi %select_n3A, %jit3A : i32
    %sign3A = arith.constant 0 : i32
    %sign3A_13 = arith.cmpi sgt, %select_n3A, %sign3A : i32
    %sign3A_14 = arith.extui %sign3A_13 : i1 to i32
    %sign3A_15 = arith.constant 0 : i32
    %sign3A_16 = arith.cmpi slt, %select_n3A, %sign3A_15 : i32
    %sign3A_17 = arith.extui %sign3A_16 : i1 to i32
    %sign3A_18 = arith.subi %sign3A_14, %sign3A_17 : i32
    %sign3A_19 = arith.constant 0 : i32
    %sign3A_20 = arith.cmpi sgt, %jit3A, %sign3A_19 : i32
    %sign3A_21 = arith.extui %sign3A_20 : i1 to i32
    %sign3A_22 = arith.constant 0 : i32
    %sign3A_23 = arith.cmpi slt, %jit3A, %sign3A_22 : i32
    %sign3A_24 = arith.extui %sign3A_23 : i1 to i32
    %sign3A_25 = arith.subi %sign3A_21, %sign3A_24 : i32
    %ne3A = arith.cmpi ne, %sign3A_18, %sign3A_25 : i32
    %rem3A = arith.remsi %select_n3A, %jit3A : i32
    %ne3A_26 = arith.constant 0 : i32
    %ne3A_27 = arith.cmpi ne, %rem3A, %ne3A_26 : i32
    %and3A = arith.andi %ne3A, %ne3A_27 : i1
    %sub3A_28 = arith.constant 1 : i32
    %sub3A_29 = arith.subi %div3A, %sub3A_28 : i32
    %select_n3A_30 = arith.select %and3A, %sub3A_29, %div3A : i32
    %c6_i32 = arith.constant 6 : i32
    %c0_i32 = arith.constant 0 : i32
    %c0_i32_31 = arith.constant 0 : i32
    return %c6_i32, %select_n3A_30, %c0_i32 : i32, i32, i32
  }
  func.func @transform_14(%arg0: i32, %arg1: memref<16x8x128xi32, #tpu.memory_space<smem>>, %arg2: memref<16x1x128xi32, #tpu.memory_space<smem>>) -> (i32, i32, i32) {
    %get3A = arith.constant 7 : index
    %get3A_0 = arith.constant 0 : index
    %get3A_1 = arith.constant 0 : index
    %get3A_2 = memref.load %arg1[%get3A, %get3A_0, %get3A_1] : memref<16x8x128xi32, #tpu.memory_space<smem>>
    %get3A_3 = arith.constant 7 : index
    %get3A_4 = arith.constant 0 : index
    %get3A_5 = arith.constant 0 : index
    %get3A_6 = memref.load %arg2[%get3A_3, %get3A_4, %get3A_5] : memref<16x1x128xi32, #tpu.memory_space<smem>>
    %add3A = arith.addi %get3A_2, %get3A_6 : i32
    %sub3A = arith.constant 2 : i32
    %sub3A_7 = arith.subi %add3A, %sub3A : i32
    %add3A_8 = arith.constant 0 : i32
    %add3A_9 = arith.addi %sub3A_7, %add3A_8 : i32
    %lt3A = arith.constant 0 : i32
    %lt3A_10 = arith.cmpi slt, %add3A_9, %lt3A : i32
    %add3A_11 = arith.constant 4096 : i32
    %add3A_12 = arith.addi %add3A_9, %add3A_11 : i32
    %select_n3A = arith.select %lt3A_10, %add3A_12, %add3A_9 : i32
    %jit3A = arith.constant 8 : i32
    %div3A = arith.divsi %select_n3A, %jit3A : i32
    %sign3A = arith.constant 0 : i32
    %sign3A_13 = arith.cmpi sgt, %select_n3A, %sign3A : i32
    %sign3A_14 = arith.extui %sign3A_13 : i1 to i32
    %sign3A_15 = arith.constant 0 : i32
    %sign3A_16 = arith.cmpi slt, %select_n3A, %sign3A_15 : i32
    %sign3A_17 = arith.extui %sign3A_16 : i1 to i32
    %sign3A_18 = arith.subi %sign3A_14, %sign3A_17 : i32
    %sign3A_19 = arith.constant 0 : i32
    %sign3A_20 = arith.cmpi sgt, %jit3A, %sign3A_19 : i32
    %sign3A_21 = arith.extui %sign3A_20 : i1 to i32
    %sign3A_22 = arith.constant 0 : i32
    %sign3A_23 = arith.cmpi slt, %jit3A, %sign3A_22 : i32
    %sign3A_24 = arith.extui %sign3A_23 : i1 to i32
    %sign3A_25 = arith.subi %sign3A_21, %sign3A_24 : i32
    %ne3A = arith.cmpi ne, %sign3A_18, %sign3A_25 : i32
    %rem3A = arith.remsi %select_n3A, %jit3A : i32
    %ne3A_26 = arith.constant 0 : i32
    %ne3A_27 = arith.cmpi ne, %rem3A, %ne3A_26 : i32
    %and3A = arith.andi %ne3A, %ne3A_27 : i1
    %sub3A_28 = arith.constant 1 : i32
    %sub3A_29 = arith.subi %div3A, %sub3A_28 : i32
    %select_n3A_30 = arith.select %and3A, %sub3A_29, %div3A : i32
    %c7_i32 = arith.constant 7 : i32
    %c0_i32 = arith.constant 0 : i32
    %c0_i32_31 = arith.constant 0 : i32
    return %c7_i32, %select_n3A_30, %c0_i32 : i32, i32, i32
  }
  func.func @transform_15(%arg0: i32, %arg1: memref<16x8x128xi32, #tpu.memory_space<smem>>, %arg2: memref<16x1x128xi32, #tpu.memory_space<smem>>) -> (i32, i32, i32) {
    %get3A = arith.constant 7 : index
    %get3A_0 = arith.constant 0 : index
    %get3A_1 = arith.constant 0 : index
    %get3A_2 = memref.load %arg1[%get3A, %get3A_0, %get3A_1] : memref<16x8x128xi32, #tpu.memory_space<smem>>
    %get3A_3 = arith.constant 7 : index
    %get3A_4 = arith.constant 0 : index
    %get3A_5 = arith.constant 0 : index
    %get3A_6 = memref.load %arg2[%get3A_3, %get3A_4, %get3A_5] : memref<16x1x128xi32, #tpu.memory_space<smem>>
    %add3A = arith.addi %get3A_2, %get3A_6 : i32
    %sub3A = arith.constant 2 : i32
    %sub3A_7 = arith.subi %add3A, %sub3A : i32
    %add3A_8 = arith.constant 1 : i32
    %add3A_9 = arith.addi %sub3A_7, %add3A_8 : i32
    %lt3A = arith.constant 0 : i32
    %lt3A_10 = arith.cmpi slt, %add3A_9, %lt3A : i32
    %add3A_11 = arith.constant 4096 : i32
    %add3A_12 = arith.addi %add3A_9, %add3A_11 : i32
    %select_n3A = arith.select %lt3A_10, %add3A_12, %add3A_9 : i32
    %jit3A = arith.constant 8 : i32
    %div3A = arith.divsi %select_n3A, %jit3A : i32
    %sign3A = arith.constant 0 : i32
    %sign3A_13 = arith.cmpi sgt, %select_n3A, %sign3A : i32
    %sign3A_14 = arith.extui %sign3A_13 : i1 to i32
    %sign3A_15 = arith.constant 0 : i32
    %sign3A_16 = arith.cmpi slt, %select_n3A, %sign3A_15 : i32
    %sign3A_17 = arith.extui %sign3A_16 : i1 to i32
    %sign3A_18 = arith.subi %sign3A_14, %sign3A_17 : i32
    %sign3A_19 = arith.constant 0 : i32
    %sign3A_20 = arith.cmpi sgt, %jit3A, %sign3A_19 : i32
    %sign3A_21 = arith.extui %sign3A_20 : i1 to i32
    %sign3A_22 = arith.constant 0 : i32
    %sign3A_23 = arith.cmpi slt, %jit3A, %sign3A_22 : i32
    %sign3A_24 = arith.extui %sign3A_23 : i1 to i32
    %sign3A_25 = arith.subi %sign3A_21, %sign3A_24 : i32
    %ne3A = arith.cmpi ne, %sign3A_18, %sign3A_25 : i32
    %rem3A = arith.remsi %select_n3A, %jit3A : i32
    %ne3A_26 = arith.constant 0 : i32
    %ne3A_27 = arith.cmpi ne, %rem3A, %ne3A_26 : i32
    %and3A = arith.andi %ne3A, %ne3A_27 : i1
    %sub3A_28 = arith.constant 1 : i32
    %sub3A_29 = arith.subi %div3A, %sub3A_28 : i32
    %select_n3A_30 = arith.select %and3A, %sub3A_29, %div3A : i32
    %c7_i32 = arith.constant 7 : i32
    %c0_i32 = arith.constant 0 : i32
    %c0_i32_31 = arith.constant 0 : i32
    return %c7_i32, %select_n3A_30, %c0_i32 : i32, i32, i32
  }
  func.func @transform_16(%arg0: i32, %arg1: memref<16x8x128xi32, #tpu.memory_space<smem>>, %arg2: memref<16x1x128xi32, #tpu.memory_space<smem>>) -> (i32, i32, i32) {
    %get3A = arith.constant 8 : index
    %get3A_0 = arith.constant 0 : index
    %get3A_1 = arith.constant 0 : index
    %get3A_2 = memref.load %arg1[%get3A, %get3A_0, %get3A_1] : memref<16x8x128xi32, #tpu.memory_space<smem>>
    %get3A_3 = arith.constant 8 : index
    %get3A_4 = arith.constant 0 : index
    %get3A_5 = arith.constant 0 : index
    %get3A_6 = memref.load %arg2[%get3A_3, %get3A_4, %get3A_5] : memref<16x1x128xi32, #tpu.memory_space<smem>>
    %add3A = arith.addi %get3A_2, %get3A_6 : i32
    %sub3A = arith.constant 2 : i32
    %sub3A_7 = arith.subi %add3A, %sub3A : i32
    %add3A_8 = arith.constant 0 : i32
    %add3A_9 = arith.addi %sub3A_7, %add3A_8 : i32
    %lt3A = arith.constant 0 : i32
    %lt3A_10 = arith.cmpi slt, %add3A_9, %lt3A : i32
    %add3A_11 = arith.constant 4096 : i32
    %add3A_12 = arith.addi %add3A_9, %add3A_11 : i32
    %select_n3A = arith.select %lt3A_10, %add3A_12, %add3A_9 : i32
    %jit3A = arith.constant 8 : i32
    %div3A = arith.divsi %select_n3A, %jit3A : i32
    %sign3A = arith.constant 0 : i32
    %sign3A_13 = arith.cmpi sgt, %select_n3A, %sign3A : i32
    %sign3A_14 = arith.extui %sign3A_13 : i1 to i32
    %sign3A_15 = arith.constant 0 : i32
    %sign3A_16 = arith.cmpi slt, %select_n3A, %sign3A_15 : i32
    %sign3A_17 = arith.extui %sign3A_16 : i1 to i32
    %sign3A_18 = arith.subi %sign3A_14, %sign3A_17 : i32
    %sign3A_19 = arith.constant 0 : i32
    %sign3A_20 = arith.cmpi sgt, %jit3A, %sign3A_19 : i32
    %sign3A_21 = arith.extui %sign3A_20 : i1 to i32
    %sign3A_22 = arith.constant 0 : i32
    %sign3A_23 = arith.cmpi slt, %jit3A, %sign3A_22 : i32
    %sign3A_24 = arith.extui %sign3A_23 : i1 to i32
    %sign3A_25 = arith.subi %sign3A_21, %sign3A_24 : i32
    %ne3A = arith.cmpi ne, %sign3A_18, %sign3A_25 : i32
    %rem3A = arith.remsi %select_n3A, %jit3A : i32
    %ne3A_26 = arith.constant 0 : i32
    %ne3A_27 = arith.cmpi ne, %rem3A, %ne3A_26 : i32
    %and3A = arith.andi %ne3A, %ne3A_27 : i1
    %sub3A_28 = arith.constant 1 : i32
    %sub3A_29 = arith.subi %div3A, %sub3A_28 : i32
    %select_n3A_30 = arith.select %and3A, %sub3A_29, %div3A : i32
    %c8_i32 = arith.constant 8 : i32
    %c0_i32 = arith.constant 0 : i32
    %c0_i32_31 = arith.constant 0 : i32
    return %c8_i32, %select_n3A_30, %c0_i32 : i32, i32, i32
  }
  func.func @transform_17(%arg0: i32, %arg1: memref<16x8x128xi32, #tpu.memory_space<smem>>, %arg2: memref<16x1x128xi32, #tpu.memory_space<smem>>) -> (i32, i32, i32) {
    %get3A = arith.constant 8 : index
    %get3A_0 = arith.constant 0 : index
    %get3A_1 = arith.constant 0 : index
    %get3A_2 = memref.load %arg1[%get3A, %get3A_0, %get3A_1] : memref<16x8x128xi32, #tpu.memory_space<smem>>
    %get3A_3 = arith.constant 8 : index
    %get3A_4 = arith.constant 0 : index
    %get3A_5 = arith.constant 0 : index
    %get3A_6 = memref.load %arg2[%get3A_3, %get3A_4, %get3A_5] : memref<16x1x128xi32, #tpu.memory_space<smem>>
    %add3A = arith.addi %get3A_2, %get3A_6 : i32
    %sub3A = arith.constant 2 : i32
    %sub3A_7 = arith.subi %add3A, %sub3A : i32
    %add3A_8 = arith.constant 1 : i32
    %add3A_9 = arith.addi %sub3A_7, %add3A_8 : i32
    %lt3A = arith.constant 0 : i32
    %lt3A_10 = arith.cmpi slt, %add3A_9, %lt3A : i32
    %add3A_11 = arith.constant 4096 : i32
    %add3A_12 = arith.addi %add3A_9, %add3A_11 : i32
    %select_n3A = arith.select %lt3A_10, %add3A_12, %add3A_9 : i32
    %jit3A = arith.constant 8 : i32
    %div3A = arith.divsi %select_n3A, %jit3A : i32
    %sign3A = arith.constant 0 : i32
    %sign3A_13 = arith.cmpi sgt, %select_n3A, %sign3A : i32
    %sign3A_14 = arith.extui %sign3A_13 : i1 to i32
    %sign3A_15 = arith.constant 0 : i32
    %sign3A_16 = arith.cmpi slt, %select_n3A, %sign3A_15 : i32
    %sign3A_17 = arith.extui %sign3A_16 : i1 to i32
    %sign3A_18 = arith.subi %sign3A_14, %sign3A_17 : i32
    %sign3A_19 = arith.constant 0 : i32
    %sign3A_20 = arith.cmpi sgt, %jit3A, %sign3A_19 : i32
    %sign3A_21 = arith.extui %sign3A_20 : i1 to i32
    %sign3A_22 = arith.constant 0 : i32
    %sign3A_23 = arith.cmpi slt, %jit3A, %sign3A_22 : i32
    %sign3A_24 = arith.extui %sign3A_23 : i1 to i32
    %sign3A_25 = arith.subi %sign3A_21, %sign3A_24 : i32
    %ne3A = arith.cmpi ne, %sign3A_18, %sign3A_25 : i32
    %rem3A = arith.remsi %select_n3A, %jit3A : i32
    %ne3A_26 = arith.constant 0 : i32
    %ne3A_27 = arith.cmpi ne, %rem3A, %ne3A_26 : i32
    %and3A = arith.andi %ne3A, %ne3A_27 : i1
    %sub3A_28 = arith.constant 1 : i32
    %sub3A_29 = arith.subi %div3A, %sub3A_28 : i32
    %select_n3A_30 = arith.select %and3A, %sub3A_29, %div3A : i32
    %c8_i32 = arith.constant 8 : i32
    %c0_i32 = arith.constant 0 : i32
    %c0_i32_31 = arith.constant 0 : i32
    return %c8_i32, %select_n3A_30, %c0_i32 : i32, i32, i32
  }
  func.func @transform_18(%arg0: i32, %arg1: memref<16x8x128xi32, #tpu.memory_space<smem>>, %arg2: memref<16x1x128xi32, #tpu.memory_space<smem>>) -> (i32, i32, i32) {
    %get3A = arith.constant 9 : index
    %get3A_0 = arith.constant 0 : index
    %get3A_1 = arith.constant 0 : index
    %get3A_2 = memref.load %arg1[%get3A, %get3A_0, %get3A_1] : memref<16x8x128xi32, #tpu.memory_space<smem>>
    %get3A_3 = arith.constant 9 : index
    %get3A_4 = arith.constant 0 : index
    %get3A_5 = arith.constant 0 : index
    %get3A_6 = memref.load %arg2[%get3A_3, %get3A_4, %get3A_5] : memref<16x1x128xi32, #tpu.memory_space<smem>>
    %add3A = arith.addi %get3A_2, %get3A_6 : i32
    %sub3A = arith.constant 2 : i32
    %sub3A_7 = arith.subi %add3A, %sub3A : i32
    %add3A_8 = arith.constant 0 : i32
    %add3A_9 = arith.addi %sub3A_7, %add3A_8 : i32
    %lt3A = arith.constant 0 : i32
    %lt3A_10 = arith.cmpi slt, %add3A_9, %lt3A : i32
    %add3A_11 = arith.constant 4096 : i32
    %add3A_12 = arith.addi %add3A_9, %add3A_11 : i32
    %select_n3A = arith.select %lt3A_10, %add3A_12, %add3A_9 : i32
    %jit3A = arith.constant 8 : i32
    %div3A = arith.divsi %select_n3A, %jit3A : i32
    %sign3A = arith.constant 0 : i32
    %sign3A_13 = arith.cmpi sgt, %select_n3A, %sign3A : i32
    %sign3A_14 = arith.extui %sign3A_13 : i1 to i32
    %sign3A_15 = arith.constant 0 : i32
    %sign3A_16 = arith.cmpi slt, %select_n3A, %sign3A_15 : i32
    %sign3A_17 = arith.extui %sign3A_16 : i1 to i32
    %sign3A_18 = arith.subi %sign3A_14, %sign3A_17 : i32
    %sign3A_19 = arith.constant 0 : i32
    %sign3A_20 = arith.cmpi sgt, %jit3A, %sign3A_19 : i32
    %sign3A_21 = arith.extui %sign3A_20 : i1 to i32
    %sign3A_22 = arith.constant 0 : i32
    %sign3A_23 = arith.cmpi slt, %jit3A, %sign3A_22 : i32
    %sign3A_24 = arith.extui %sign3A_23 : i1 to i32
    %sign3A_25 = arith.subi %sign3A_21, %sign3A_24 : i32
    %ne3A = arith.cmpi ne, %sign3A_18, %sign3A_25 : i32
    %rem3A = arith.remsi %select_n3A, %jit3A : i32
    %ne3A_26 = arith.constant 0 : i32
    %ne3A_27 = arith.cmpi ne, %rem3A, %ne3A_26 : i32
    %and3A = arith.andi %ne3A, %ne3A_27 : i1
    %sub3A_28 = arith.constant 1 : i32
    %sub3A_29 = arith.subi %div3A, %sub3A_28 : i32
    %select_n3A_30 = arith.select %and3A, %sub3A_29, %div3A : i32
    %c9_i32 = arith.constant 9 : i32
    %c0_i32 = arith.constant 0 : i32
    %c0_i32_31 = arith.constant 0 : i32
    return %c9_i32, %select_n3A_30, %c0_i32 : i32, i32, i32
  }
  func.func @transform_19(%arg0: i32, %arg1: memref<16x8x128xi32, #tpu.memory_space<smem>>, %arg2: memref<16x1x128xi32, #tpu.memory_space<smem>>) -> (i32, i32, i32) {
    %get3A = arith.constant 9 : index
    %get3A_0 = arith.constant 0 : index
    %get3A_1 = arith.constant 0 : index
    %get3A_2 = memref.load %arg1[%get3A, %get3A_0, %get3A_1] : memref<16x8x128xi32, #tpu.memory_space<smem>>
    %get3A_3 = arith.constant 9 : index
    %get3A_4 = arith.constant 0 : index
    %get3A_5 = arith.constant 0 : index
    %get3A_6 = memref.load %arg2[%get3A_3, %get3A_4, %get3A_5] : memref<16x1x128xi32, #tpu.memory_space<smem>>
    %add3A = arith.addi %get3A_2, %get3A_6 : i32
    %sub3A = arith.constant 2 : i32
    %sub3A_7 = arith.subi %add3A, %sub3A : i32
    %add3A_8 = arith.constant 1 : i32
    %add3A_9 = arith.addi %sub3A_7, %add3A_8 : i32
    %lt3A = arith.constant 0 : i32
    %lt3A_10 = arith.cmpi slt, %add3A_9, %lt3A : i32
    %add3A_11 = arith.constant 4096 : i32
    %add3A_12 = arith.addi %add3A_9, %add3A_11 : i32
    %select_n3A = arith.select %lt3A_10, %add3A_12, %add3A_9 : i32
    %jit3A = arith.constant 8 : i32
    %div3A = arith.divsi %select_n3A, %jit3A : i32
    %sign3A = arith.constant 0 : i32
    %sign3A_13 = arith.cmpi sgt, %select_n3A, %sign3A : i32
    %sign3A_14 = arith.extui %sign3A_13 : i1 to i32
    %sign3A_15 = arith.constant 0 : i32
    %sign3A_16 = arith.cmpi slt, %select_n3A, %sign3A_15 : i32
    %sign3A_17 = arith.extui %sign3A_16 : i1 to i32
    %sign3A_18 = arith.subi %sign3A_14, %sign3A_17 : i32
    %sign3A_19 = arith.constant 0 : i32
    %sign3A_20 = arith.cmpi sgt, %jit3A, %sign3A_19 : i32
    %sign3A_21 = arith.extui %sign3A_20 : i1 to i32
    %sign3A_22 = arith.constant 0 : i32
    %sign3A_23 = arith.cmpi slt, %jit3A, %sign3A_22 : i32
    %sign3A_24 = arith.extui %sign3A_23 : i1 to i32
    %sign3A_25 = arith.subi %sign3A_21, %sign3A_24 : i32
    %ne3A = arith.cmpi ne, %sign3A_18, %sign3A_25 : i32
    %rem3A = arith.remsi %select_n3A, %jit3A : i32
    %ne3A_26 = arith.constant 0 : i32
    %ne3A_27 = arith.cmpi ne, %rem3A, %ne3A_26 : i32
    %and3A = arith.andi %ne3A, %ne3A_27 : i1
    %sub3A_28 = arith.constant 1 : i32
    %sub3A_29 = arith.subi %div3A, %sub3A_28 : i32
    %select_n3A_30 = arith.select %and3A, %sub3A_29, %div3A : i32
    %c9_i32 = arith.constant 9 : i32
    %c0_i32 = arith.constant 0 : i32
    %c0_i32_31 = arith.constant 0 : i32
    return %c9_i32, %select_n3A_30, %c0_i32 : i32, i32, i32
  }
  func.func @transform_20(%arg0: i32, %arg1: memref<16x8x128xi32, #tpu.memory_space<smem>>, %arg2: memref<16x1x128xi32, #tpu.memory_space<smem>>) -> (i32, i32, i32) {
    %get3A = arith.constant 10 : index
    %get3A_0 = arith.constant 0 : index
    %get3A_1 = arith.constant 0 : index
    %get3A_2 = memref.load %arg1[%get3A, %get3A_0, %get3A_1] : memref<16x8x128xi32, #tpu.memory_space<smem>>
    %get3A_3 = arith.constant 10 : index
    %get3A_4 = arith.constant 0 : index
    %get3A_5 = arith.constant 0 : index
    %get3A_6 = memref.load %arg2[%get3A_3, %get3A_4, %get3A_5] : memref<16x1x128xi32, #tpu.memory_space<smem>>
    %add3A = arith.addi %get3A_2, %get3A_6 : i32
    %sub3A = arith.constant 2 : i32
    %sub3A_7 = arith.subi %add3A, %sub3A : i32
    %add3A_8 = arith.constant 0 : i32
    %add3A_9 = arith.addi %sub3A_7, %add3A_8 : i32
    %lt3A = arith.constant 0 : i32
    %lt3A_10 = arith.cmpi slt, %add3A_9, %lt3A : i32
    %add3A_11 = arith.constant 4096 : i32
    %add3A_12 = arith.addi %add3A_9, %add3A_11 : i32
    %select_n3A = arith.select %lt3A_10, %add3A_12, %add3A_9 : i32
    %jit3A = arith.constant 8 : i32
    %div3A = arith.divsi %select_n3A, %jit3A : i32
    %sign3A = arith.constant 0 : i32
    %sign3A_13 = arith.cmpi sgt, %select_n3A, %sign3A : i32
    %sign3A_14 = arith.extui %sign3A_13 : i1 to i32
    %sign3A_15 = arith.constant 0 : i32
    %sign3A_16 = arith.cmpi slt, %select_n3A, %sign3A_15 : i32
    %sign3A_17 = arith.extui %sign3A_16 : i1 to i32
    %sign3A_18 = arith.subi %sign3A_14, %sign3A_17 : i32
    %sign3A_19 = arith.constant 0 : i32
    %sign3A_20 = arith.cmpi sgt, %jit3A, %sign3A_19 : i32
    %sign3A_21 = arith.extui %sign3A_20 : i1 to i32
    %sign3A_22 = arith.constant 0 : i32
    %sign3A_23 = arith.cmpi slt, %jit3A, %sign3A_22 : i32
    %sign3A_24 = arith.extui %sign3A_23 : i1 to i32
    %sign3A_25 = arith.subi %sign3A_21, %sign3A_24 : i32
    %ne3A = arith.cmpi ne, %sign3A_18, %sign3A_25 : i32
    %rem3A = arith.remsi %select_n3A, %jit3A : i32
    %ne3A_26 = arith.constant 0 : i32
    %ne3A_27 = arith.cmpi ne, %rem3A, %ne3A_26 : i32
    %and3A = arith.andi %ne3A, %ne3A_27 : i1
    %sub3A_28 = arith.constant 1 : i32
    %sub3A_29 = arith.subi %div3A, %sub3A_28 : i32
    %select_n3A_30 = arith.select %and3A, %sub3A_29, %div3A : i32
    %c10_i32 = arith.constant 10 : i32
    %c0_i32 = arith.constant 0 : i32
    %c0_i32_31 = arith.constant 0 : i32
    return %c10_i32, %select_n3A_30, %c0_i32 : i32, i32, i32
  }
  func.func @transform_21(%arg0: i32, %arg1: memref<16x8x128xi32, #tpu.memory_space<smem>>, %arg2: memref<16x1x128xi32, #tpu.memory_space<smem>>) -> (i32, i32, i32) {
    %get3A = arith.constant 10 : index
    %get3A_0 = arith.constant 0 : index
    %get3A_1 = arith.constant 0 : index
    %get3A_2 = memref.load %arg1[%get3A, %get3A_0, %get3A_1] : memref<16x8x128xi32, #tpu.memory_space<smem>>
    %get3A_3 = arith.constant 10 : index
    %get3A_4 = arith.constant 0 : index
    %get3A_5 = arith.constant 0 : index
    %get3A_6 = memref.load %arg2[%get3A_3, %get3A_4, %get3A_5] : memref<16x1x128xi32, #tpu.memory_space<smem>>
    %add3A = arith.addi %get3A_2, %get3A_6 : i32
    %sub3A = arith.constant 2 : i32
    %sub3A_7 = arith.subi %add3A, %sub3A : i32
    %add3A_8 = arith.constant 1 : i32
    %add3A_9 = arith.addi %sub3A_7, %add3A_8 : i32
    %lt3A = arith.constant 0 : i32
    %lt3A_10 = arith.cmpi slt, %add3A_9, %lt3A : i32
    %add3A_11 = arith.constant 4096 : i32
    %add3A_12 = arith.addi %add3A_9, %add3A_11 : i32
    %select_n3A = arith.select %lt3A_10, %add3A_12, %add3A_9 : i32
    %jit3A = arith.constant 8 : i32
    %div3A = arith.divsi %select_n3A, %jit3A : i32
    %sign3A = arith.constant 0 : i32
    %sign3A_13 = arith.cmpi sgt, %select_n3A, %sign3A : i32
    %sign3A_14 = arith.extui %sign3A_13 : i1 to i32
    %sign3A_15 = arith.constant 0 : i32
    %sign3A_16 = arith.cmpi slt, %select_n3A, %sign3A_15 : i32
    %sign3A_17 = arith.extui %sign3A_16 : i1 to i32
    %sign3A_18 = arith.subi %sign3A_14, %sign3A_17 : i32
    %sign3A_19 = arith.constant 0 : i32
    %sign3A_20 = arith.cmpi sgt, %jit3A, %sign3A_19 : i32
    %sign3A_21 = arith.extui %sign3A_20 : i1 to i32
    %sign3A_22 = arith.constant 0 : i32
    %sign3A_23 = arith.cmpi slt, %jit3A, %sign3A_22 : i32
    %sign3A_24 = arith.extui %sign3A_23 : i1 to i32
    %sign3A_25 = arith.subi %sign3A_21, %sign3A_24 : i32
    %ne3A = arith.cmpi ne, %sign3A_18, %sign3A_25 : i32
    %rem3A = arith.remsi %select_n3A, %jit3A : i32
    %ne3A_26 = arith.constant 0 : i32
    %ne3A_27 = arith.cmpi ne, %rem3A, %ne3A_26 : i32
    %and3A = arith.andi %ne3A, %ne3A_27 : i1
    %sub3A_28 = arith.constant 1 : i32
    %sub3A_29 = arith.subi %div3A, %sub3A_28 : i32
    %select_n3A_30 = arith.select %and3A, %sub3A_29, %div3A : i32
    %c10_i32 = arith.constant 10 : i32
    %c0_i32 = arith.constant 0 : i32
    %c0_i32_31 = arith.constant 0 : i32
    return %c10_i32, %select_n3A_30, %c0_i32 : i32, i32, i32
  }
  func.func @transform_22(%arg0: i32, %arg1: memref<16x8x128xi32, #tpu.memory_space<smem>>, %arg2: memref<16x1x128xi32, #tpu.memory_space<smem>>) -> (i32, i32, i32) {
    %get3A = arith.constant 11 : index
    %get3A_0 = arith.constant 0 : index
    %get3A_1 = arith.constant 0 : index
    %get3A_2 = memref.load %arg1[%get3A, %get3A_0, %get3A_1] : memref<16x8x128xi32, #tpu.memory_space<smem>>
    %get3A_3 = arith.constant 11 : index
    %get3A_4 = arith.constant 0 : index
    %get3A_5 = arith.constant 0 : index
    %get3A_6 = memref.load %arg2[%get3A_3, %get3A_4, %get3A_5] : memref<16x1x128xi32, #tpu.memory_space<smem>>
    %add3A = arith.addi %get3A_2, %get3A_6 : i32
    %sub3A = arith.constant 2 : i32
    %sub3A_7 = arith.subi %add3A, %sub3A : i32
    %add3A_8 = arith.constant 0 : i32
    %add3A_9 = arith.addi %sub3A_7, %add3A_8 : i32
    %lt3A = arith.constant 0 : i32
    %lt3A_10 = arith.cmpi slt, %add3A_9, %lt3A : i32
    %add3A_11 = arith.constant 4096 : i32
    %add3A_12 = arith.addi %add3A_9, %add3A_11 : i32
    %select_n3A = arith.select %lt3A_10, %add3A_12, %add3A_9 : i32
    %jit3A = arith.constant 8 : i32
    %div3A = arith.divsi %select_n3A, %jit3A : i32
    %sign3A = arith.constant 0 : i32
    %sign3A_13 = arith.cmpi sgt, %select_n3A, %sign3A : i32
    %sign3A_14 = arith.extui %sign3A_13 : i1 to i32
    %sign3A_15 = arith.constant 0 : i32
    %sign3A_16 = arith.cmpi slt, %select_n3A, %sign3A_15 : i32
    %sign3A_17 = arith.extui %sign3A_16 : i1 to i32
    %sign3A_18 = arith.subi %sign3A_14, %sign3A_17 : i32
    %sign3A_19 = arith.constant 0 : i32
    %sign3A_20 = arith.cmpi sgt, %jit3A, %sign3A_19 : i32
    %sign3A_21 = arith.extui %sign3A_20 : i1 to i32
    %sign3A_22 = arith.constant 0 : i32
    %sign3A_23 = arith.cmpi slt, %jit3A, %sign3A_22 : i32
    %sign3A_24 = arith.extui %sign3A_23 : i1 to i32
    %sign3A_25 = arith.subi %sign3A_21, %sign3A_24 : i32
    %ne3A = arith.cmpi ne, %sign3A_18, %sign3A_25 : i32
    %rem3A = arith.remsi %select_n3A, %jit3A : i32
    %ne3A_26 = arith.constant 0 : i32
    %ne3A_27 = arith.cmpi ne, %rem3A, %ne3A_26 : i32
    %and3A = arith.andi %ne3A, %ne3A_27 : i1
    %sub3A_28 = arith.constant 1 : i32
    %sub3A_29 = arith.subi %div3A, %sub3A_28 : i32
    %select_n3A_30 = arith.select %and3A, %sub3A_29, %div3A : i32
    %c11_i32 = arith.constant 11 : i32
    %c0_i32 = arith.constant 0 : i32
    %c0_i32_31 = arith.constant 0 : i32
    return %c11_i32, %select_n3A_30, %c0_i32 : i32, i32, i32
  }
  func.func @transform_23(%arg0: i32, %arg1: memref<16x8x128xi32, #tpu.memory_space<smem>>, %arg2: memref<16x1x128xi32, #tpu.memory_space<smem>>) -> (i32, i32, i32) {
    %get3A = arith.constant 11 : index
    %get3A_0 = arith.constant 0 : index
    %get3A_1 = arith.constant 0 : index
    %get3A_2 = memref.load %arg1[%get3A, %get3A_0, %get3A_1] : memref<16x8x128xi32, #tpu.memory_space<smem>>
    %get3A_3 = arith.constant 11 : index
    %get3A_4 = arith.constant 0 : index
    %get3A_5 = arith.constant 0 : index
    %get3A_6 = memref.load %arg2[%get3A_3, %get3A_4, %get3A_5] : memref<16x1x128xi32, #tpu.memory_space<smem>>
    %add3A = arith.addi %get3A_2, %get3A_6 : i32
    %sub3A = arith.constant 2 : i32
    %sub3A_7 = arith.subi %add3A, %sub3A : i32
    %add3A_8 = arith.constant 1 : i32
    %add3A_9 = arith.addi %sub3A_7, %add3A_8 : i32
    %lt3A = arith.constant 0 : i32
    %lt3A_10 = arith.cmpi slt, %add3A_9, %lt3A : i32
    %add3A_11 = arith.constant 4096 : i32
    %add3A_12 = arith.addi %add3A_9, %add3A_11 : i32
    %select_n3A = arith.select %lt3A_10, %add3A_12, %add3A_9 : i32
    %jit3A = arith.constant 8 : i32
    %div3A = arith.divsi %select_n3A, %jit3A : i32
    %sign3A = arith.constant 0 : i32
    %sign3A_13 = arith.cmpi sgt, %select_n3A, %sign3A : i32
    %sign3A_14 = arith.extui %sign3A_13 : i1 to i32
    %sign3A_15 = arith.constant 0 : i32
    %sign3A_16 = arith.cmpi slt, %select_n3A, %sign3A_15 : i32
    %sign3A_17 = arith.extui %sign3A_16 : i1 to i32
    %sign3A_18 = arith.subi %sign3A_14, %sign3A_17 : i32
    %sign3A_19 = arith.constant 0 : i32
    %sign3A_20 = arith.cmpi sgt, %jit3A, %sign3A_19 : i32
    %sign3A_21 = arith.extui %sign3A_20 : i1 to i32
    %sign3A_22 = arith.constant 0 : i32
    %sign3A_23 = arith.cmpi slt, %jit3A, %sign3A_22 : i32
    %sign3A_24 = arith.extui %sign3A_23 : i1 to i32
    %sign3A_25 = arith.subi %sign3A_21, %sign3A_24 : i32
    %ne3A = arith.cmpi ne, %sign3A_18, %sign3A_25 : i32
    %rem3A = arith.remsi %select_n3A, %jit3A : i32
    %ne3A_26 = arith.constant 0 : i32
    %ne3A_27 = arith.cmpi ne, %rem3A, %ne3A_26 : i32
    %and3A = arith.andi %ne3A, %ne3A_27 : i1
    %sub3A_28 = arith.constant 1 : i32
    %sub3A_29 = arith.subi %div3A, %sub3A_28 : i32
    %select_n3A_30 = arith.select %and3A, %sub3A_29, %div3A : i32
    %c11_i32 = arith.constant 11 : i32
    %c0_i32 = arith.constant 0 : i32
    %c0_i32_31 = arith.constant 0 : i32
    return %c11_i32, %select_n3A_30, %c0_i32 : i32, i32, i32
  }
  func.func @transform_24(%arg0: i32, %arg1: memref<16x8x128xi32, #tpu.memory_space<smem>>, %arg2: memref<16x1x128xi32, #tpu.memory_space<smem>>) -> (i32, i32, i32) {
    %get3A = arith.constant 12 : index
    %get3A_0 = arith.constant 0 : index
    %get3A_1 = arith.constant 0 : index
    %get3A_2 = memref.load %arg1[%get3A, %get3A_0, %get3A_1] : memref<16x8x128xi32, #tpu.memory_space<smem>>
    %get3A_3 = arith.constant 12 : index
    %get3A_4 = arith.constant 0 : index
    %get3A_5 = arith.constant 0 : index
    %get3A_6 = memref.load %arg2[%get3A_3, %get3A_4, %get3A_5] : memref<16x1x128xi32, #tpu.memory_space<smem>>
    %add3A = arith.addi %get3A_2, %get3A_6 : i32
    %sub3A = arith.constant 2 : i32
    %sub3A_7 = arith.subi %add3A, %sub3A : i32
    %add3A_8 = arith.constant 0 : i32
    %add3A_9 = arith.addi %sub3A_7, %add3A_8 : i32
    %lt3A = arith.constant 0 : i32
    %lt3A_10 = arith.cmpi slt, %add3A_9, %lt3A : i32
    %add3A_11 = arith.constant 4096 : i32
    %add3A_12 = arith.addi %add3A_9, %add3A_11 : i32
    %select_n3A = arith.select %lt3A_10, %add3A_12, %add3A_9 : i32
    %jit3A = arith.constant 8 : i32
    %div3A = arith.divsi %select_n3A, %jit3A : i32
    %sign3A = arith.constant 0 : i32
    %sign3A_13 = arith.cmpi sgt, %select_n3A, %sign3A : i32
    %sign3A_14 = arith.extui %sign3A_13 : i1 to i32
    %sign3A_15 = arith.constant 0 : i32
    %sign3A_16 = arith.cmpi slt, %select_n3A, %sign3A_15 : i32
    %sign3A_17 = arith.extui %sign3A_16 : i1 to i32
    %sign3A_18 = arith.subi %sign3A_14, %sign3A_17 : i32
    %sign3A_19 = arith.constant 0 : i32
    %sign3A_20 = arith.cmpi sgt, %jit3A, %sign3A_19 : i32
    %sign3A_21 = arith.extui %sign3A_20 : i1 to i32
    %sign3A_22 = arith.constant 0 : i32
    %sign3A_23 = arith.cmpi slt, %jit3A, %sign3A_22 : i32
    %sign3A_24 = arith.extui %sign3A_23 : i1 to i32
    %sign3A_25 = arith.subi %sign3A_21, %sign3A_24 : i32
    %ne3A = arith.cmpi ne, %sign3A_18, %sign3A_25 : i32
    %rem3A = arith.remsi %select_n3A, %jit3A : i32
    %ne3A_26 = arith.constant 0 : i32
    %ne3A_27 = arith.cmpi ne, %rem3A, %ne3A_26 : i32
    %and3A = arith.andi %ne3A, %ne3A_27 : i1
    %sub3A_28 = arith.constant 1 : i32
    %sub3A_29 = arith.subi %div3A, %sub3A_28 : i32
    %select_n3A_30 = arith.select %and3A, %sub3A_29, %div3A : i32
    %c12_i32 = arith.constant 12 : i32
    %c0_i32 = arith.constant 0 : i32
    %c0_i32_31 = arith.constant 0 : i32
    return %c12_i32, %select_n3A_30, %c0_i32 : i32, i32, i32
  }
  func.func @transform_25(%arg0: i32, %arg1: memref<16x8x128xi32, #tpu.memory_space<smem>>, %arg2: memref<16x1x128xi32, #tpu.memory_space<smem>>) -> (i32, i32, i32) {
    %get3A = arith.constant 12 : index
    %get3A_0 = arith.constant 0 : index
    %get3A_1 = arith.constant 0 : index
    %get3A_2 = memref.load %arg1[%get3A, %get3A_0, %get3A_1] : memref<16x8x128xi32, #tpu.memory_space<smem>>
    %get3A_3 = arith.constant 12 : index
    %get3A_4 = arith.constant 0 : index
    %get3A_5 = arith.constant 0 : index
    %get3A_6 = memref.load %arg2[%get3A_3, %get3A_4, %get3A_5] : memref<16x1x128xi32, #tpu.memory_space<smem>>
    %add3A = arith.addi %get3A_2, %get3A_6 : i32
    %sub3A = arith.constant 2 : i32
    %sub3A_7 = arith.subi %add3A, %sub3A : i32
    %add3A_8 = arith.constant 1 : i32
    %add3A_9 = arith.addi %sub3A_7, %add3A_8 : i32
    %lt3A = arith.constant 0 : i32
    %lt3A_10 = arith.cmpi slt, %add3A_9, %lt3A : i32
    %add3A_11 = arith.constant 4096 : i32
    %add3A_12 = arith.addi %add3A_9, %add3A_11 : i32
    %select_n3A = arith.select %lt3A_10, %add3A_12, %add3A_9 : i32
    %jit3A = arith.constant 8 : i32
    %div3A = arith.divsi %select_n3A, %jit3A : i32
    %sign3A = arith.constant 0 : i32
    %sign3A_13 = arith.cmpi sgt, %select_n3A, %sign3A : i32
    %sign3A_14 = arith.extui %sign3A_13 : i1 to i32
    %sign3A_15 = arith.constant 0 : i32
    %sign3A_16 = arith.cmpi slt, %select_n3A, %sign3A_15 : i32
    %sign3A_17 = arith.extui %sign3A_16 : i1 to i32
    %sign3A_18 = arith.subi %sign3A_14, %sign3A_17 : i32
    %sign3A_19 = arith.constant 0 : i32
    %sign3A_20 = arith.cmpi sgt, %jit3A, %sign3A_19 : i32
    %sign3A_21 = arith.extui %sign3A_20 : i1 to i32
    %sign3A_22 = arith.constant 0 : i32
    %sign3A_23 = arith.cmpi slt, %jit3A, %sign3A_22 : i32
    %sign3A_24 = arith.extui %sign3A_23 : i1 to i32
    %sign3A_25 = arith.subi %sign3A_21, %sign3A_24 : i32
    %ne3A = arith.cmpi ne, %sign3A_18, %sign3A_25 : i32
    %rem3A = arith.remsi %select_n3A, %jit3A : i32
    %ne3A_26 = arith.constant 0 : i32
    %ne3A_27 = arith.cmpi ne, %rem3A, %ne3A_26 : i32
    %and3A = arith.andi %ne3A, %ne3A_27 : i1
    %sub3A_28 = arith.constant 1 : i32
    %sub3A_29 = arith.subi %div3A, %sub3A_28 : i32
    %select_n3A_30 = arith.select %and3A, %sub3A_29, %div3A : i32
    %c12_i32 = arith.constant 12 : i32
    %c0_i32 = arith.constant 0 : i32
    %c0_i32_31 = arith.constant 0 : i32
    return %c12_i32, %select_n3A_30, %c0_i32 : i32, i32, i32
  }
  func.func @transform_26(%arg0: i32, %arg1: memref<16x8x128xi32, #tpu.memory_space<smem>>, %arg2: memref<16x1x128xi32, #tpu.memory_space<smem>>) -> (i32, i32, i32) {
    %get3A = arith.constant 13 : index
    %get3A_0 = arith.constant 0 : index
    %get3A_1 = arith.constant 0 : index
    %get3A_2 = memref.load %arg1[%get3A, %get3A_0, %get3A_1] : memref<16x8x128xi32, #tpu.memory_space<smem>>
    %get3A_3 = arith.constant 13 : index
    %get3A_4 = arith.constant 0 : index
    %get3A_5 = arith.constant 0 : index
    %get3A_6 = memref.load %arg2[%get3A_3, %get3A_4, %get3A_5] : memref<16x1x128xi32, #tpu.memory_space<smem>>
    %add3A = arith.addi %get3A_2, %get3A_6 : i32
    %sub3A = arith.constant 2 : i32
    %sub3A_7 = arith.subi %add3A, %sub3A : i32
    %add3A_8 = arith.constant 0 : i32
    %add3A_9 = arith.addi %sub3A_7, %add3A_8 : i32
    %lt3A = arith.constant 0 : i32
    %lt3A_10 = arith.cmpi slt, %add3A_9, %lt3A : i32
    %add3A_11 = arith.constant 4096 : i32
    %add3A_12 = arith.addi %add3A_9, %add3A_11 : i32
    %select_n3A = arith.select %lt3A_10, %add3A_12, %add3A_9 : i32
    %jit3A = arith.constant 8 : i32
    %div3A = arith.divsi %select_n3A, %jit3A : i32
    %sign3A = arith.constant 0 : i32
    %sign3A_13 = arith.cmpi sgt, %select_n3A, %sign3A : i32
    %sign3A_14 = arith.extui %sign3A_13 : i1 to i32
    %sign3A_15 = arith.constant 0 : i32
    %sign3A_16 = arith.cmpi slt, %select_n3A, %sign3A_15 : i32
    %sign3A_17 = arith.extui %sign3A_16 : i1 to i32
    %sign3A_18 = arith.subi %sign3A_14, %sign3A_17 : i32
    %sign3A_19 = arith.constant 0 : i32
    %sign3A_20 = arith.cmpi sgt, %jit3A, %sign3A_19 : i32
    %sign3A_21 = arith.extui %sign3A_20 : i1 to i32
    %sign3A_22 = arith.constant 0 : i32
    %sign3A_23 = arith.cmpi slt, %jit3A, %sign3A_22 : i32
    %sign3A_24 = arith.extui %sign3A_23 : i1 to i32
    %sign3A_25 = arith.subi %sign3A_21, %sign3A_24 : i32
    %ne3A = arith.cmpi ne, %sign3A_18, %sign3A_25 : i32
    %rem3A = arith.remsi %select_n3A, %jit3A : i32
    %ne3A_26 = arith.constant 0 : i32
    %ne3A_27 = arith.cmpi ne, %rem3A, %ne3A_26 : i32
    %and3A = arith.andi %ne3A, %ne3A_27 : i1
    %sub3A_28 = arith.constant 1 : i32
    %sub3A_29 = arith.subi %div3A, %sub3A_28 : i32
    %select_n3A_30 = arith.select %and3A, %sub3A_29, %div3A : i32
    %c13_i32 = arith.constant 13 : i32
    %c0_i32 = arith.constant 0 : i32
    %c0_i32_31 = arith.constant 0 : i32
    return %c13_i32, %select_n3A_30, %c0_i32 : i32, i32, i32
  }
  func.func @transform_27(%arg0: i32, %arg1: memref<16x8x128xi32, #tpu.memory_space<smem>>, %arg2: memref<16x1x128xi32, #tpu.memory_space<smem>>) -> (i32, i32, i32) {
    %get3A = arith.constant 13 : index
    %get3A_0 = arith.constant 0 : index
    %get3A_1 = arith.constant 0 : index
    %get3A_2 = memref.load %arg1[%get3A, %get3A_0, %get3A_1] : memref<16x8x128xi32, #tpu.memory_space<smem>>
    %get3A_3 = arith.constant 13 : index
    %get3A_4 = arith.constant 0 : index
    %get3A_5 = arith.constant 0 : index
    %get3A_6 = memref.load %arg2[%get3A_3, %get3A_4, %get3A_5] : memref<16x1x128xi32, #tpu.memory_space<smem>>
    %add3A = arith.addi %get3A_2, %get3A_6 : i32
    %sub3A = arith.constant 2 : i32
    %sub3A_7 = arith.subi %add3A, %sub3A : i32
    %add3A_8 = arith.constant 1 : i32
    %add3A_9 = arith.addi %sub3A_7, %add3A_8 : i32
    %lt3A = arith.constant 0 : i32
    %lt3A_10 = arith.cmpi slt, %add3A_9, %lt3A : i32
    %add3A_11 = arith.constant 4096 : i32
    %add3A_12 = arith.addi %add3A_9, %add3A_11 : i32
    %select_n3A = arith.select %lt3A_10, %add3A_12, %add3A_9 : i32
    %jit3A = arith.constant 8 : i32
    %div3A = arith.divsi %select_n3A, %jit3A : i32
    %sign3A = arith.constant 0 : i32
    %sign3A_13 = arith.cmpi sgt, %select_n3A, %sign3A : i32
    %sign3A_14 = arith.extui %sign3A_13 : i1 to i32
    %sign3A_15 = arith.constant 0 : i32
    %sign3A_16 = arith.cmpi slt, %select_n3A, %sign3A_15 : i32
    %sign3A_17 = arith.extui %sign3A_16 : i1 to i32
    %sign3A_18 = arith.subi %sign3A_14, %sign3A_17 : i32
    %sign3A_19 = arith.constant 0 : i32
    %sign3A_20 = arith.cmpi sgt, %jit3A, %sign3A_19 : i32
    %sign3A_21 = arith.extui %sign3A_20 : i1 to i32
    %sign3A_22 = arith.constant 0 : i32
    %sign3A_23 = arith.cmpi slt, %jit3A, %sign3A_22 : i32
    %sign3A_24 = arith.extui %sign3A_23 : i1 to i32
    %sign3A_25 = arith.subi %sign3A_21, %sign3A_24 : i32
    %ne3A = arith.cmpi ne, %sign3A_18, %sign3A_25 : i32
    %rem3A = arith.remsi %select_n3A, %jit3A : i32
    %ne3A_26 = arith.constant 0 : i32
    %ne3A_27 = arith.cmpi ne, %rem3A, %ne3A_26 : i32
    %and3A = arith.andi %ne3A, %ne3A_27 : i1
    %sub3A_28 = arith.constant 1 : i32
    %sub3A_29 = arith.subi %div3A, %sub3A_28 : i32
    %select_n3A_30 = arith.select %and3A, %sub3A_29, %div3A : i32
    %c13_i32 = arith.constant 13 : i32
    %c0_i32 = arith.constant 0 : i32
    %c0_i32_31 = arith.constant 0 : i32
    return %c13_i32, %select_n3A_30, %c0_i32 : i32, i32, i32
  }
  func.func @transform_28(%arg0: i32, %arg1: memref<16x8x128xi32, #tpu.memory_space<smem>>, %arg2: memref<16x1x128xi32, #tpu.memory_space<smem>>) -> (i32, i32, i32) {
    %get3A = arith.constant 14 : index
    %get3A_0 = arith.constant 0 : index
    %get3A_1 = arith.constant 0 : index
    %get3A_2 = memref.load %arg1[%get3A, %get3A_0, %get3A_1] : memref<16x8x128xi32, #tpu.memory_space<smem>>
    %get3A_3 = arith.constant 14 : index
    %get3A_4 = arith.constant 0 : index
    %get3A_5 = arith.constant 0 : index
    %get3A_6 = memref.load %arg2[%get3A_3, %get3A_4, %get3A_5] : memref<16x1x128xi32, #tpu.memory_space<smem>>
    %add3A = arith.addi %get3A_2, %get3A_6 : i32
    %sub3A = arith.constant 2 : i32
    %sub3A_7 = arith.subi %add3A, %sub3A : i32
    %add3A_8 = arith.constant 0 : i32
    %add3A_9 = arith.addi %sub3A_7, %add3A_8 : i32
    %lt3A = arith.constant 0 : i32
    %lt3A_10 = arith.cmpi slt, %add3A_9, %lt3A : i32
    %add3A_11 = arith.constant 4096 : i32
    %add3A_12 = arith.addi %add3A_9, %add3A_11 : i32
    %select_n3A = arith.select %lt3A_10, %add3A_12, %add3A_9 : i32
    %jit3A = arith.constant 8 : i32
    %div3A = arith.divsi %select_n3A, %jit3A : i32
    %sign3A = arith.constant 0 : i32
    %sign3A_13 = arith.cmpi sgt, %select_n3A, %sign3A : i32
    %sign3A_14 = arith.extui %sign3A_13 : i1 to i32
    %sign3A_15 = arith.constant 0 : i32
    %sign3A_16 = arith.cmpi slt, %select_n3A, %sign3A_15 : i32
    %sign3A_17 = arith.extui %sign3A_16 : i1 to i32
    %sign3A_18 = arith.subi %sign3A_14, %sign3A_17 : i32
    %sign3A_19 = arith.constant 0 : i32
    %sign3A_20 = arith.cmpi sgt, %jit3A, %sign3A_19 : i32
    %sign3A_21 = arith.extui %sign3A_20 : i1 to i32
    %sign3A_22 = arith.constant 0 : i32
    %sign3A_23 = arith.cmpi slt, %jit3A, %sign3A_22 : i32
    %sign3A_24 = arith.extui %sign3A_23 : i1 to i32
    %sign3A_25 = arith.subi %sign3A_21, %sign3A_24 : i32
    %ne3A = arith.cmpi ne, %sign3A_18, %sign3A_25 : i32
    %rem3A = arith.remsi %select_n3A, %jit3A : i32
    %ne3A_26 = arith.constant 0 : i32
    %ne3A_27 = arith.cmpi ne, %rem3A, %ne3A_26 : i32
    %and3A = arith.andi %ne3A, %ne3A_27 : i1
    %sub3A_28 = arith.constant 1 : i32
    %sub3A_29 = arith.subi %div3A, %sub3A_28 : i32
    %select_n3A_30 = arith.select %and3A, %sub3A_29, %div3A : i32
    %c14_i32 = arith.constant 14 : i32
    %c0_i32 = arith.constant 0 : i32
    %c0_i32_31 = arith.constant 0 : i32
    return %c14_i32, %select_n3A_30, %c0_i32 : i32, i32, i32
  }
  func.func @transform_29(%arg0: i32, %arg1: memref<16x8x128xi32, #tpu.memory_space<smem>>, %arg2: memref<16x1x128xi32, #tpu.memory_space<smem>>) -> (i32, i32, i32) {
    %get3A = arith.constant 14 : index
    %get3A_0 = arith.constant 0 : index
    %get3A_1 = arith.constant 0 : index
    %get3A_2 = memref.load %arg1[%get3A, %get3A_0, %get3A_1] : memref<16x8x128xi32, #tpu.memory_space<smem>>
    %get3A_3 = arith.constant 14 : index
    %get3A_4 = arith.constant 0 : index
    %get3A_5 = arith.constant 0 : index
    %get3A_6 = memref.load %arg2[%get3A_3, %get3A_4, %get3A_5] : memref<16x1x128xi32, #tpu.memory_space<smem>>
    %add3A = arith.addi %get3A_2, %get3A_6 : i32
    %sub3A = arith.constant 2 : i32
    %sub3A_7 = arith.subi %add3A, %sub3A : i32
    %add3A_8 = arith.constant 1 : i32
    %add3A_9 = arith.addi %sub3A_7, %add3A_8 : i32
    %lt3A = arith.constant 0 : i32
    %lt3A_10 = arith.cmpi slt, %add3A_9, %lt3A : i32
    %add3A_11 = arith.constant 4096 : i32
    %add3A_12 = arith.addi %add3A_9, %add3A_11 : i32
    %select_n3A = arith.select %lt3A_10, %add3A_12, %add3A_9 : i32
    %jit3A = arith.constant 8 : i32
    %div3A = arith.divsi %select_n3A, %jit3A : i32
    %sign3A = arith.constant 0 : i32
    %sign3A_13 = arith.cmpi sgt, %select_n3A, %sign3A : i32
    %sign3A_14 = arith.extui %sign3A_13 : i1 to i32
    %sign3A_15 = arith.constant 0 : i32
    %sign3A_16 = arith.cmpi slt, %select_n3A, %sign3A_15 : i32
    %sign3A_17 = arith.extui %sign3A_16 : i1 to i32
    %sign3A_18 = arith.subi %sign3A_14, %sign3A_17 : i32
    %sign3A_19 = arith.constant 0 : i32
    %sign3A_20 = arith.cmpi sgt, %jit3A, %sign3A_19 : i32
    %sign3A_21 = arith.extui %sign3A_20 : i1 to i32
    %sign3A_22 = arith.constant 0 : i32
    %sign3A_23 = arith.cmpi slt, %jit3A, %sign3A_22 : i32
    %sign3A_24 = arith.extui %sign3A_23 : i1 to i32
    %sign3A_25 = arith.subi %sign3A_21, %sign3A_24 : i32
    %ne3A = arith.cmpi ne, %sign3A_18, %sign3A_25 : i32
    %rem3A = arith.remsi %select_n3A, %jit3A : i32
    %ne3A_26 = arith.constant 0 : i32
    %ne3A_27 = arith.cmpi ne, %rem3A, %ne3A_26 : i32
    %and3A = arith.andi %ne3A, %ne3A_27 : i1
    %sub3A_28 = arith.constant 1 : i32
    %sub3A_29 = arith.subi %div3A, %sub3A_28 : i32
    %select_n3A_30 = arith.select %and3A, %sub3A_29, %div3A : i32
    %c14_i32 = arith.constant 14 : i32
    %c0_i32 = arith.constant 0 : i32
    %c0_i32_31 = arith.constant 0 : i32
    return %c14_i32, %select_n3A_30, %c0_i32 : i32, i32, i32
  }
  func.func @transform_30(%arg0: i32, %arg1: memref<16x8x128xi32, #tpu.memory_space<smem>>, %arg2: memref<16x1x128xi32, #tpu.memory_space<smem>>) -> (i32, i32, i32) {
    %get3A = arith.constant 15 : index
    %get3A_0 = arith.constant 0 : index
    %get3A_1 = arith.constant 0 : index
    %get3A_2 = memref.load %arg1[%get3A, %get3A_0, %get3A_1] : memref<16x8x128xi32, #tpu.memory_space<smem>>
    %get3A_3 = arith.constant 15 : index
    %get3A_4 = arith.constant 0 : index
    %get3A_5 = arith.constant 0 : index
    %get3A_6 = memref.load %arg2[%get3A_3, %get3A_4, %get3A_5] : memref<16x1x128xi32, #tpu.memory_space<smem>>
    %add3A = arith.addi %get3A_2, %get3A_6 : i32
    %sub3A = arith.constant 2 : i32
    %sub3A_7 = arith.subi %add3A, %sub3A : i32
    %add3A_8 = arith.constant 0 : i32
    %add3A_9 = arith.addi %sub3A_7, %add3A_8 : i32
    %lt3A = arith.constant 0 : i32
    %lt3A_10 = arith.cmpi slt, %add3A_9, %lt3A : i32
    %add3A_11 = arith.constant 4096 : i32
    %add3A_12 = arith.addi %add3A_9, %add3A_11 : i32
    %select_n3A = arith.select %lt3A_10, %add3A_12, %add3A_9 : i32
    %jit3A = arith.constant 8 : i32
    %div3A = arith.divsi %select_n3A, %jit3A : i32
    %sign3A = arith.constant 0 : i32
    %sign3A_13 = arith.cmpi sgt, %select_n3A, %sign3A : i32
    %sign3A_14 = arith.extui %sign3A_13 : i1 to i32
    %sign3A_15 = arith.constant 0 : i32
    %sign3A_16 = arith.cmpi slt, %select_n3A, %sign3A_15 : i32
    %sign3A_17 = arith.extui %sign3A_16 : i1 to i32
    %sign3A_18 = arith.subi %sign3A_14, %sign3A_17 : i32
    %sign3A_19 = arith.constant 0 : i32
    %sign3A_20 = arith.cmpi sgt, %jit3A, %sign3A_19 : i32
    %sign3A_21 = arith.extui %sign3A_20 : i1 to i32
    %sign3A_22 = arith.constant 0 : i32
    %sign3A_23 = arith.cmpi slt, %jit3A, %sign3A_22 : i32
    %sign3A_24 = arith.extui %sign3A_23 : i1 to i32
    %sign3A_25 = arith.subi %sign3A_21, %sign3A_24 : i32
    %ne3A = arith.cmpi ne, %sign3A_18, %sign3A_25 : i32
    %rem3A = arith.remsi %select_n3A, %jit3A : i32
    %ne3A_26 = arith.constant 0 : i32
    %ne3A_27 = arith.cmpi ne, %rem3A, %ne3A_26 : i32
    %and3A = arith.andi %ne3A, %ne3A_27 : i1
    %sub3A_28 = arith.constant 1 : i32
    %sub3A_29 = arith.subi %div3A, %sub3A_28 : i32
    %select_n3A_30 = arith.select %and3A, %sub3A_29, %div3A : i32
    %c15_i32 = arith.constant 15 : i32
    %c0_i32 = arith.constant 0 : i32
    %c0_i32_31 = arith.constant 0 : i32
    return %c15_i32, %select_n3A_30, %c0_i32 : i32, i32, i32
  }
  func.func @transform_31(%arg0: i32, %arg1: memref<16x8x128xi32, #tpu.memory_space<smem>>, %arg2: memref<16x1x128xi32, #tpu.memory_space<smem>>) -> (i32, i32, i32) {
    %get3A = arith.constant 15 : index
    %get3A_0 = arith.constant 0 : index
    %get3A_1 = arith.constant 0 : index
    %get3A_2 = memref.load %arg1[%get3A, %get3A_0, %get3A_1] : memref<16x8x128xi32, #tpu.memory_space<smem>>
    %get3A_3 = arith.constant 15 : index
    %get3A_4 = arith.constant 0 : index
    %get3A_5 = arith.constant 0 : index
    %get3A_6 = memref.load %arg2[%get3A_3, %get3A_4, %get3A_5] : memref<16x1x128xi32, #tpu.memory_space<smem>>
    %add3A = arith.addi %get3A_2, %get3A_6 : i32
    %sub3A = arith.constant 2 : i32
    %sub3A_7 = arith.subi %add3A, %sub3A : i32
    %add3A_8 = arith.constant 1 : i32
    %add3A_9 = arith.addi %sub3A_7, %add3A_8 : i32
    %lt3A = arith.constant 0 : i32
    %lt3A_10 = arith.cmpi slt, %add3A_9, %lt3A : i32
    %add3A_11 = arith.constant 4096 : i32
    %add3A_12 = arith.addi %add3A_9, %add3A_11 : i32
    %select_n3A = arith.select %lt3A_10, %add3A_12, %add3A_9 : i32
    %jit3A = arith.constant 8 : i32
    %div3A = arith.divsi %select_n3A, %jit3A : i32
    %sign3A = arith.constant 0 : i32
    %sign3A_13 = arith.cmpi sgt, %select_n3A, %sign3A : i32
    %sign3A_14 = arith.extui %sign3A_13 : i1 to i32
    %sign3A_15 = arith.constant 0 : i32
    %sign3A_16 = arith.cmpi slt, %select_n3A, %sign3A_15 : i32
    %sign3A_17 = arith.extui %sign3A_16 : i1 to i32
    %sign3A_18 = arith.subi %sign3A_14, %sign3A_17 : i32
    %sign3A_19 = arith.constant 0 : i32
    %sign3A_20 = arith.cmpi sgt, %jit3A, %sign3A_19 : i32
    %sign3A_21 = arith.extui %sign3A_20 : i1 to i32
    %sign3A_22 = arith.constant 0 : i32
    %sign3A_23 = arith.cmpi slt, %jit3A, %sign3A_22 : i32
    %sign3A_24 = arith.extui %sign3A_23 : i1 to i32
    %sign3A_25 = arith.subi %sign3A_21, %sign3A_24 : i32
    %ne3A = arith.cmpi ne, %sign3A_18, %sign3A_25 : i32
    %rem3A = arith.remsi %select_n3A, %jit3A : i32
    %ne3A_26 = arith.constant 0 : i32
    %ne3A_27 = arith.cmpi ne, %rem3A, %ne3A_26 : i32
    %and3A = arith.andi %ne3A, %ne3A_27 : i1
    %sub3A_28 = arith.constant 1 : i32
    %sub3A_29 = arith.subi %div3A, %sub3A_28 : i32
    %select_n3A_30 = arith.select %and3A, %sub3A_29, %div3A : i32
    %c15_i32 = arith.constant 15 : i32
    %c0_i32 = arith.constant 0 : i32
    %c0_i32_31 = arith.constant 0 : i32
    return %c15_i32, %select_n3A_30, %c0_i32 : i32, i32, i32
  }
  func.func @transform_32(%arg0: i32, %arg1: memref<16x8x128xi32, #tpu.memory_space<smem>>, %arg2: memref<16x1x128xi32, #tpu.memory_space<smem>>) -> (i32, i32) {
    %c0_i32 = arith.constant 0 : i32
    %c0_i32_0 = arith.constant 0 : i32
    %c0_i32_1 = arith.constant 0 : i32
    return %c0_i32, %c0_i32_0 : i32, i32
  }
  func.func @transform_33(%arg0: i32, %arg1: memref<16x8x128xi32, #tpu.memory_space<smem>>, %arg2: memref<16x1x128xi32, #tpu.memory_space<smem>>) -> (i32, i32) {
    %c0_i32 = arith.constant 0 : i32
    %c0_i32_0 = arith.constant 0 : i32
    %c0_i32_1 = arith.constant 0 : i32
    return %c0_i32, %c0_i32_0 : i32, i32
  }
}

</mosaic_0001>

<sc_bundles>
// kernel: kernel.5.cloned.1.call-start
scs
__scs_entry_jumppad:
0x0: {  	(pc) =	sbr.rel $0x88, $3  }
0x1: {  	(tag) =	ssettag $0x0;
	lr =	simm.s32 $0x1  }
0x2: {  	[smem:$0x3FA0] =	sst lr;
	_ =	strace $0xD0000000  }
0x3: {  	_ = 	snop  }
0x4: {  	_ = 	snop  }
0x5: {  	_ = 	snop  }
0x6: {  	_ = 	snop  }
0x7: {  	_ = 	snop  }
__scs_overlays_trampoline_lowered:
0x8: {  	[smem:$0x3FAF] =	sst s0  }
0x9: {  	[smem:$0x3FB0] =	sst s1  }
0xa: {  	[smem:$0x3FB1] =	sst s2  }
0xb: {  	[smem:$0x3FB2] =	sst s3  }
0xc: {  	[smem:$0x3FB3] =	sst s4  }
0xd: {  	[smem:$0x3FB4] =	sst s5  }
0xe: {  	[smem:$0x3FB5] =	sst s6  }
0xf: {  	[smem:$0x3FB6] =	sst s7  }
0x10: {  	[smem:$0x3FB7] =	sst s8  }
0x11: {  	[smem:$0x3FB8] =	sst s9;
	s0 =	simm.s32 @!p0 $0x0  }
0x12: {  	s1 =	sld [smem:$0x3F9E];
	s0 =	simm.s32 @p0 $0x1  }
0x13: {  	[smem:$0x3FB9] =	sst s0;
	s0 =	simm.s32 @!p1 $0x0  }
0x14: {  	s2 =	sld [smem:$0x3F9D];
	s0 =	simm.s32 @p1 $0x1  }
0x15: {  	[smem:$0x3FBA] =	sst s0;
	s0 =	simm.s32 @!p2 $0x0  }
0x16: {  	s3 =	sld [smem:$0x3FDB];
	s0 =	simm.s32 @p2 $0x1  }
0x17: {  	s4 =	simm.s32 $0x1BF5;
	[smem:$0x3FBC] =	sst s0  }
0x18: {  	s0 =	sld [smem:$0x3F9F];
	_ =	swait.ge [sflag:s4], $0x0  }
0x19: {  	s7 =	sld [smem:$0x3FA0]  }
0x1a: {  	s8 =	sadd.s32 $0xFFFFE003, lr  }
0x1b: {  	s9 =	sadd.s32 $0xFFFFFEF7, lr;
	s5 =	simm.s32 $0xFFFFFFFF;
	p2 =	slt.u32 s8, $0xFFFFF086  }
0x1c: {  	p1 =	slt.u32 s9, $0xF7A;
	s5 =	simm.s32 @!p2 $0x0  }
0x1d: {  	s5 =	simm.s32 @p1 $0x1;
	p0 =	seq.s32 s7, s2  }
0x1e: {  	s7 =	smul.u32 @!p0 $0xF7A, s2;
	p2 =	seq.s32 @!p0 s5, $0x0  }
0x1f: {  	s9 =	smul.u32 $0xF7A, s1;
	s8 =	simm.s32 @!p0 $0x1BF5;
	p2 =	por !p2, p0  }
0x20: {  	[sflag:s8] =	ssyncset.s32 @!p0 $0xFFFFF086;
	s6 =	sadd.s32 @!p0 s3, s7;
	s7 =	simm.s32 @!p0 $0x108  }
0x21: {  	s3 =	sadd.s32 s3, s9;
	s6 =	sadd.s32 @!p0 $0x88, s6;
	s7 =	simm.s32 @p2 $0x1082  }
0x22: {  	[simem:s7], [sflag:s8] =	dma.local @!p0 [hbm:s6], $0xF7A  }
0x23: {  	s9 =	sor.u32 $0xD0000000, s2;
	s6 =	simm.s32 $0x108;
	_ =	swait.ge @!p0 [sflag:s8], $0x0  }
0x24: {  	s3 =	sadd.s32 $0x88, s3;
	s6 =	simm.s32 @!p1 $0x1082;
	[sflag:s4] =	ssyncset.s32 $0xFFFFF086  }
0x25: {  	[simem:s6], [sflag:s4] =	dma.local [hbm:s3], $0xF7A  }
0x26: {  	[smem:$0x3FA0] =	sst s1;
	(tag) =	ssettag s2;
	_ =	strace s9  }
0x27: {  	s1 =	sld [smem:$0x3FB0]  }
0x28: {  	s2 =	sld [smem:$0x3FB1]  }
0x29: {  	s4 =	sld [smem:$0x3FB3]  }
0x2a: {  	p0 =	seq.s32 s5, $0x0;
	s5 =	sld [smem:$0x3FB4]  }
0x2b: {  	s6 =	sld [smem:$0x3FB5]  }
0x2c: {  	s7 =	sld [smem:$0x3FB6]  }
0x2d: {  	s3 =	simm.s32 $0x108;
	s8 =	sld [smem:$0x3FB7]  }
0x2e: {  	s3 =	simm.s32 @!p0 $0x1082;
	s9 =	sld [smem:$0x3FB8]  }
0x2f: {  	lr =	sadd.s32 s0, s3;
	s0 =	sld [smem:$0x3FAF]  }
0x30: {  	s3 =	sld [smem:$0x3FB2]  }
0x31: {  	[smem:$0x3FBB] =	sst s10  }
0x32: {  	s10 =	sld [smem:$0x3FB9];
	_ =	sdelay $0x3  }
0x33: {  	p0 =	seq.s32 s10, $0x1;
	s10 =	sld [smem:$0x3FBB];
	_ =	sdelay $0x3  }
0x34: {  	[smem:$0x3FBB] =	sst s10  }
0x35: {  	s10 =	sld [smem:$0x3FBA];
	_ =	sdelay $0x3  }
0x36: {  	p1 =	seq.s32 s10, $0x1;
	s10 =	sld [smem:$0x3FBB];
	_ =	sdelay $0x3  }
0x37: {  	[smem:$0x3FBB] =	sst s10  }
0x38: {  	s10 =	sld [smem:$0x3FBC]  }
0x39: {  	_ = 	snop;
	(pc) =	sbr.ind lr, $3  }
0x3a: {  	_ = 	snop  }
0x3b: {  	_ = 	snop  }
0x3c: {  	p2 =	seq.s32 s10, $0x1;
	s10 =	sld [smem:$0x3FBB]  }
0x3d: {  	_ =	shalt  }
0x3e: {  	_ =	shalt  }
0x3f: {  	_ =	shalt  }
0x40: {  	_ =	shalt  }
0x41: {  	_ =	shalt  }
0x42: {  	_ =	shalt  }
0x43: {  	_ =	shalt  }
0x44: {  	_ =	shalt  }
0x45: {  	_ =	shalt  }
0x46: {  	_ =	shalt  }
0x47: {  	_ =	shalt  }
0x48: {  	_ =	shalt  }
0x49: {  	_ =	shalt  }
0x4a: {  	_ =	shalt  }
0x4b: {  	_ =	shalt  }
0x4c: {  	_ =	shalt  }
0x4d: {  	_ =	shalt  }
0x4e: {  	_ =	shalt  }
0x4f: {  	_ =	shalt  }
0x50: {  	_ =	shalt  }
0x51: {  	_ =	shalt  }
0x52: {  	_ =	shalt  }
0x53: {  	_ =	shalt  }
0x54: {  	_ =	shalt  }
0x55: {  	_ =	shalt  }
0x56: {  	_ =	shalt  }
0x57: {  	_ =	shalt  }
0x58: {  	_ =	shalt  }
0x59: {  	_ =	shalt  }
0x5a: {  	_ =	shalt  }
0x5b: {  	_ =	shalt  }
0x5c: {  	_ =	shalt  }
0x5d: {  	_ =	shalt  }
0x5e: {  	_ =	shalt  }
0x5f: {  	_ =	shalt  }
0x60: {  	_ =	shalt  }
0x61: {  	_ =	shalt  }
0x62: {  	_ =	shalt  }
0x63: {  	_ =	shalt  }
0x64: {  	_ =	shalt  }
0x65: {  	_ =	shalt  }
0x66: {  	_ =	shalt  }
0x67: {  	_ =	shalt  }
0x68: {  	_ =	shalt  }
0x69: {  	_ =	shalt  }
0x6a: {  	_ =	shalt  }
0x6b: {  	_ =	shalt  }
0x6c: {  	_ =	shalt  }
0x6d: {  	_ =	shalt  }
0x6e: {  	_ =	shalt  }
0x6f: {  	_ =	shalt  }
0x70: {  	_ =	shalt  }
0x71: {  	_ =	shalt  }
0x72: {  	_ =	shalt  }
0x73: {  	_ =	shalt  }
0x74: {  	_ =	shalt  }
0x75: {  	_ =	shalt  }
0x76: {  	_ =	shalt  }
0x77: {  	_ =	shalt  }
0x78: {  	_ =	shalt  }
0x79: {  	_ =	shalt  }
0x7a: {  	_ =	shalt  }
0x7b: {  	_ =	shalt  }
0x7c: {  	_ =	shalt  }
0x7d: {  	_ =	shalt  }
0x7e: {  	_ =	shalt  }
0x7f: {  	_ =	shalt  }
0x80: {  	_ =	shalt  }
0x81: {  	_ =	shalt  }
0x82: {  	_ =	shalt  }
0x83: {  	_ =	shalt  }
0x84: {  	_ =	shalt  }
0x85: {  	_ =	shalt  }
0x86: {  	_ =	shalt  }
0x87: {  	_ =	shalt  }
.Lfunc_end0:
.L_simem_size_0:
called_computation_lowered:
.L_overlay_start_0:
0x88: {  	s2 =	sld [smem:$0x3FD9]  }
0x89: {  	s3 =	sld [smem:$0x3FFE];
	_ =	sdelay $0x1  }
0x8a: {  	s1 =	srdreg.scid  }
0x8b: {  	s0 =	sand.u32 $0x1, s1  }
0x8c: {  	s15 =	sshll.u32 s0, $0xA;
	s2 =	sadd.s32 s3, s2  }
0x8d: {  	s2 =	sadd.s32 s2, s15  }
0x8e: {  	[smem:$0x3FC7] =	sst s2  }
0x8f: {  	_ = 	snop  }
0x90: {  	s2 =	sld [smem:$0x3FD0];
	_ =	sdelay $0x2  }
0x91: {  	s4 =	simm.s32 $0xA;
	s5 =	simm.s32 $0x10;
	s16 =	sld [smem:$0x3FC9]  }
0x92: {  	[smem:s5], [sflag:s4] =	dma.local [hbm:s2], $0x1  }
0x93: {  	_ =	swait.eq [sflag:s4], $0x1  }
0x94: {  	[sflag:s4] =	ssyncset.done $0x0  }
0x95: {  	[sflag:s4] =	ssyncadd.s32 $0xFFFFFFFF  }
0x96: {  	s17 =	sld [smem:$0x11];
	(tm) =	ssettm $0x1  }
0x97: {  	s18 =	sld [smem:$0x3FFB];
	_ =	sdelay $0x3  }
0x98: {  	_ =	strace s18  }
0x99: {  	s4 =	sld [smem:$0x3FFC];
	_ =	sdelay $0x3  }
0x9a: {  	_ =	strace s4  }
0x9b: {  	s4 =	sld [smem:$0x3FFD];
	_ =	sdelay $0x3  }
0x9c: {  	_ =	strace s4  }
0x9d: {  	_ =	strace $0x8FFFFFFF  }
0x9e: {  	s19 =	sld [smem:$0x3FDB];
	_ =	sdelay $0x1  }
0x9f: {  	s20 =	simm.s32 $_scs_section_size  }
0xa0: {  	s6 =	simm.s32 $_size__tile_overlayer_lowered;
	s7 =	simm.s32 $_tile_overlayer_lowered  }
0xa1: {  	s23 =	simm.s32 $0x1BFF;
	s22 =	sshll.u32 s7, $0x1;
	s4 =	sadd.s32 s20, s19  }
0xa2: {  	s8 =	simm.s32 $0x0;
	s21 =	sshll.u32 s6, $0x1;
	s6 =	sadd.s32 s22, s4  }
0xa3: {  	[timem:s8], [sflag:s23] =	dma.local [hbm:s6], s21  }
0xa4: {  	_ =	swait.ge [sflag:s23], s21  }
0xa5: {  	s5 =	ssub.s32 $0x0, s21;
	[sflag:s23] =	ssyncset.done $0x0  }
0xa6: {  	[sflag:s23] =	ssyncadd.s32 s5;
	_ =	sdelay $0x1  }
0xa7: {  	s24 =	simm.s32 $0x1B8B  }
0xa8: {  	_ =	swait.ge [sflag:s24], $0x1  }
0xa9: {  	[sflag:s24] =	ssyncset.done $0x0  }
0xaa: {  	s25 =	simm.s32 $0x1B8E;
	[sflag:s24] =	ssyncadd.s32 $0xFFFFFFFF  }
0xab: {  	s26 =	simm.s32 $execute0_lowered;
	[smem:$0x3FD2] =	sst s25  }
0xac: {  	s5 =	sshll.u32 s26, $0x1;
	_ =	strace $0x80000046;
	[dreg:$0x1] =	wrdreg $0xFFFFFFFF  }
0xad: {  	s28 =	simm.s32 $_size_execute0_lowered;
	s4 =	sadd.s32 s4, s5;
	[dreg:$0x0] =	wrdreg $0x0  }
0xae: {  	s5 =	sshll.u32 s28, $0x1;
	[dreg:$0x2] =	wrdreg s4  }
0xaf: {  	[dreg:$0x3] =	wrdreg s5  }
0xb0: {  	[dreg:$0x4] =	wrdreg $0xC0  }
0xb1: {  	_ =	task [dreg:s8], $0x5FFFF  }
0xb2: {  	[dreg:$0x1] =	wrdreg $0xFFFFFFFF  }
0xb3: {  	[dreg:$0x0] =	wrdreg $0x60  }
0xb4: {  	[dreg:$0x2] =	wrdreg s16  }
0xb5: {  	[dreg:$0x3] =	wrdreg s17  }
0xb6: {  	[dreg:$0x4] =	wrdreg $0x1C1000  }
0xb7: {  	[dreg:$0x5] =	wrdreg $0x1C1100  }
0xb8: {  	[dreg:$0x6] =	wrdreg $0x9  }
0xb9: {  	_ =	task.clear_ibuf [dreg:s8], $0x7FFFF;
	_ =	strace $0x90000046  }
0xba: {  	s29 =	simm.s32 $0x9;
	_ =	strace $0x80000048  }
0xbb: {  	_ =	swait.ge [sflag:s29], $0x1  }
0xbc: {  	[sflag:s29] =	ssyncadd.s32 $0xFFFFFFFF  }
0xbd: {  	_ =	strace $0x90000048  }
0xbe: {  	_ =	sfence  }
0xbf: {  	s30 =	sld [smem:$0x0];
	_ =	sdelay $0x2  }
0xc0: {  	s31 =	sshll.u32 s1, $0xD;
	s1 =	sshrl.u32 s1, $0x2  }
0xc1: {  	s3 =	sand.u32 $0x4000, s31;
	s1 =	sadd.s32 s1, s30  }
0xc2: {  	s0 =	sor.u32 s3, s0;
	s1 =	sshll.u32 s1, $0x11  }
0xc3: {  	s0 =	sor.u32 s1, s0  }
0xc4: {  	s0 =	sadd.s32 $0x8F2B, s0  }
0xc5: {  	[sflag:s0] =	ssyncadd.remote.s32 $0x1  }
0xc6: {  	_ =	sfence.sel $0xFFFF  }
0xc7: {  	[dreg:$0x0] =	wrdreg $0xFFFFFFFF;
	(pc) =	sbr.abs _section_cstart, $3  }
0xc8: {  	[dreg:$0x1] =	wrdreg $0xFFFFFFFF  }
0xc9: {  	_ =	task.clear_ibuf [dreg:s8], $0x2FFFF;
	_ =	strace $0x9FFFFFFF  }
0xca: {  	(tm) =	ssettm $0x7FFFFFFF  }
0xcb: {  	_ =	shalt  }
tec
execute0_lowered:
.L_overlay_start_1:
0x0: {  	(tag) =	ssettag $0x1  }
0x1: {  	s3 =	rddreg [dreg:$0x0]  }
0x2: {  	s7 =	rddreg [dreg:$0x1]  }
0x3: {  	s5 =	rddreg [dreg:$0x2]  }
0x4: {  	s14 =	rddreg [dreg:$0x3]  }
0x5: {  	s1 =	srdreg.scid;
	s0 =	stileid.u32  }
0x6: {  	s2 =	simm.s32 $0x0;
	s12 =	simm.s32 $0x1C000;
	s13 =	simm.s32 $0x1C080  }
0x7: {  	s15 =	simm.s32 $0x0;
	s8 =	sand.u32 $0x1, s1;
	s1 =	rddreg [dreg:$0x4]  }
0x8: {  	s6 =	sshrl.u32 s0, $0x1;
	s9 =	sand.u32 $0x1, s0;
	[smem:$0x7FF] =	sst s2  }
0x9: {  	s31 =	sshll.u32 s0, $0x7;
	s4 =	sshll.u32 s8, $0x19;
	s10 =	sshll.u32 s6, $0x16  }
0xa: {  	s11 =	smul.u32 $0xE0000, s9;
	s29 =	ssub.s32 $0x2, s8;
	_ =	strace $0x80000047  }
0xb: {  	s6 =	sshll.u32 s6, $0xA;
	s8 =	sshll.u32 s8, $0xA;
	p0 =	seq.s32 s9, $0x0  }
0xc: {  	s9 =	simm.s32 $0x400;
	s4 =	sor.u32 s4, s10;
	s30 =	sshrl.u32 s29, $0x1  }
0xd: {  	s6 =	sadd.s32 s6, s14;
	s7 =	sadd.s32 s7, s8;
	p1 =	sne.s32 @p0 s0, $0x0  }
0xe: {  	s4 =	sor.u32 s11, s4;
	s10 =	ssub.s32 s29, s30;
	s11 =	sxor.u32 $0x80, s31  }
0xf: {  	p1 =	por p1, !p0;
	s4 =	sshrl.u32 s4, $0x3;
	s8 =	smax.u32 s10, $0x1  }
0x10: {  	v0 =	vlaneseq.u32;
	s10 =	simm.s32 $0x2000;
	s14 =	sshrl.u32 @!p1 s14, $0x3;
	s3 =	sadd.s32 s3, s4  }
0x11: {  	v1 =	vimm.s32 $0x0;
	vm0 =	vmmov $0x1;
	v0 =	vmul.u32 $0x100, v0;
	s4 =	sadd.s32 s31, s5;
	s5 =	sadd.s32 s11, s5;
	s11 =	simm.s32 $0x1  }
.LBB2_1:
0x12: {  	v2 =	vmov s2  }
0x13: {  	v2 =	vshll.u32 v2, $0x8  }
0x14: {  	v2 =	vor.u32 v0, v2  }
0x15: {  	[tilespmem:s2], [sflag:$0x1] =	stream.strided.gather [hbm4b:s3+s9], $0x1C000, s10, s9, $0x38;
	v2 =	vor.u32 $0x80, v2;
	[tilespmem:$0x1C310] =	vst v63  }
0x16: {  	s16 =	simm.s32 $0x10  }
0x17: {  	_ =	swait.ge [sflag:s11], $0x1C000;
	v3 =	vmov s16  }
0x18: {  	[sflag:s11] =	ssyncset.done $0x0;
	v3 =	vshll.u32 v3, $0x8  }
0x19: {  	[sflag:s11] =	ssyncadd.s32 $0xFFFE4000;
	v4 =	vor.u32 v0, v3  }
0x1a: {  	v4 =	vor.u32 $0x80, v4;
	v3 =	vld.idx.msk [tilespmem:v2+s2+$0x0], $0xffff;
	_ =	sdelay $0x1  }
0x1b: {  	s16 =	simm.s32 $0x20;
	v2 =	vimm.s32 $0x0  }
.LBB2_2:
0x1c: {  	v5 =	vmov s16;
	p2 =	sne.s32 s16, $0x1B0;
	s16 =	sadd.s32 $0x10, s16  }
.Ltmp0:
0x1d: {  	v5 =	vshll.u32 v5, $0x8;
	(pc) =	sbr.rel @p2 .LBB2_2-.Ltmp0, $4  }
0x1e: {  	vm1 =	vlt.f32 v3, $0.0e+00;
	vm2 =	vgt.f32 v3, $0.0e+00;
	v5 =	vor.u32 v0, v5;
	v3 =	vld.idx.msk [tilespmem:v4+s2+$0x0], $0xffff  }
0x1f: {  	vm1 =	vmor vm2, vm1;
	v4 =	vor.u32 $0x80, v5  }
0x20: {  	v5 =	vsel vm1, $0x1, v1  }
0x21: {  	v2 =	vadd.s32 v5, v2  }
0x22: {  	_ =	sdelay $0x3  }
0x23: {  	v4 =	vld.idx.msk [tilespmem:v4+s2+$0x0], $0xffff;
	_ =	sdelay $0x3  }
0x24: {  	vm1 =	vlt.f32 v3, $0.0e+00;
	vm2 =	vgt.f32 v3, $0.0e+00  }
0x25: {  	vm1 =	vmor vm2, vm1;
	vm2 =	vlt.f32 v4, $0.0e+00;
	vm3 =	vgt.f32 v4, $0.0e+00  }
0x26: {  	v3 =	vsel vm1, $0x1, v1;
	vm1 =	vmor vm3, vm2  }
0x27: {  	v2 =	vadd.s32 v3, v2;
	v3 =	vsel vm1, $0x1, v1  }
0x28: {  	v2 =	vadd.s32 v3, v2  }
0x29: {  	[tilespmem:$0x1C000] =	vst v2  }
0x2a: {  	[spmem:s4] =	stream.linear.scatter [tilespmem:s12], [sflag:$0x1], $0x80, $0x38;
	[tilespmem:$0x1C310] =	vst v63  }
0x2b: {  	_ =	swait.ge [sflag:s11], $0x80  }
0x2c: {  	[sflag:s11] =	ssyncset.done $0x0  }
0x2d: {  	[sflag:s11] =	ssyncadd.s32 $0xFFFFFF80  }
0x2e: {  	[bflag:$0x0] =	sbarrier.arrive $0xFFFF  }
0x2f: {  	[tilespmem:s13], [sflag:$0x1] =	stream.linear.gather [spmem:s5], $0x80, $0x38;
	[tilespmem:$0x1C310] =	vst v63  }
0x30: {  	_ =	swait.ge [sflag:s11], $0x80  }
0x31: {  	[sflag:s11] =	ssyncset.done $0x0  }
0x32: {  	[sflag:s11] =	ssyncadd.s32 $0xFFFFFF80  }
0x33: {  	v2 =	vld [tilespmem:$0x1C000]  }
0x34: {  	v3 =	vld [tilespmem:$0x1C080];
	_ =	sdelay $0x4  }
0x35: {  	v2 =	vadd.s32 v2, v3  }
0x36: {  	(xrf0) =	vadd.scan.msk.s32 $0xffff, v2;
	_ =	sdelay $0x5  }
0x37: {  	v2, _, _ =	vpop (xrf0)  }
0x38: {  	v2 =	vbroadcast v2, $0xF;
	_ =	sdelay $0x1  }
0x39: {  	v2 =	vnsel vm0, $0x0, v2  }
0x3a: {  	s16 =	simm.s32 @p0 $0x1C000;
	[tilespmem:$0x1C000] =	vst v2  }
0x3b: {  	[spmem:s6] =	stream.linear.scatter @p0 [tilespmem:s16], [sflag:$0x1], $0x10, $0x38;
	[tilespmem:$0x1C310] =	vst v63  }
0x3c: {  	s16 =	simm.s32 @p0 $0x1  }
0x3d: {  	_ =	swait.ge @p0 [sflag:s16], $0x10  }
0x3e: {  	[sflag:s16] =	ssyncset.done @p0 $0x0  }
0x3f: {  	[sflag:s16] =	ssyncadd.s32 @p0 $0xFFFFFFF0  }
0x40: {  	s15 =	sadd.s32 $0x1, s15;
	s16 =	simm.s32 @!p1 $0x1C01;
	[bflag:$0x0] =	sbarrier.arrive @p0 $0xFFFF  }
0x41: {  	[hbm:s7], [sflag:s16] =	dma.local @!p1 [spmem:s14], $0x400  }
0x42: {  	p2 =	sne.s32 s15, s8;
	s16 =	simm.s32 @!p1 $0x1  }
.Ltmp1:
0x43: {  	_ =	swait.ge @!p1 [sflag:s16], $0x400;
	(pc) =	sbr.rel @p2 .LBB2_1-.Ltmp1, $3  }
0x44: {  	[sflag:s16] =	ssyncset.done @!p1 $0x0  }
0x45: {  	[sflag:s16] =	ssyncadd.s32 @!p1 $0xFFFFFC00  }
0x46: {  	[bflag:$0x0] =	sbarrier.arrive @!p0 $0xFFFF;
	_ =	sdelay $0x1  }
0x47: {  	_ =	sfence.sel $0x180000  }
0x48: {  	[bflag:$0x0] =	sbarrier.arrive $0xFFFF  }
0x49: {  	p0 =	sne.s32 s0, $0x0;
	_ =	strace $0x90000047  }
0x4a: {  	s0 =	sadd.s32 @!p0 $0x100000, s1;
	[bflag:$0x2] =	sbarrier.arrive $0xFFFF  }
0x4b: {  	[sflag:s0] =	ssyncadd.tile.s32 @!p0 $0x1;
	_ =	shalt  }
.Lfunc_end2:
_tile_overlayer_lowered:
.L_overlay_start_2:
0x4c: {  	(tag) =	ssettag $0x2  }
0x4d: {  	s0 =	rddreg [dreg:$0x0];
	s2 =	stileid.u32  }
0x4e: {  	s1 =	rddreg [dreg:$0x1];
	p0 =	sne.s32 s2, $0x0  }
0x4f: {  	s3 =	rddreg [dreg:$0x2];
	[bflag:$0x3] =	sbarrier.arrive $0xFFFF;
	s2 =	simm.s32 @!p0 $0x1C01  }
0x50: {  	[timem:s3], [sflag:s2] =	dma.local @!p0 [hbm:s0], s1  }
0x51: {  	s0 =	simm.s32 @!p0 $0x1  }
0x52: {  	_ =	swait.ge @!p0 [sflag:s0], s1  }
0x53: {  	s1 =	ssub.s32 @!p0 $0x0, s1;
	[sflag:s0] =	ssyncset.done @!p0 $0x0  }
0x54: {  	[sflag:s0] =	ssyncadd.s32 @!p0 s1  }
0x55: {  	[bflag:$0x3] =	sbarrier.arrive $0xFFFF  }
0x56: {  	_ =	shalt  }

</sc_bundles>
